<compile_context>
chip_gen: v7x
topology: tpu7x:2x2x1
jax: 0.10.2.dev20260603
libtpu: 0.0.44.dev20260713+nightly
codegen_flags: <defaults>
</compile_context>

<pallas_src>
import functools

import jax
import jax.numpy as jnp
from jax import lax
from jax.experimental import pallas as pl
from jax.experimental.pallas import tpu as pltpu
from jax.experimental.pallas import tpu_sc as plsc

NN = 10000
EE = 320000
DD = 128
HH = 32
CC = 64
NC = 2
NS = 16
NW = NC * NS
CH = 128
NB = 5
NCH = 160
EPW = NCH * CH
EPAD = NS * EPW
NCHD = EPAD // (NW * CH)
NTRASH = 112
NACC = NN + NTRASH
RPS = NACC // NS
RB = 2000
GRID = NN // RB

_MESH = plsc.VectorSubcoreMesh(
    core_axis_name="c", subcore_axis_name="s", num_cores=NC, num_subcores=NS)



@functools.partial(
    pl.kernel,
    out_type=jax.ShapeDtypeStruct((NACC, DD), jnp.float32),
    mesh=_MESH,
    scratch_types=[
        pltpu.VMEM((NCHD, CH), jnp.int32),
        pltpu.VMEM((CH, 16), jnp.float32),
        pltpu.VMEM_SHARED((NACC, 16), jnp.float32),
        [pltpu.SemaphoreType.DMA] * 4,
    ],
    compiler_params=pltpu.CompilerParams(use_tc_tiling_on_sc=False, disable_bounds_checks=True, disable_semaphore_checks=True),
)
def _deg_kernel(dst_hbm, ones_hbm, zeros_hbm, out_hbm, idx_d, ones_v, acc, sems):
    c = lax.axis_index("c")
    s = lax.axis_index("s")
    wid = s * NC + c
    pltpu.async_copy(dst_hbm.at[wid], idx_d, sems[0])
    pltpu.async_copy(ones_hbm, ones_v, sems[1])
    pltpu.async_copy(zeros_hbm.at[pl.ds(s * RPS, RPS)],
                     acc.at[pl.ds(s * RPS, RPS)], sems[2])
    pltpu.make_async_copy(dst_hbm.at[wid], idx_d, sems[0]).wait()
    pltpu.make_async_copy(ones_hbm, ones_v, sems[1]).wait()
    pltpu.make_async_copy(zeros_hbm.at[pl.ds(s * RPS, RPS)],
                          acc.at[pl.ds(s * RPS, RPS)], sems[2]).wait()
    plsc.subcore_barrier()

    for b in range(4):
        pltpu.async_copy(ones_v, acc.at[idx_d.at[b]], sems[b], add=True)

    def step(i, carry):
        j = i * 4
        for b in range(4):
            pltpu.make_async_copy(ones_v, acc.at[idx_d.at[j + b]],
                                  sems[b]).wait()
            pltpu.async_copy(ones_v, acc.at[idx_d.at[j + 4 + b]], sems[b],
                             add=True)
        return carry

    lax.fori_loop(0, NCHD // 4 - 1, step, 0)
    for b in range(4):
        pltpu.make_async_copy(ones_v, acc.at[idx_d.at[NCHD - 4 + b]],
                              sems[b]).wait()
    plsc.subcore_barrier()
    pltpu.sync_copy(acc.at[pl.ds(s * RPS, RPS)],
                    out_hbm.at[pl.ds(s * RPS, RPS), pl.ds(c * 16, 16)])


def _make_agg(width, nb):

    @functools.partial(
        pl.kernel,
        out_type=jax.ShapeDtypeStruct((NACC, DD), jnp.float32),
        mesh=_MESH,
        scratch_types=[
            pltpu.VMEM((NCH, CH), jnp.int32),
            pltpu.VMEM((NCH, CH), jnp.int32),
            [pltpu.VMEM((CH, width), jnp.float32)] * nb,
            pltpu.VMEM_SHARED((NACC, width), jnp.float32),
            [pltpu.SemaphoreType.DMA] * nb,
            [pltpu.SemaphoreType.DMA] * nb,
        ],
        compiler_params=pltpu.CompilerParams(use_tc_tiling_on_sc=False, disable_bounds_checks=True, disable_semaphore_checks=True),
    )
    def agg(src_hbm, dst_hbm, table_hbm, zeros_hbm, out_hbm,
            idx_s, idx_d, rows, acc, gsem, ssem):
        c = lax.axis_index("c")
        s = lax.axis_index("s")
        pltpu.async_copy(src_hbm.at[s], idx_s, gsem[0])
        pltpu.async_copy(dst_hbm.at[s], idx_d, gsem[1])
        pltpu.async_copy(zeros_hbm.at[pl.ds(s * RPS, RPS)],
                         acc.at[pl.ds(s * RPS, RPS)], gsem[2])
        pltpu.make_async_copy(src_hbm.at[s], idx_s, gsem[0]).wait()
        pltpu.make_async_copy(dst_hbm.at[s], idx_d, gsem[1]).wait()
        pltpu.make_async_copy(zeros_hbm.at[pl.ds(s * RPS, RPS)],
                              acc.at[pl.ds(s * RPS, RPS)], gsem[2]).wait()
        plsc.subcore_barrier()
        table = table_hbm.at[c]

        for b in range(nb):
            pltpu.async_copy(table.at[idx_s.at[b]], rows[b], gsem[b])

        def step(i, carry):
            j = i * nb
            for b in range(nb):
                pltpu.make_async_copy(table.at[idx_s.at[j + b]], rows[b],
                                      gsem[b]).wait()
                pltpu.async_copy(rows[b], acc.at[idx_d.at[j + b]], ssem[b],
                                 add=True)
            for b in range(nb):
                pltpu.make_async_copy(rows[b], acc.at[idx_d.at[j + b]],
                                      ssem[b]).wait()
                pltpu.async_copy(table.at[idx_s.at[j + nb + b]], rows[b],
                                 gsem[b])
            return carry

        lax.fori_loop(0, NCH // nb - 1, step, 0)
        last = NCH - nb
        for b in range(nb):
            pltpu.make_async_copy(table.at[idx_s.at[last + b]], rows[b],
                                  gsem[b]).wait()
            pltpu.sync_copy(rows[b], acc.at[idx_d.at[last + b]], add=True)
        plsc.subcore_barrier()
        pltpu.sync_copy(acc.at[pl.ds(s * RPS, RPS)],
                        out_hbm.at[pl.ds(s * RPS, RPS),
                                   pl.ds(c * width, width)])

    return agg


_agg128 = _make_agg(DD // 2, NB)
_agg64 = _make_agg(CC // 2, 8)



def _dinv(degp_blk):
    deg = degp_blk[:, 0:1] + degp_blk[:, 16:17] + 1.0
    return lax.rsqrt(deg)


def _tc1_body(x_ref, wa, wb, wc, wd, degp_ref, u_ref):
    dinv = _dinv(degp_ref[...])
    W = jnp.concatenate([wa[...], wb[...], wc[...], wd[...]], axis=1)
    U = dinv * jnp.dot(x_ref[...], W,
                       precision=lax.Precision.HIGHEST,
                       preferred_element_type=jnp.float32)
    u_ref[0] = U[:, 0:DD // 2]
    u_ref[1] = U[:, DD // 2:DD]


def _tc1(x, W1a, W1b, W2a, W2b, degp):
    return pl.pallas_call(
        _tc1_body,
        grid=(GRID,),
        in_specs=[
            pl.BlockSpec((RB, DD), lambda i: (i, 0)),
            pl.BlockSpec((DD, HH), lambda i: (0, 0)),
            pl.BlockSpec((DD, HH), lambda i: (0, 0)),
            pl.BlockSpec((DD, HH), lambda i: (0, 0)),
            pl.BlockSpec((DD, HH), lambda i: (0, 0)),
            pl.BlockSpec((RB, DD), lambda i: (i, 0)),
        ],
        out_specs=pl.BlockSpec((NC, RB, DD // 2), lambda i: (0, i, 0)),
        out_shape=jax.ShapeDtypeStruct((NC, NN, DD // 2), jnp.float32),
    )(x, W1a, W1b, W2a, W2b, degp)


def _tc2_body(sp_ref, u_ref, degp_ref, b1a, b1b, b2a, b2b, wc1, wc2,
              h1_ref, h2_ref, h3_ref, h4_ref, x1_ref, x2_ref, u2_ref):
    dinv = _dinv(degp_ref[...])
    bstack = jnp.concatenate([b1a[...], b1b[...], b2a[...], b2b[...]], axis=1)
    U = jnp.concatenate([u_ref[0], u_ref[1]], axis=1)
    Y = dinv * (sp_ref[...] + U) + bstack
    Yact = jnp.maximum(Y, 0.0)
    h1_ref[...] = Yact[:, 0:HH]
    h2_ref[...] = Yact[:, HH:2 * HH]
    h3_ref[...] = Yact[:, 2 * HH:3 * HH]
    h4_ref[...] = Yact[:, 3 * HH:4 * HH]
    x1 = Yact[:, 0:HH] + Yact[:, HH:2 * HH]
    x2 = Yact[:, 2 * HH:3 * HH] + Yact[:, 3 * HH:4 * HH]
    x1_ref[...] = x1
    x2_ref[...] = x2
    U2 = dinv * jnp.dot(x1 + x2, wc1[...] + wc2[...],
                        precision=lax.Precision.HIGHEST,
                        preferred_element_type=jnp.float32)
    u2_ref[0] = U2[:, 0:CC // 2]
    u2_ref[1] = U2[:, CC // 2:CC]


def _tc2(Sp, U, degp, b1a, b1b, b2a, b2b, Wc1, Wc2):
    hspec = pl.BlockSpec((RB, HH), lambda i: (i, 0))
    hshape = jax.ShapeDtypeStruct((NN, HH), jnp.float32)
    return pl.pallas_call(
        _tc2_body,
        grid=(GRID,),
        in_specs=[
            pl.BlockSpec((RB, DD), lambda i: (i, 0)),
            pl.BlockSpec((NC, RB, DD // 2), lambda i: (0, i, 0)),
            pl.BlockSpec((RB, DD), lambda i: (i, 0)),
            pl.BlockSpec((1, HH), lambda i: (0, 0)),
            pl.BlockSpec((1, HH), lambda i: (0, 0)),
            pl.BlockSpec((1, HH), lambda i: (0, 0)),
            pl.BlockSpec((1, HH), lambda i: (0, 0)),
            pl.BlockSpec((HH, CC), lambda i: (0, 0)),
            pl.BlockSpec((HH, CC), lambda i: (0, 0)),
        ],
        out_specs=[hspec, hspec, hspec, hspec, hspec, hspec,
                   pl.BlockSpec((NC, RB, CC // 2), lambda i: (0, i, 0))],
        out_shape=[hshape, hshape, hshape, hshape, hshape, hshape,
                   jax.ShapeDtypeStruct((NC, NN, CC // 2), jnp.float32)],
    )(Sp, U, degp, b1a, b1b, b2a, b2b, Wc1, Wc2)


def _tc3_body(s2p_ref, u2_ref, degp_ref, bc1, bc2, out_ref):
    dinv = _dinv(degp_ref[...])
    U2 = jnp.concatenate([u2_ref[0], u2_ref[1]], axis=1)
    ctot = dinv * (s2p_ref[:, 0:CC] + U2) + (bc1[...] + bc2[...])
    m = jnp.max(ctot, axis=1, keepdims=True)
    lse = m + jnp.log(jnp.sum(jnp.exp(ctot - m), axis=1, keepdims=True))
    out_ref[...] = ctot - lse


def _tc3(S2p, U2, degp, bc1, bc2):
    return pl.pallas_call(
        _tc3_body,
        grid=(GRID,),
        in_specs=[
            pl.BlockSpec((RB, DD), lambda i: (i, 0)),
            pl.BlockSpec((NC, RB, CC // 2), lambda i: (0, i, 0)),
            pl.BlockSpec((RB, DD), lambda i: (i, 0)),
            pl.BlockSpec((1, CC), lambda i: (0, 0)),
            pl.BlockSpec((1, CC), lambda i: (0, 0)),
        ],
        out_specs=pl.BlockSpec((RB, CC), lambda i: (i, 0)),
        out_shape=jax.ShapeDtypeStruct((NN, CC), jnp.float32),
    )(S2p, U2, degp, bc1, bc2)



def kernel(x, edge_index, train_mask,
           W1a, b1a, W1b, b1b, W2a, b2a, W2b, b2b, Wc1, bc1, Wc2, bc2):
    src0 = edge_index[0]
    dst0 = edge_index[1]
    pad = EPAD - EE
    ar = jnp.arange(pad, dtype=jnp.int32)
    pad_src = (ar * 997) % NN
    pad_dst = NN + (ar % NTRASH)
    src_p = jnp.concatenate([src0, pad_src])
    dst_p = jnp.concatenate([dst0, pad_dst])
    src3 = src_p.reshape(NS, NCH, CH)
    dst3 = dst_p.reshape(NS, NCH, CH)
    dst3w = dst_p.reshape(NW, NCHD, CH)

    ones16 = jnp.ones((CH, 16), jnp.float32)
    zeros16 = jnp.zeros((NACC, 16), jnp.float32)
    zeros64 = jnp.zeros((NACC, DD // 2), jnp.float32)
    zeros32 = jnp.zeros((NACC, CC // 2), jnp.float32)

    degp = _deg_kernel(dst3w, ones16, zeros16)
    U = _tc1(x, W1a, W1b, W2a, W2b, degp)
    Sp = _agg128(src3, dst3, U, zeros64)
    h1, h2, h3, h4, x1, x2, U2 = _tc2(
        Sp, U, degp,
        b1a.reshape(1, HH), b1b.reshape(1, HH),
        b2a.reshape(1, HH), b2b.reshape(1, HH), Wc1, Wc2)
    S2p = _agg64(src3, dst3, U2, zeros32)
    out = _tc3(S2p, U2, degp, bc1.reshape(1, CC), bc2.reshape(1, CC))
    return (out, h1, h2, h3, h4, x1, x2)

# --- scband reference (transcript-rebuilt; emitter-appended) ---
"""Pipeline reference for scband-net-80530636800127 (READ-ONLY COPY).

The authoritative reference and input builder live on the scoring server;
editing this copy changes nothing except your own understanding.
"""

import jax, jax.numpy as jnp
import numpy as np

N = 10000
E = 320000
D = 128
H = 32
C = 64


def gcn(x, src, dst, n, W, b):
    # PyG GCNConv with add_self_loops already applied to (src, dst):
    # deg computed on dst, symmetric normalization, linear transform, scatter-add aggregate.
    deg = jnp.zeros((n,), x.dtype).at[dst].add(jnp.ones_like(dst, dtype=x.dtype))
    dinv = jnp.where(deg > 0, jax.lax.rsqrt(jnp.maximum(deg, 1e-12)), 0.0)
    norm = (dinv[src] * dinv[dst])[:, None]
    h = x @ W
    out = jnp.zeros((n, W.shape[1]), x.dtype).at[dst].add(h[src] * norm)
    return out + b


def setup_inputs(seed: int = 0) -> dict:
    key = jax.random.key(seed)
    ks = jax.random.split(key, 16)
    x = jax.random.normal(ks[0], (N, D), dtype=jnp.float32)
    edge_index = jax.random.randint(ks[1], (2, E), 0, N, dtype=jnp.int32)
    train_mask = jnp.zeros((N,), dtype=bool)
    s = 0.1
    W1a = jax.random.normal(ks[2], (D, H), jnp.float32) * s
    b1a = jnp.zeros((H,), jnp.float32)
    W1b = jax.random.normal(ks[3], (D, H), jnp.float32) * s
    b1b = jnp.zeros((H,), jnp.float32)
    W2a = jax.random.normal(ks[4], (D, H), jnp.float32) * s
    b2a = jnp.zeros((H,), jnp.float32)
    W2b = jax.random.normal(ks[5], (D, H), jnp.float32) * s
    b2b = jnp.zeros((H,), jnp.float32)
    Wc1 = jax.random.normal(ks[6], (H, C), jnp.float32) * s
    bc1 = jnp.zeros((C,), jnp.float32)
    Wc2 = jax.random.normal(ks[7], (H, C), jnp.float32) * s
    bc2 = jnp.zeros((C,), jnp.float32)
    return {"x": x, "edge_index": edge_index, "train_mask": train_mask,
            "W1a": W1a, "b1a": b1a, "W1b": W1b, "b1b": b1b,
            "W2a": W2a, "b2a": b2a, "W2b": W2b, "b2b": b2b,
            "Wc1": Wc1, "bc1": bc1, "Wc2": Wc2, "bc2": bc2}


def reference(x, edge_index, train_mask, W1a, b1a, W1b, b1b, W2a, b2a, W2b, b2b, Wc1, bc1, Wc2, bc2):
    src0 = edge_index[0]
    dst0 = edge_index[1]
    loops = jnp.arange(N, dtype=src0.dtype)
    src = jnp.concatenate([src0, loops])
    dst = jnp.concatenate([dst0, loops])
    # CRD 1 (dropout is identity in eval mode)
    h1 = jax.nn.relu(gcn(x, src, dst, N, W1a, b1a))
    h2 = jax.nn.relu(gcn(x, src, dst, N, W1b, b1b))
    x1 = h1 + h2
    # CRD 2
    h3 = jax.nn.relu(gcn(x, src, dst, N, W2a, b2a))
    h4 = jax.nn.relu(gcn(x, src, dst, N, W2b, b2b))
    x2 = h3 + h4
    # CLS
    xin = x1 + x2
    c1 = gcn(xin, src, dst, N, Wc1, bc1)
    c2 = gcn(xin, src, dst, N, Wc2, bc2)
    out = jax.nn.log_softmax(c1 + c2, axis=1)
    return (out, h1, h2, h3, h4, x1, x2)

if __name__ == "__main__":
    import jax
    _d = setup_inputs()
    print(jax.jit(kernel)(*tuple(_d.values())))

</pallas_src>

<mosaic_0001>
#map = affine_map<(d0, d1) -> (0, 0, 0)>
#map1 = affine_map<(d0, d1) -> (0, 0)>
module attributes {stable_mosaic.version = 14 : i64} {
  func.func @_deg_kernel(%arg0: i32, %arg1: i32, %arg2: memref<32x80x128xi32, #tpu.memory_space<hbm>>, %arg3: memref<128x16xf32, #tpu.memory_space<hbm>>, %arg4: memref<10112x16xf32, #tpu.memory_space<hbm>>, %arg5: memref<10112x128xf32, #tpu.memory_space<hbm>>, %arg6: memref<80x128xi32, #tpu.memory_space<vmem>>, %arg7: memref<128x16xf32, #tpu.memory_space<vmem>>, %arg8: memref<10112x16xf32, #tpu.memory_space<vmem_shared>>, %arg9: memref<!tpu.dma_semaphore, #tpu.memory_space<semaphore_mem>>, %arg10: memref<!tpu.dma_semaphore, #tpu.memory_space<semaphore_mem>>, %arg11: memref<!tpu.dma_semaphore, #tpu.memory_space<semaphore_mem>>, %arg12: memref<!tpu.dma_semaphore, #tpu.memory_space<semaphore_mem>>) attributes {dimension_semantics = [#tpu.dimension_semantics<core_parallel>, #tpu.dimension_semantics<subcore_parallel>], iteration_bounds = array<i64: 2, 16>, scalar_prefetch = 0 : i64, scratch_operands = 7 : i64, tpu.core_type = #tpu.core_type<sc_vector_subcore>, window_params = [{transform_indices = #map}, {transform_indices = #map1}, {transform_indices = #map1}, {transform_indices = #map1}]} {
    %mul3A = arith.constant 2 : i32
    %mul3A_0 = arith.muli %arg1, %mul3A : i32
    %add3A = arith.addi %mul3A_0, %arg0 : i32
    %dma_start3A = arith.constant 0 : i32
    %dma_start3A_1 = arith.constant 0 : i32
    %dma_start3A_2 = tpu.memref_slice %arg2[%add3A, %dma_start3A, %dma_start3A_1] : memref<32x80x128xi32, #tpu.memory_space<hbm>> -> memref<1x80x128xi32, #tpu.memory_space<hbm>>
    %dma_start3A_3 = tpu.memref_squeeze %dma_start3A_2 : memref<1x80x128xi32, #tpu.memory_space<hbm>> -> memref<80x128xi32, #tpu.memory_space<hbm>>
    %dma_start3A_4 = arith.constant 0 : i32
    %dma_start3A_5 = arith.constant 0 : i32
    %dma_start3A_6 = tpu.memref_slice %arg2[%add3A, %dma_start3A_4, %dma_start3A_5] : memref<32x80x128xi32, #tpu.memory_space<hbm>> -> memref<1x80x128xi32, #tpu.memory_space<hbm>>
    %dma_start3A_7 = tpu.memref_squeeze %dma_start3A_6 : memref<1x80x128xi32, #tpu.memory_space<hbm>> -> memref<80x128xi32, #tpu.memory_space<hbm>>
    tpu.enqueue_dma source(%dma_start3A_7 : memref<80x128xi32, #tpu.memory_space<hbm>>) target(%arg6 : memref<80x128xi32, #tpu.memory_space<vmem>>) target_semaphore(%arg9 : memref<!tpu.dma_semaphore, #tpu.memory_space<semaphore_mem>>)
    tpu.enqueue_dma source(%arg3 : memref<128x16xf32, #tpu.memory_space<hbm>>) target(%arg7 : memref<128x16xf32, #tpu.memory_space<vmem>>) target_semaphore(%arg10 : memref<!tpu.dma_semaphore, #tpu.memory_space<semaphore_mem>>)
    %mul3A_8 = arith.constant 632 : i32
    %mul3A_9 = arith.muli %arg1, %mul3A_8 : i32
    %mul3A_10 = arith.constant 632 : i32
    %mul3A_11 = arith.muli %arg1, %mul3A_10 : i32
    %dma_start3A_12 = arith.constant 0 : i32
    %dma_start3A_13 = tpu.memref_slice %arg8[%mul3A_11, %dma_start3A_12] : memref<10112x16xf32, #tpu.memory_space<vmem_shared>> -> memref<632x16xf32, #tpu.memory_space<vmem_shared>>
    %dma_start3A_14 = arith.constant 0 : i32
    %dma_start3A_15 = tpu.memref_slice %arg4[%mul3A_9, %dma_start3A_14] : memref<10112x16xf32, #tpu.memory_space<hbm>> -> memref<632x16xf32, #tpu.memory_space<hbm>>
    tpu.enqueue_dma source(%dma_start3A_15 : memref<632x16xf32, #tpu.memory_space<hbm>>) target(%dma_start3A_13 : memref<632x16xf32, #tpu.memory_space<vmem_shared>>) target_semaphore(%arg11 : memref<!tpu.dma_semaphore, #tpu.memory_space<semaphore_mem>>)
    %dma_wait3A = arith.constant 0 : i32
    %dma_wait3A_16 = arith.constant 0 : i32
    %dma_wait3A_17 = tpu.memref_slice %arg2[%add3A, %dma_wait3A, %dma_wait3A_16] : memref<32x80x128xi32, #tpu.memory_space<hbm>> -> memref<1x80x128xi32, #tpu.memory_space<hbm>>
    %dma_wait3A_18 = tpu.memref_squeeze %dma_wait3A_17 : memref<1x80x128xi32, #tpu.memory_space<hbm>> -> memref<80x128xi32, #tpu.memory_space<hbm>>
    %dma_wait3A_19 = arith.constant 0 : i32
    %dma_wait3A_20 = arith.constant 0 : i32
    %dma_wait3A_21 = tpu.memref_slice %arg2[%add3A, %dma_wait3A_19, %dma_wait3A_20] : memref<32x80x128xi32, #tpu.memory_space<hbm>> -> memref<1x80x128xi32, #tpu.memory_space<hbm>>
    %dma_wait3A_22 = tpu.memref_squeeze %dma_wait3A_21 : memref<1x80x128xi32, #tpu.memory_space<hbm>> -> memref<80x128xi32, #tpu.memory_space<hbm>>
    tpu.wait_dma2 semaphore(%arg9 : memref<!tpu.dma_semaphore, #tpu.memory_space<semaphore_mem>>) src(%dma_wait3A_22 : memref<80x128xi32, #tpu.memory_space<hbm>>) dst(%arg6 : memref<80x128xi32, #tpu.memory_space<vmem>>)
    tpu.wait_dma2 semaphore(%arg10 : memref<!tpu.dma_semaphore, #tpu.memory_space<semaphore_mem>>) src(%arg3 : memref<128x16xf32, #tpu.memory_space<hbm>>) dst(%arg7 : memref<128x16xf32, #tpu.memory_space<vmem>>)
    %mul3A_23 = arith.constant 632 : i32
    %mul3A_24 = arith.muli %arg1, %mul3A_23 : i32
    %mul3A_25 = arith.constant 632 : i32
    %mul3A_26 = arith.muli %arg1, %mul3A_25 : i32
    %dma_wait3A_27 = arith.constant 0 : i32
    %dma_wait3A_28 = tpu.memref_slice %arg8[%mul3A_26, %dma_wait3A_27] : memref<10112x16xf32, #tpu.memory_space<vmem_shared>> -> memref<632x16xf32, #tpu.memory_space<vmem_shared>>
    %dma_wait3A_29 = arith.constant 0 : i32
    %dma_wait3A_30 = tpu.memref_slice %arg4[%mul3A_24, %dma_wait3A_29] : memref<10112x16xf32, #tpu.memory_space<hbm>> -> memref<632x16xf32, #tpu.memory_space<hbm>>
    tpu.wait_dma2 semaphore(%arg11 : memref<!tpu.dma_semaphore, #tpu.memory_space<semaphore_mem>>) src(%dma_wait3A_30 : memref<632x16xf32, #tpu.memory_space<hbm>>) dst(%dma_wait3A_28 : memref<632x16xf32, #tpu.memory_space<vmem_shared>>)
    %barrier3A = arith.constant 0 : index
    tpu.barrier barrier_id(%barrier3A)
    %dma_start3A_31 = arith.constant 0 : i32
    %dma_start3A_32 = arith.constant 0 : i32
    %dma_start3A_33 = tpu.memref_slice %arg6[%dma_start3A_31, %dma_start3A_32] : memref<80x128xi32, #tpu.memory_space<vmem>> -> memref<1x128xi32, #tpu.memory_space<vmem>>
    %dma_start3A_34 = tpu.memref_squeeze %dma_start3A_33 : memref<1x128xi32, #tpu.memory_space<vmem>> -> memref<128xi32, #tpu.memory_space<vmem>>
    %dma_start3A_35 = arith.constant 0 : i32
    %dma_start3A_36 = arith.constant 0 : i32
    %dma_start3A_37 = tpu.memref_slice %arg8[%dma_start3A_35, %dma_start3A_36] : memref<10112x16xf32, #tpu.memory_space<vmem_shared>> -> memref<10112x16xf32, #tpu.memory_space<vmem_shared>>
    tpu.enqueue_indirect_dma source(%arg7 : memref<128x16xf32, #tpu.memory_space<vmem>>) target(%dma_start3A_37 : memref<10112x16xf32, #tpu.memory_space<vmem_shared>>) offsets(%dma_start3A_34 : memref<128xi32, #tpu.memory_space<vmem>>) semaphore(%arg9 : memref<!tpu.dma_semaphore, #tpu.memory_space<semaphore_mem>>) {add = true}
    %dma_start3A_38 = arith.constant 1 : i32
    %dma_start3A_39 = arith.constant 0 : i32
    %dma_start3A_40 = tpu.memref_slice %arg6[%dma_start3A_38, %dma_start3A_39] : memref<80x128xi32, #tpu.memory_space<vmem>> -> memref<1x128xi32, #tpu.memory_space<vmem>>
    %dma_start3A_41 = tpu.memref_squeeze %dma_start3A_40 : memref<1x128xi32, #tpu.memory_space<vmem>> -> memref<128xi32, #tpu.memory_space<vmem>>
    %dma_start3A_42 = arith.constant 0 : i32
    %dma_start3A_43 = arith.constant 0 : i32
    %dma_start3A_44 = tpu.memref_slice %arg8[%dma_start3A_42, %dma_start3A_43] : memref<10112x16xf32, #tpu.memory_space<vmem_shared>> -> memref<10112x16xf32, #tpu.memory_space<vmem_shared>>
    tpu.enqueue_indirect_dma source(%arg7 : memref<128x16xf32, #tpu.memory_space<vmem>>) target(%dma_start3A_44 : memref<10112x16xf32, #tpu.memory_space<vmem_shared>>) offsets(%dma_start3A_41 : memref<128xi32, #tpu.memory_space<vmem>>) semaphore(%arg10 : memref<!tpu.dma_semaphore, #tpu.memory_space<semaphore_mem>>) {add = true}
    %dma_start3A_45 = arith.constant 2 : i32
    %dma_start3A_46 = arith.constant 0 : i32
    %dma_start3A_47 = tpu.memref_slice %arg6[%dma_start3A_45, %dma_start3A_46] : memref<80x128xi32, #tpu.memory_space<vmem>> -> memref<1x128xi32, #tpu.memory_space<vmem>>
    %dma_start3A_48 = tpu.memref_squeeze %dma_start3A_47 : memref<1x128xi32, #tpu.memory_space<vmem>> -> memref<128xi32, #tpu.memory_space<vmem>>
    %dma_start3A_49 = arith.constant 0 : i32
    %dma_start3A_50 = arith.constant 0 : i32
    %dma_start3A_51 = tpu.memref_slice %arg8[%dma_start3A_49, %dma_start3A_50] : memref<10112x16xf32, #tpu.memory_space<vmem_shared>> -> memref<10112x16xf32, #tpu.memory_space<vmem_shared>>
    tpu.enqueue_indirect_dma source(%arg7 : memref<128x16xf32, #tpu.memory_space<vmem>>) target(%dma_start3A_51 : memref<10112x16xf32, #tpu.memory_space<vmem_shared>>) offsets(%dma_start3A_48 : memref<128xi32, #tpu.memory_space<vmem>>) semaphore(%arg11 : memref<!tpu.dma_semaphore, #tpu.memory_space<semaphore_mem>>) {add = true}
    %dma_start3A_52 = arith.constant 3 : i32
    %dma_start3A_53 = arith.constant 0 : i32
    %dma_start3A_54 = tpu.memref_slice %arg6[%dma_start3A_52, %dma_start3A_53] : memref<80x128xi32, #tpu.memory_space<vmem>> -> memref<1x128xi32, #tpu.memory_space<vmem>>
    %dma_start3A_55 = tpu.memref_squeeze %dma_start3A_54 : memref<1x128xi32, #tpu.memory_space<vmem>> -> memref<128xi32, #tpu.memory_space<vmem>>
    %dma_start3A_56 = arith.constant 0 : i32
    %dma_start3A_57 = arith.constant 0 : i32
    %dma_start3A_58 = tpu.memref_slice %arg8[%dma_start3A_56, %dma_start3A_57] : memref<10112x16xf32, #tpu.memory_space<vmem_shared>> -> memref<10112x16xf32, #tpu.memory_space<vmem_shared>>
    tpu.enqueue_indirect_dma source(%arg7 : memref<128x16xf32, #tpu.memory_space<vmem>>) target(%dma_start3A_58 : memref<10112x16xf32, #tpu.memory_space<vmem_shared>>) offsets(%dma_start3A_55 : memref<128xi32, #tpu.memory_space<vmem>>) semaphore(%arg12 : memref<!tpu.dma_semaphore, #tpu.memory_space<semaphore_mem>>) {add = true}
    %scan3A = arith.constant 0 : i32
    %scan3A_59 = arith.constant 0 : i32
    %scan3A_60 = arith.constant 19 : i32
    %scan3A_61 = arith.addi %scan3A_59, %scan3A_60 : i32
    %scan3A_62 = arith.constant 1 : i32
    scf.for %scan3A_99 = %scan3A_59 to %scan3A_61 step %scan3A_62  : i32 {
      %mul3A_100 = arith.constant 4 : i32
      %mul3A_101 = arith.muli %scan3A_99, %mul3A_100 : i32
      %add3A_102 = arith.constant 0 : i32
      %add3A_103 = arith.addi %mul3A_101, %add3A_102 : i32
      %dma_wait3A_104 = arith.constant 0 : i32
      %dma_wait3A_105 = tpu.memref_slice %arg6[%add3A_103, %dma_wait3A_104] : memref<80x128xi32, #tpu.memory_space<vmem>> -> memref<1x128xi32, #tpu.memory_space<vmem>>
      %dma_wait3A_106 = tpu.memref_squeeze %dma_wait3A_105 : memref<1x128xi32, #tpu.memory_space<vmem>> -> memref<128xi32, #tpu.memory_space<vmem>>
      %dma_wait3A_107 = arith.constant 0 : i32
      %dma_wait3A_108 = arith.constant 0 : i32
      %dma_wait3A_109 = tpu.memref_slice %arg8[%dma_wait3A_107, %dma_wait3A_108] : memref<10112x16xf32, #tpu.memory_space<vmem_shared>> -> memref<10112x16xf32, #tpu.memory_space<vmem_shared>>
      tpu.wait_indirect_dma semaphore(%arg9 : memref<!tpu.dma_semaphore, #tpu.memory_space<semaphore_mem>>) src(%arg7 : memref<128x16xf32, #tpu.memory_space<vmem>>) dst(%dma_wait3A_109 : memref<10112x16xf32, #tpu.memory_space<vmem_shared>>)
      %add3A_110 = arith.constant 4 : i32
      %add3A_111 = arith.addi %mul3A_101, %add3A_110 : i32
      %add3A_112 = arith.constant 0 : i32
      %add3A_113 = arith.addi %add3A_111, %add3A_112 : i32
      %dma_start3A_114 = arith.constant 0 : i32
      %dma_start3A_115 = tpu.memref_slice %arg6[%add3A_113, %dma_start3A_114] : memref<80x128xi32, #tpu.memory_space<vmem>> -> memref<1x128xi32, #tpu.memory_space<vmem>>
      %dma_start3A_116 = tpu.memref_squeeze %dma_start3A_115 : memref<1x128xi32, #tpu.memory_space<vmem>> -> memref<128xi32, #tpu.memory_space<vmem>>
      %dma_start3A_117 = arith.constant 0 : i32
      %dma_start3A_118 = arith.constant 0 : i32
      %dma_start3A_119 = tpu.memref_slice %arg8[%dma_start3A_117, %dma_start3A_118] : memref<10112x16xf32, #tpu.memory_space<vmem_shared>> -> memref<10112x16xf32, #tpu.memory_space<vmem_shared>>
      tpu.enqueue_indirect_dma source(%arg7 : memref<128x16xf32, #tpu.memory_space<vmem>>) target(%dma_start3A_119 : memref<10112x16xf32, #tpu.memory_space<vmem_shared>>) offsets(%dma_start3A_116 : memref<128xi32, #tpu.memory_space<vmem>>) semaphore(%arg9 : memref<!tpu.dma_semaphore, #tpu.memory_space<semaphore_mem>>) {add = true}
      %add3A_120 = arith.constant 1 : i32
      %add3A_121 = arith.addi %mul3A_101, %add3A_120 : i32
      %dma_wait3A_122 = arith.constant 0 : i32
      %dma_wait3A_123 = tpu.memref_slice %arg6[%add3A_121, %dma_wait3A_122] : memref<80x128xi32, #tpu.memory_space<vmem>> -> memref<1x128xi32, #tpu.memory_space<vmem>>
      %dma_wait3A_124 = tpu.memref_squeeze %dma_wait3A_123 : memref<1x128xi32, #tpu.memory_space<vmem>> -> memref<128xi32, #tpu.memory_space<vmem>>
      %dma_wait3A_125 = arith.constant 0 : i32
      %dma_wait3A_126 = arith.constant 0 : i32
      %dma_wait3A_127 = tpu.memref_slice %arg8[%dma_wait3A_125, %dma_wait3A_126] : memref<10112x16xf32, #tpu.memory_space<vmem_shared>> -> memref<10112x16xf32, #tpu.memory_space<vmem_shared>>
      tpu.wait_indirect_dma semaphore(%arg10 : memref<!tpu.dma_semaphore, #tpu.memory_space<semaphore_mem>>) src(%arg7 : memref<128x16xf32, #tpu.memory_space<vmem>>) dst(%dma_wait3A_127 : memref<10112x16xf32, #tpu.memory_space<vmem_shared>>)
      %add3A_128 = arith.constant 4 : i32
      %add3A_129 = arith.addi %mul3A_101, %add3A_128 : i32
      %add3A_130 = arith.constant 1 : i32
      %add3A_131 = arith.addi %add3A_129, %add3A_130 : i32
      %dma_start3A_132 = arith.constant 0 : i32
      %dma_start3A_133 = tpu.memref_slice %arg6[%add3A_131, %dma_start3A_132] : memref<80x128xi32, #tpu.memory_space<vmem>> -> memref<1x128xi32, #tpu.memory_space<vmem>>
      %dma_start3A_134 = tpu.memref_squeeze %dma_start3A_133 : memref<1x128xi32, #tpu.memory_space<vmem>> -> memref<128xi32, #tpu.memory_space<vmem>>
      %dma_start3A_135 = arith.constant 0 : i32
      %dma_start3A_136 = arith.constant 0 : i32
      %dma_start3A_137 = tpu.memref_slice %arg8[%dma_start3A_135, %dma_start3A_136] : memref<10112x16xf32, #tpu.memory_space<vmem_shared>> -> memref<10112x16xf32, #tpu.memory_space<vmem_shared>>
      tpu.enqueue_indirect_dma source(%arg7 : memref<128x16xf32, #tpu.memory_space<vmem>>) target(%dma_start3A_137 : memref<10112x16xf32, #tpu.memory_space<vmem_shared>>) offsets(%dma_start3A_134 : memref<128xi32, #tpu.memory_space<vmem>>) semaphore(%arg10 : memref<!tpu.dma_semaphore, #tpu.memory_space<semaphore_mem>>) {add = true}
      %add3A_138 = arith.constant 2 : i32
      %add3A_139 = arith.addi %mul3A_101, %add3A_138 : i32
      %dma_wait3A_140 = arith.constant 0 : i32
      %dma_wait3A_141 = tpu.memref_slice %arg6[%add3A_139, %dma_wait3A_140] : memref<80x128xi32, #tpu.memory_space<vmem>> -> memref<1x128xi32, #tpu.memory_space<vmem>>
      %dma_wait3A_142 = tpu.memref_squeeze %dma_wait3A_141 : memref<1x128xi32, #tpu.memory_space<vmem>> -> memref<128xi32, #tpu.memory_space<vmem>>
      %dma_wait3A_143 = arith.constant 0 : i32
      %dma_wait3A_144 = arith.constant 0 : i32
      %dma_wait3A_145 = tpu.memref_slice %arg8[%dma_wait3A_143, %dma_wait3A_144] : memref<10112x16xf32, #tpu.memory_space<vmem_shared>> -> memref<10112x16xf32, #tpu.memory_space<vmem_shared>>
      tpu.wait_indirect_dma semaphore(%arg11 : memref<!tpu.dma_semaphore, #tpu.memory_space<semaphore_mem>>) src(%arg7 : memref<128x16xf32, #tpu.memory_space<vmem>>) dst(%dma_wait3A_145 : memref<10112x16xf32, #tpu.memory_space<vmem_shared>>)
      %add3A_146 = arith.constant 4 : i32
      %add3A_147 = arith.addi %mul3A_101, %add3A_146 : i32
      %add3A_148 = arith.constant 2 : i32
      %add3A_149 = arith.addi %add3A_147, %add3A_148 : i32
      %dma_start3A_150 = arith.constant 0 : i32
      %dma_start3A_151 = tpu.memref_slice %arg6[%add3A_149, %dma_start3A_150] : memref<80x128xi32, #tpu.memory_space<vmem>> -> memref<1x128xi32, #tpu.memory_space<vmem>>
      %dma_start3A_152 = tpu.memref_squeeze %dma_start3A_151 : memref<1x128xi32, #tpu.memory_space<vmem>> -> memref<128xi32, #tpu.memory_space<vmem>>
      %dma_start3A_153 = arith.constant 0 : i32
      %dma_start3A_154 = arith.constant 0 : i32
      %dma_start3A_155 = tpu.memref_slice %arg8[%dma_start3A_153, %dma_start3A_154] : memref<10112x16xf32, #tpu.memory_space<vmem_shared>> -> memref<10112x16xf32, #tpu.memory_space<vmem_shared>>
      tpu.enqueue_indirect_dma source(%arg7 : memref<128x16xf32, #tpu.memory_space<vmem>>) target(%dma_start3A_155 : memref<10112x16xf32, #tpu.memory_space<vmem_shared>>) offsets(%dma_start3A_152 : memref<128xi32, #tpu.memory_space<vmem>>) semaphore(%arg11 : memref<!tpu.dma_semaphore, #tpu.memory_space<semaphore_mem>>) {add = true}
      %add3A_156 = arith.constant 3 : i32
      %add3A_157 = arith.addi %mul3A_101, %add3A_156 : i32
      %dma_wait3A_158 = arith.constant 0 : i32
      %dma_wait3A_159 = tpu.memref_slice %arg6[%add3A_157, %dma_wait3A_158] : memref<80x128xi32, #tpu.memory_space<vmem>> -> memref<1x128xi32, #tpu.memory_space<vmem>>
      %dma_wait3A_160 = tpu.memref_squeeze %dma_wait3A_159 : memref<1x128xi32, #tpu.memory_space<vmem>> -> memref<128xi32, #tpu.memory_space<vmem>>
      %dma_wait3A_161 = arith.constant 0 : i32
      %dma_wait3A_162 = arith.constant 0 : i32
      %dma_wait3A_163 = tpu.memref_slice %arg8[%dma_wait3A_161, %dma_wait3A_162] : memref<10112x16xf32, #tpu.memory_space<vmem_shared>> -> memref<10112x16xf32, #tpu.memory_space<vmem_shared>>
      tpu.wait_indirect_dma semaphore(%arg12 : memref<!tpu.dma_semaphore, #tpu.memory_space<semaphore_mem>>) src(%arg7 : memref<128x16xf32, #tpu.memory_space<vmem>>) dst(%dma_wait3A_163 : memref<10112x16xf32, #tpu.memory_space<vmem_shared>>)
      %add3A_164 = arith.constant 4 : i32
      %add3A_165 = arith.addi %mul3A_101, %add3A_164 : i32
      %add3A_166 = arith.constant 3 : i32
      %add3A_167 = arith.addi %add3A_165, %add3A_166 : i32
      %dma_start3A_168 = arith.constant 0 : i32
      %dma_start3A_169 = tpu.memref_slice %arg6[%add3A_167, %dma_start3A_168] : memref<80x128xi32, #tpu.memory_space<vmem>> -> memref<1x128xi32, #tpu.memory_space<vmem>>
      %dma_start3A_170 = tpu.memref_squeeze %dma_start3A_169 : memref<1x128xi32, #tpu.memory_space<vmem>> -> memref<128xi32, #tpu.memory_space<vmem>>
      %dma_start3A_171 = arith.constant 0 : i32
      %dma_start3A_172 = arith.constant 0 : i32
      %dma_start3A_173 = tpu.memref_slice %arg8[%dma_start3A_171, %dma_start3A_172] : memref<10112x16xf32, #tpu.memory_space<vmem_shared>> -> memref<10112x16xf32, #tpu.memory_space<vmem_shared>>
      tpu.enqueue_indirect_dma source(%arg7 : memref<128x16xf32, #tpu.memory_space<vmem>>) target(%dma_start3A_173 : memref<10112x16xf32, #tpu.memory_space<vmem_shared>>) offsets(%dma_start3A_170 : memref<128xi32, #tpu.memory_space<vmem>>) semaphore(%arg12 : memref<!tpu.dma_semaphore, #tpu.memory_space<semaphore_mem>>) {add = true}
    }
    %scan3A_63 = arith.constant 19 : i32
    %dma_wait3A_64 = arith.constant 76 : i32
    %dma_wait3A_65 = arith.constant 0 : i32
    %dma_wait3A_66 = tpu.memref_slice %arg6[%dma_wait3A_64, %dma_wait3A_65] : memref<80x128xi32, #tpu.memory_space<vmem>> -> memref<1x128xi32, #tpu.memory_space<vmem>>
    %dma_wait3A_67 = tpu.memref_squeeze %dma_wait3A_66 : memref<1x128xi32, #tpu.memory_space<vmem>> -> memref<128xi32, #tpu.memory_space<vmem>>
    %dma_wait3A_68 = arith.constant 0 : i32
    %dma_wait3A_69 = arith.constant 0 : i32
    %dma_wait3A_70 = tpu.memref_slice %arg8[%dma_wait3A_68, %dma_wait3A_69] : memref<10112x16xf32, #tpu.memory_space<vmem_shared>> -> memref<10112x16xf32, #tpu.memory_space<vmem_shared>>
    tpu.wait_indirect_dma semaphore(%arg9 : memref<!tpu.dma_semaphore, #tpu.memory_space<semaphore_mem>>) src(%arg7 : memref<128x16xf32, #tpu.memory_space<vmem>>) dst(%dma_wait3A_70 : memref<10112x16xf32, #tpu.memory_space<vmem_shared>>)
    %dma_wait3A_71 = arith.constant 77 : i32
    %dma_wait3A_72 = arith.constant 0 : i32
    %dma_wait3A_73 = tpu.memref_slice %arg6[%dma_wait3A_71, %dma_wait3A_72] : memref<80x128xi32, #tpu.memory_space<vmem>> -> memref<1x128xi32, #tpu.memory_space<vmem>>
    %dma_wait3A_74 = tpu.memref_squeeze %dma_wait3A_73 : memref<1x128xi32, #tpu.memory_space<vmem>> -> memref<128xi32, #tpu.memory_space<vmem>>
    %dma_wait3A_75 = arith.constant 0 : i32
    %dma_wait3A_76 = arith.constant 0 : i32
    %dma_wait3A_77 = tpu.memref_slice %arg8[%dma_wait3A_75, %dma_wait3A_76] : memref<10112x16xf32, #tpu.memory_space<vmem_shared>> -> memref<10112x16xf32, #tpu.memory_space<vmem_shared>>
    tpu.wait_indirect_dma semaphore(%arg10 : memref<!tpu.dma_semaphore, #tpu.memory_space<semaphore_mem>>) src(%arg7 : memref<128x16xf32, #tpu.memory_space<vmem>>) dst(%dma_wait3A_77 : memref<10112x16xf32, #tpu.memory_space<vmem_shared>>)
    %dma_wait3A_78 = arith.constant 78 : i32
    %dma_wait3A_79 = arith.constant 0 : i32
    %dma_wait3A_80 = tpu.memref_slice %arg6[%dma_wait3A_78, %dma_wait3A_79] : memref<80x128xi32, #tpu.memory_space<vmem>> -> memref<1x128xi32, #tpu.memory_space<vmem>>
    %dma_wait3A_81 = tpu.memref_squeeze %dma_wait3A_80 : memref<1x128xi32, #tpu.memory_space<vmem>> -> memref<128xi32, #tpu.memory_space<vmem>>
    %dma_wait3A_82 = arith.constant 0 : i32
    %dma_wait3A_83 = arith.constant 0 : i32
    %dma_wait3A_84 = tpu.memref_slice %arg8[%dma_wait3A_82, %dma_wait3A_83] : memref<10112x16xf32, #tpu.memory_space<vmem_shared>> -> memref<10112x16xf32, #tpu.memory_space<vmem_shared>>
    tpu.wait_indirect_dma semaphore(%arg11 : memref<!tpu.dma_semaphore, #tpu.memory_space<semaphore_mem>>) src(%arg7 : memref<128x16xf32, #tpu.memory_space<vmem>>) dst(%dma_wait3A_84 : memref<10112x16xf32, #tpu.memory_space<vmem_shared>>)
    %dma_wait3A_85 = arith.constant 79 : i32
    %dma_wait3A_86 = arith.constant 0 : i32
    %dma_wait3A_87 = tpu.memref_slice %arg6[%dma_wait3A_85, %dma_wait3A_86] : memref<80x128xi32, #tpu.memory_space<vmem>> -> memref<1x128xi32, #tpu.memory_space<vmem>>
    %dma_wait3A_88 = tpu.memref_squeeze %dma_wait3A_87 : memref<1x128xi32, #tpu.memory_space<vmem>> -> memref<128xi32, #tpu.memory_space<vmem>>
    %dma_wait3A_89 = arith.constant 0 : i32
    %dma_wait3A_90 = arith.constant 0 : i32
    %dma_wait3A_91 = tpu.memref_slice %arg8[%dma_wait3A_89, %dma_wait3A_90] : memref<10112x16xf32, #tpu.memory_space<vmem_shared>> -> memref<10112x16xf32, #tpu.memory_space<vmem_shared>>
    tpu.wait_indirect_dma semaphore(%arg12 : memref<!tpu.dma_semaphore, #tpu.memory_space<semaphore_mem>>) src(%arg7 : memref<128x16xf32, #tpu.memory_space<vmem>>) dst(%dma_wait3A_91 : memref<10112x16xf32, #tpu.memory_space<vmem_shared>>)
    %barrier3A_92 = arith.constant 0 : index
    tpu.barrier barrier_id(%barrier3A_92)
    %mul3A_93 = arith.constant 632 : i32
    %mul3A_94 = arith.muli %arg1, %mul3A_93 : i32
    %mul3A_95 = arith.constant 632 : i32
    %mul3A_96 = arith.muli %arg1, %mul3A_95 : i32
    %mul3A_97 = arith.constant 16 : i32
    %mul3A_98 = arith.muli %arg0, %mul3A_97 : i32
    "tpu.region"() ({
      %run_scoped3A = tpu.sem_alloc : memref<!tpu.dma_semaphore, #tpu.memory_space<semaphore_mem>>
      %dma_start3A_99 = tpu.memref_slice %arg5[%mul3A_96, %mul3A_98] : memref<10112x128xf32, #tpu.memory_space<hbm>> -> memref<632x16xf32, #tpu.memory_space<hbm>>
      %dma_start3A_100 = arith.constant 0 : i32
      %dma_start3A_101 = tpu.memref_slice %arg8[%mul3A_94, %dma_start3A_100] : memref<10112x16xf32, #tpu.memory_space<vmem_shared>> -> memref<632x16xf32, #tpu.memory_space<vmem_shared>>
      tpu.enqueue_dma source(%dma_start3A_101 : memref<632x16xf32, #tpu.memory_space<vmem_shared>>) target(%dma_start3A_99 : memref<632x16xf32, #tpu.memory_space<hbm>>) target_semaphore(%run_scoped3A : memref<!tpu.dma_semaphore, #tpu.memory_space<semaphore_mem>>)
      %dma_wait3A_102 = tpu.memref_slice %arg5[%mul3A_96, %mul3A_98] : memref<10112x128xf32, #tpu.memory_space<hbm>> -> memref<632x16xf32, #tpu.memory_space<hbm>>
      %dma_wait3A_103 = arith.constant 0 : i32
      %dma_wait3A_104 = tpu.memref_slice %arg8[%mul3A_94, %dma_wait3A_103] : memref<10112x16xf32, #tpu.memory_space<vmem_shared>> -> memref<632x16xf32, #tpu.memory_space<vmem_shared>>
      tpu.wait_dma2 semaphore(%run_scoped3A : memref<!tpu.dma_semaphore, #tpu.memory_space<semaphore_mem>>) src(%dma_wait3A_104 : memref<632x16xf32, #tpu.memory_space<vmem_shared>>) dst(%dma_wait3A_102 : memref<632x16xf32, #tpu.memory_space<hbm>>)
      tpu.yield
    }) : () -> ()
    return
  }
}

#map = affine_map<(d0, d1) -> (0, 0, 0)>
#map1 = affine_map<(d0, d1) -> (0, 0)>
module attributes {stable_mosaic.version = 14 : i64} {
  func.func @agg(%arg0: i32, %arg1: i32, %arg2: memref<16x160x128xi32, #tpu.memory_space<hbm>>, %arg3: memref<16x160x128xi32, #tpu.memory_space<hbm>>, %arg4: memref<2x10000x32xf32, #tpu.memory_space<hbm>>, %arg5: memref<10112x32xf32, #tpu.memory_space<hbm>>, %arg6: memref<10112x128xf32, #tpu.memory_space<hbm>>, %arg7: memref<160x128xi32, #tpu.memory_space<vmem>>, %arg8: memref<160x128xi32, #tpu.memory_space<vmem>>, %arg9: memref<128x32xf32, #tpu.memory_space<vmem>>, %arg10: memref<128x32xf32, #tpu.memory_space<vmem>>, %arg11: memref<128x32xf32, #tpu.memory_space<vmem>>, %arg12: memref<128x32xf32, #tpu.memory_space<vmem>>, %arg13: memref<128x32xf32, #tpu.memory_space<vmem>>, %arg14: memref<128x32xf32, #tpu.memory_space<vmem>>, %arg15: memref<128x32xf32, #tpu.memory_space<vmem>>, %arg16: memref<128x32xf32, #tpu.memory_space<vmem>>, %arg17: memref<10112x32xf32, #tpu.memory_space<vmem_shared>>, %arg18: memref<!tpu.dma_semaphore, #tpu.memory_space<semaphore_mem>>, %arg19: memref<!tpu.dma_semaphore, #tpu.memory_space<semaphore_mem>>, %arg20: memref<!tpu.dma_semaphore, #tpu.memory_space<semaphore_mem>>, %arg21: memref<!tpu.dma_semaphore, #tpu.memory_space<semaphore_mem>>, %arg22: memref<!tpu.dma_semaphore, #tpu.memory_space<semaphore_mem>>, %arg23: memref<!tpu.dma_semaphore, #tpu.memory_space<semaphore_mem>>, %arg24: memref<!tpu.dma_semaphore, #tpu.memory_space<semaphore_mem>>, %arg25: memref<!tpu.dma_semaphore, #tpu.memory_space<semaphore_mem>>, %arg26: memref<!tpu.dma_semaphore, #tpu.memory_space<semaphore_mem>>, %arg27: memref<!tpu.dma_semaphore, #tpu.memory_space<semaphore_mem>>, %arg28: memref<!tpu.dma_semaphore, #tpu.memory_space<semaphore_mem>>, %arg29: memref<!tpu.dma_semaphore, #tpu.memory_space<semaphore_mem>>, %arg30: memref<!tpu.dma_semaphore, #tpu.memory_space<semaphore_mem>>, %arg31: memref<!tpu.dma_semaphore, #tpu.memory_space<semaphore_mem>>, %arg32: memref<!tpu.dma_semaphore, #tpu.memory_space<semaphore_mem>>, %arg33: memref<!tpu.dma_semaphore, #tpu.memory_space<semaphore_mem>>) attributes {dimension_semantics = [#tpu.dimension_semantics<core_parallel>, #tpu.dimension_semantics<subcore_parallel>], iteration_bounds = array<i64: 2, 16>, scalar_prefetch = 0 : i64, scratch_operands = 27 : i64, tpu.core_type = #tpu.core_type<sc_vector_subcore>, window_params = [{transform_indices = #map}, {transform_indices = #map}, {transform_indices = #map}, {transform_indices = #map1}, {transform_indices = #map1}]} {
    %dma_start3A = arith.constant 0 : i32
    %dma_start3A_0 = arith.constant 0 : i32
    %dma_start3A_1 = tpu.memref_slice %arg2[%arg1, %dma_start3A, %dma_start3A_0] : memref<16x160x128xi32, #tpu.memory_space<hbm>> -> memref<1x160x128xi32, #tpu.memory_space<hbm>>
    %dma_start3A_2 = tpu.memref_squeeze %dma_start3A_1 : memref<1x160x128xi32, #tpu.memory_space<hbm>> -> memref<160x128xi32, #tpu.memory_space<hbm>>
    %dma_start3A_3 = arith.constant 0 : i32
    %dma_start3A_4 = arith.constant 0 : i32
    %dma_start3A_5 = tpu.memref_slice %arg2[%arg1, %dma_start3A_3, %dma_start3A_4] : memref<16x160x128xi32, #tpu.memory_space<hbm>> -> memref<1x160x128xi32, #tpu.memory_space<hbm>>
    %dma_start3A_6 = tpu.memref_squeeze %dma_start3A_5 : memref<1x160x128xi32, #tpu.memory_space<hbm>> -> memref<160x128xi32, #tpu.memory_space<hbm>>
    tpu.enqueue_dma source(%dma_start3A_6 : memref<160x128xi32, #tpu.memory_space<hbm>>) target(%arg7 : memref<160x128xi32, #tpu.memory_space<vmem>>) target_semaphore(%arg18 : memref<!tpu.dma_semaphore, #tpu.memory_space<semaphore_mem>>)
    %dma_start3A_7 = arith.constant 0 : i32
    %dma_start3A_8 = arith.constant 0 : i32
    %dma_start3A_9 = tpu.memref_slice %arg3[%arg1, %dma_start3A_7, %dma_start3A_8] : memref<16x160x128xi32, #tpu.memory_space<hbm>> -> memref<1x160x128xi32, #tpu.memory_space<hbm>>
    %dma_start3A_10 = tpu.memref_squeeze %dma_start3A_9 : memref<1x160x128xi32, #tpu.memory_space<hbm>> -> memref<160x128xi32, #tpu.memory_space<hbm>>
    %dma_start3A_11 = arith.constant 0 : i32
    %dma_start3A_12 = arith.constant 0 : i32
    %dma_start3A_13 = tpu.memref_slice %arg3[%arg1, %dma_start3A_11, %dma_start3A_12] : memref<16x160x128xi32, #tpu.memory_space<hbm>> -> memref<1x160x128xi32, #tpu.memory_space<hbm>>
    %dma_start3A_14 = tpu.memref_squeeze %dma_start3A_13 : memref<1x160x128xi32, #tpu.memory_space<hbm>> -> memref<160x128xi32, #tpu.memory_space<hbm>>
    tpu.enqueue_dma source(%dma_start3A_14 : memref<160x128xi32, #tpu.memory_space<hbm>>) target(%arg8 : memref<160x128xi32, #tpu.memory_space<vmem>>) target_semaphore(%arg19 : memref<!tpu.dma_semaphore, #tpu.memory_space<semaphore_mem>>)
    %mul3A = arith.constant 632 : i32
    %mul3A_15 = arith.muli %arg1, %mul3A : i32
    %mul3A_16 = arith.constant 632 : i32
    %mul3A_17 = arith.muli %arg1, %mul3A_16 : i32
    %dma_start3A_18 = arith.constant 0 : i32
    %dma_start3A_19 = tpu.memref_slice %arg17[%mul3A_17, %dma_start3A_18] : memref<10112x32xf32, #tpu.memory_space<vmem_shared>> -> memref<632x32xf32, #tpu.memory_space<vmem_shared>>
    %dma_start3A_20 = arith.constant 0 : i32
    %dma_start3A_21 = tpu.memref_slice %arg5[%mul3A_15, %dma_start3A_20] : memref<10112x32xf32, #tpu.memory_space<hbm>> -> memref<632x32xf32, #tpu.memory_space<hbm>>
    tpu.enqueue_dma source(%dma_start3A_21 : memref<632x32xf32, #tpu.memory_space<hbm>>) target(%dma_start3A_19 : memref<632x32xf32, #tpu.memory_space<vmem_shared>>) target_semaphore(%arg20 : memref<!tpu.dma_semaphore, #tpu.memory_space<semaphore_mem>>)
    %dma_wait3A = arith.constant 0 : i32
    %dma_wait3A_22 = arith.constant 0 : i32
    %dma_wait3A_23 = tpu.memref_slice %arg2[%arg1, %dma_wait3A, %dma_wait3A_22] : memref<16x160x128xi32, #tpu.memory_space<hbm>> -> memref<1x160x128xi32, #tpu.memory_space<hbm>>
    %dma_wait3A_24 = tpu.memref_squeeze %dma_wait3A_23 : memref<1x160x128xi32, #tpu.memory_space<hbm>> -> memref<160x128xi32, #tpu.memory_space<hbm>>
    %dma_wait3A_25 = arith.constant 0 : i32
    %dma_wait3A_26 = arith.constant 0 : i32
    %dma_wait3A_27 = tpu.memref_slice %arg2[%arg1, %dma_wait3A_25, %dma_wait3A_26] : memref<16x160x128xi32, #tpu.memory_space<hbm>> -> memref<1x160x128xi32, #tpu.memory_space<hbm>>
    %dma_wait3A_28 = tpu.memref_squeeze %dma_wait3A_27 : memref<1x160x128xi32, #tpu.memory_space<hbm>> -> memref<160x128xi32, #tpu.memory_space<hbm>>
    tpu.wait_dma2 semaphore(%arg18 : memref<!tpu.dma_semaphore, #tpu.memory_space<semaphore_mem>>) src(%dma_wait3A_28 : memref<160x128xi32, #tpu.memory_space<hbm>>) dst(%arg7 : memref<160x128xi32, #tpu.memory_space<vmem>>)
    %dma_wait3A_29 = arith.constant 0 : i32
    %dma_wait3A_30 = arith.constant 0 : i32
    %dma_wait3A_31 = tpu.memref_slice %arg3[%arg1, %dma_wait3A_29, %dma_wait3A_30] : memref<16x160x128xi32, #tpu.memory_space<hbm>> -> memref<1x160x128xi32, #tpu.memory_space<hbm>>
    %dma_wait3A_32 = tpu.memref_squeeze %dma_wait3A_31 : memref<1x160x128xi32, #tpu.memory_space<hbm>> -> memref<160x128xi32, #tpu.memory_space<hbm>>
    %dma_wait3A_33 = arith.constant 0 : i32
    %dma_wait3A_34 = arith.constant 0 : i32
    %dma_wait3A_35 = tpu.memref_slice %arg3[%arg1, %dma_wait3A_33, %dma_wait3A_34] : memref<16x160x128xi32, #tpu.memory_space<hbm>> -> memref<1x160x128xi32, #tpu.memory_space<hbm>>
    %dma_wait3A_36 = tpu.memref_squeeze %dma_wait3A_35 : memref<1x160x128xi32, #tpu.memory_space<hbm>> -> memref<160x128xi32, #tpu.memory_space<hbm>>
    tpu.wait_dma2 semaphore(%arg19 : memref<!tpu.dma_semaphore, #tpu.memory_space<semaphore_mem>>) src(%dma_wait3A_36 : memref<160x128xi32, #tpu.memory_space<hbm>>) dst(%arg8 : memref<160x128xi32, #tpu.memory_space<vmem>>)
    %mul3A_37 = arith.constant 632 : i32
    %mul3A_38 = arith.muli %arg1, %mul3A_37 : i32
    %mul3A_39 = arith.constant 632 : i32
    %mul3A_40 = arith.muli %arg1, %mul3A_39 : i32
    %dma_wait3A_41 = arith.constant 0 : i32
    %dma_wait3A_42 = tpu.memref_slice %arg17[%mul3A_40, %dma_wait3A_41] : memref<10112x32xf32, #tpu.memory_space<vmem_shared>> -> memref<632x32xf32, #tpu.memory_space<vmem_shared>>
    %dma_wait3A_43 = arith.constant 0 : i32
    %dma_wait3A_44 = tpu.memref_slice %arg5[%mul3A_38, %dma_wait3A_43] : memref<10112x32xf32, #tpu.memory_space<hbm>> -> memref<632x32xf32, #tpu.memory_space<hbm>>
    tpu.wait_dma2 semaphore(%arg20 : memref<!tpu.dma_semaphore, #tpu.memory_space<semaphore_mem>>) src(%dma_wait3A_44 : memref<632x32xf32, #tpu.memory_space<hbm>>) dst(%dma_wait3A_42 : memref<632x32xf32, #tpu.memory_space<vmem_shared>>)
    %barrier3A = arith.constant 0 : index
    tpu.barrier barrier_id(%barrier3A)
    %dma_start3A_45 = arith.constant 0 : i32
    %dma_start3A_46 = arith.constant 0 : i32
    %dma_start3A_47 = tpu.memref_slice %arg7[%dma_start3A_45, %dma_start3A_46] : memref<160x128xi32, #tpu.memory_space<vmem>> -> memref<1x128xi32, #tpu.memory_space<vmem>>
    %dma_start3A_48 = tpu.memref_squeeze %dma_start3A_47 : memref<1x128xi32, #tpu.memory_space<vmem>> -> memref<128xi32, #tpu.memory_space<vmem>>
    %dma_start3A_49 = arith.constant 0 : i32
    %dma_start3A_50 = arith.constant 0 : i32
    %dma_start3A_51 = tpu.memref_slice %arg4[%arg0, %dma_start3A_49, %dma_start3A_50] : memref<2x10000x32xf32, #tpu.memory_space<hbm>> -> memref<1x10000x32xf32, #tpu.memory_space<hbm>>
    %dma_start3A_52 = tpu.memref_squeeze %dma_start3A_51 : memref<1x10000x32xf32, #tpu.memory_space<hbm>> -> memref<10000x32xf32, #tpu.memory_space<hbm>>
    %dma_start3A_53 = arith.constant 0 : i32
    %dma_start3A_54 = arith.constant 0 : i32
    %dma_start3A_55 = tpu.memref_slice %dma_start3A_52[%dma_start3A_53, %dma_start3A_54] : memref<10000x32xf32, #tpu.memory_space<hbm>> -> memref<10000x32xf32, #tpu.memory_space<hbm>>
    tpu.enqueue_indirect_dma source(%dma_start3A_55 : memref<10000x32xf32, #tpu.memory_space<hbm>>) target(%arg9 : memref<128x32xf32, #tpu.memory_space<vmem>>) offsets(%dma_start3A_48 : memref<128xi32, #tpu.memory_space<vmem>>) semaphore(%arg18 : memref<!tpu.dma_semaphore, #tpu.memory_space<semaphore_mem>>)
    %dma_start3A_56 = arith.constant 1 : i32
    %dma_start3A_57 = arith.constant 0 : i32
    %dma_start3A_58 = tpu.memref_slice %arg7[%dma_start3A_56, %dma_start3A_57] : memref<160x128xi32, #tpu.memory_space<vmem>> -> memref<1x128xi32, #tpu.memory_space<vmem>>
    %dma_start3A_59 = tpu.memref_squeeze %dma_start3A_58 : memref<1x128xi32, #tpu.memory_space<vmem>> -> memref<128xi32, #tpu.memory_space<vmem>>
    %dma_start3A_60 = arith.constant 0 : i32
    %dma_start3A_61 = arith.constant 0 : i32
    %dma_start3A_62 = tpu.memref_slice %arg4[%arg0, %dma_start3A_60, %dma_start3A_61] : memref<2x10000x32xf32, #tpu.memory_space<hbm>> -> memref<1x10000x32xf32, #tpu.memory_space<hbm>>
    %dma_start3A_63 = tpu.memref_squeeze %dma_start3A_62 : memref<1x10000x32xf32, #tpu.memory_space<hbm>> -> memref<10000x32xf32, #tpu.memory_space<hbm>>
    %dma_start3A_64 = arith.constant 0 : i32
    %dma_start3A_65 = arith.constant 0 : i32
    %dma_start3A_66 = tpu.memref_slice %dma_start3A_63[%dma_start3A_64, %dma_start3A_65] : memref<10000x32xf32, #tpu.memory_space<hbm>> -> memref<10000x32xf32, #tpu.memory_space<hbm>>
    tpu.enqueue_indirect_dma source(%dma_start3A_66 : memref<10000x32xf32, #tpu.memory_space<hbm>>) target(%arg10 : memref<128x32xf32, #tpu.memory_space<vmem>>) offsets(%dma_start3A_59 : memref<128xi32, #tpu.memory_space<vmem>>) semaphore(%arg19 : memref<!tpu.dma_semaphore, #tpu.memory_space<semaphore_mem>>)
    %dma_start3A_67 = arith.constant 2 : i32
    %dma_start3A_68 = arith.constant 0 : i32
    %dma_start3A_69 = tpu.memref_slice %arg7[%dma_start3A_67, %dma_start3A_68] : memref<160x128xi32, #tpu.memory_space<vmem>> -> memref<1x128xi32, #tpu.memory_space<vmem>>
    %dma_start3A_70 = tpu.memref_squeeze %dma_start3A_69 : memref<1x128xi32, #tpu.memory_space<vmem>> -> memref<128xi32, #tpu.memory_space<vmem>>
    %dma_start3A_71 = arith.constant 0 : i32
    %dma_start3A_72 = arith.constant 0 : i32
    %dma_start3A_73 = tpu.memref_slice %arg4[%arg0, %dma_start3A_71, %dma_start3A_72] : memref<2x10000x32xf32, #tpu.memory_space<hbm>> -> memref<1x10000x32xf32, #tpu.memory_space<hbm>>
    %dma_start3A_74 = tpu.memref_squeeze %dma_start3A_73 : memref<1x10000x32xf32, #tpu.memory_space<hbm>> -> memref<10000x32xf32, #tpu.memory_space<hbm>>
    %dma_start3A_75 = arith.constant 0 : i32
    %dma_start3A_76 = arith.constant 0 : i32
    %dma_start3A_77 = tpu.memref_slice %dma_start3A_74[%dma_start3A_75, %dma_start3A_76] : memref<10000x32xf32, #tpu.memory_space<hbm>> -> memref<10000x32xf32, #tpu.memory_space<hbm>>
    tpu.enqueue_indirect_dma source(%dma_start3A_77 : memref<10000x32xf32, #tpu.memory_space<hbm>>) target(%arg11 : memref<128x32xf32, #tpu.memory_space<vmem>>) offsets(%dma_start3A_70 : memref<128xi32, #tpu.memory_space<vmem>>) semaphore(%arg20 : memref<!tpu.dma_semaphore, #tpu.memory_space<semaphore_mem>>)
    %dma_start3A_78 = arith.constant 3 : i32
    %dma_start3A_79 = arith.constant 0 : i32
    %dma_start3A_80 = tpu.memref_slice %arg7[%dma_start3A_78, %dma_start3A_79] : memref<160x128xi32, #tpu.memory_space<vmem>> -> memref<1x128xi32, #tpu.memory_space<vmem>>
    %dma_start3A_81 = tpu.memref_squeeze %dma_start3A_80 : memref<1x128xi32, #tpu.memory_space<vmem>> -> memref<128xi32, #tpu.memory_space<vmem>>
    %dma_start3A_82 = arith.constant 0 : i32
    %dma_start3A_83 = arith.constant 0 : i32
    %dma_start3A_84 = tpu.memref_slice %arg4[%arg0, %dma_start3A_82, %dma_start3A_83] : memref<2x10000x32xf32, #tpu.memory_space<hbm>> -> memref<1x10000x32xf32, #tpu.memory_space<hbm>>
    %dma_start3A_85 = tpu.memref_squeeze %dma_start3A_84 : memref<1x10000x32xf32, #tpu.memory_space<hbm>> -> memref<10000x32xf32, #tpu.memory_space<hbm>>
    %dma_start3A_86 = arith.constant 0 : i32
    %dma_start3A_87 = arith.constant 0 : i32
    %dma_start3A_88 = tpu.memref_slice %dma_start3A_85[%dma_start3A_86, %dma_start3A_87] : memref<10000x32xf32, #tpu.memory_space<hbm>> -> memref<10000x32xf32, #tpu.memory_space<hbm>>
    tpu.enqueue_indirect_dma source(%dma_start3A_88 : memref<10000x32xf32, #tpu.memory_space<hbm>>) target(%arg12 : memref<128x32xf32, #tpu.memory_space<vmem>>) offsets(%dma_start3A_81 : memref<128xi32, #tpu.memory_space<vmem>>) semaphore(%arg21 : memref<!tpu.dma_semaphore, #tpu.memory_space<semaphore_mem>>)
    %dma_start3A_89 = arith.constant 4 : i32
    %dma_start3A_90 = arith.constant 0 : i32
    %dma_start3A_91 = tpu.memref_slice %arg7[%dma_start3A_89, %dma_start3A_90] : memref<160x128xi32, #tpu.memory_space<vmem>> -> memref<1x128xi32, #tpu.memory_space<vmem>>
    %dma_start3A_92 = tpu.memref_squeeze %dma_start3A_91 : memref<1x128xi32, #tpu.memory_space<vmem>> -> memref<128xi32, #tpu.memory_space<vmem>>
    %dma_start3A_93 = arith.constant 0 : i32
    %dma_start3A_94 = arith.constant 0 : i32
    %dma_start3A_95 = tpu.memref_slice %arg4[%arg0, %dma_start3A_93, %dma_start3A_94] : memref<2x10000x32xf32, #tpu.memory_space<hbm>> -> memref<1x10000x32xf32, #tpu.memory_space<hbm>>
    %dma_start3A_96 = tpu.memref_squeeze %dma_start3A_95 : memref<1x10000x32xf32, #tpu.memory_space<hbm>> -> memref<10000x32xf32, #tpu.memory_space<hbm>>
    %dma_start3A_97 = arith.constant 0 : i32
    %dma_start3A_98 = arith.constant 0 : i32
    %dma_start3A_99 = tpu.memref_slice %dma_start3A_96[%dma_start3A_97, %dma_start3A_98] : memref<10000x32xf32, #tpu.memory_space<hbm>> -> memref<10000x32xf32, #tpu.memory_space<hbm>>
    tpu.enqueue_indirect_dma source(%dma_start3A_99 : memref<10000x32xf32, #tpu.memory_space<hbm>>) target(%arg13 : memref<128x32xf32, #tpu.memory_space<vmem>>) offsets(%dma_start3A_92 : memref<128xi32, #tpu.memory_space<vmem>>) semaphore(%arg22 : memref<!tpu.dma_semaphore, #tpu.memory_space<semaphore_mem>>)
    %dma_start3A_100 = arith.constant 5 : i32
    %dma_start3A_101 = arith.constant 0 : i32
    %dma_start3A_102 = tpu.memref_slice %arg7[%dma_start3A_100, %dma_start3A_101] : memref<160x128xi32, #tpu.memory_space<vmem>> -> memref<1x128xi32, #tpu.memory_space<vmem>>
    %dma_start3A_103 = tpu.memref_squeeze %dma_start3A_102 : memref<1x128xi32, #tpu.memory_space<vmem>> -> memref<128xi32, #tpu.memory_space<vmem>>
    %dma_start3A_104 = arith.constant 0 : i32
    %dma_start3A_105 = arith.constant 0 : i32
    %dma_start3A_106 = tpu.memref_slice %arg4[%arg0, %dma_start3A_104, %dma_start3A_105] : memref<2x10000x32xf32, #tpu.memory_space<hbm>> -> memref<1x10000x32xf32, #tpu.memory_space<hbm>>
    %dma_start3A_107 = tpu.memref_squeeze %dma_start3A_106 : memref<1x10000x32xf32, #tpu.memory_space<hbm>> -> memref<10000x32xf32, #tpu.memory_space<hbm>>
    %dma_start3A_108 = arith.constant 0 : i32
    %dma_start3A_109 = arith.constant 0 : i32
    %dma_start3A_110 = tpu.memref_slice %dma_start3A_107[%dma_start3A_108, %dma_start3A_109] : memref<10000x32xf32, #tpu.memory_space<hbm>> -> memref<10000x32xf32, #tpu.memory_space<hbm>>
    tpu.enqueue_indirect_dma source(%dma_start3A_110 : memref<10000x32xf32, #tpu.memory_space<hbm>>) target(%arg14 : memref<128x32xf32, #tpu.memory_space<vmem>>) offsets(%dma_start3A_103 : memref<128xi32, #tpu.memory_space<vmem>>) semaphore(%arg23 : memref<!tpu.dma_semaphore, #tpu.memory_space<semaphore_mem>>)
    %dma_start3A_111 = arith.constant 6 : i32
    %dma_start3A_112 = arith.constant 0 : i32
    %dma_start3A_113 = tpu.memref_slice %arg7[%dma_start3A_111, %dma_start3A_112] : memref<160x128xi32, #tpu.memory_space<vmem>> -> memref<1x128xi32, #tpu.memory_space<vmem>>
    %dma_start3A_114 = tpu.memref_squeeze %dma_start3A_113 : memref<1x128xi32, #tpu.memory_space<vmem>> -> memref<128xi32, #tpu.memory_space<vmem>>
    %dma_start3A_115 = arith.constant 0 : i32
    %dma_start3A_116 = arith.constant 0 : i32
    %dma_start3A_117 = tpu.memref_slice %arg4[%arg0, %dma_start3A_115, %dma_start3A_116] : memref<2x10000x32xf32, #tpu.memory_space<hbm>> -> memref<1x10000x32xf32, #tpu.memory_space<hbm>>
    %dma_start3A_118 = tpu.memref_squeeze %dma_start3A_117 : memref<1x10000x32xf32, #tpu.memory_space<hbm>> -> memref<10000x32xf32, #tpu.memory_space<hbm>>
    %dma_start3A_119 = arith.constant 0 : i32
    %dma_start3A_120 = arith.constant 0 : i32
    %dma_start3A_121 = tpu.memref_slice %dma_start3A_118[%dma_start3A_119, %dma_start3A_120] : memref<10000x32xf32, #tpu.memory_space<hbm>> -> memref<10000x32xf32, #tpu.memory_space<hbm>>
    tpu.enqueue_indirect_dma source(%dma_start3A_121 : memref<10000x32xf32, #tpu.memory_space<hbm>>) target(%arg15 : memref<128x32xf32, #tpu.memory_space<vmem>>) offsets(%dma_start3A_114 : memref<128xi32, #tpu.memory_space<vmem>>) semaphore(%arg24 : memref<!tpu.dma_semaphore, #tpu.memory_space<semaphore_mem>>)
    %dma_start3A_122 = arith.constant 7 : i32
    %dma_start3A_123 = arith.constant 0 : i32
    %dma_start3A_124 = tpu.memref_slice %arg7[%dma_start3A_122, %dma_start3A_123] : memref<160x128xi32, #tpu.memory_space<vmem>> -> memref<1x128xi32, #tpu.memory_space<vmem>>
    %dma_start3A_125 = tpu.memref_squeeze %dma_start3A_124 : memref<1x128xi32, #tpu.memory_space<vmem>> -> memref<128xi32, #tpu.memory_space<vmem>>
    %dma_start3A_126 = arith.constant 0 : i32
    %dma_start3A_127 = arith.constant 0 : i32
    %dma_start3A_128 = tpu.memref_slice %arg4[%arg0, %dma_start3A_126, %dma_start3A_127] : memref<2x10000x32xf32, #tpu.memory_space<hbm>> -> memref<1x10000x32xf32, #tpu.memory_space<hbm>>
    %dma_start3A_129 = tpu.memref_squeeze %dma_start3A_128 : memref<1x10000x32xf32, #tpu.memory_space<hbm>> -> memref<10000x32xf32, #tpu.memory_space<hbm>>
    %dma_start3A_130 = arith.constant 0 : i32
    %dma_start3A_131 = arith.constant 0 : i32
    %dma_start3A_132 = tpu.memref_slice %dma_start3A_129[%dma_start3A_130, %dma_start3A_131] : memref<10000x32xf32, #tpu.memory_space<hbm>> -> memref<10000x32xf32, #tpu.memory_space<hbm>>
    tpu.enqueue_indirect_dma source(%dma_start3A_132 : memref<10000x32xf32, #tpu.memory_space<hbm>>) target(%arg16 : memref<128x32xf32, #tpu.memory_space<vmem>>) offsets(%dma_start3A_125 : memref<128xi32, #tpu.memory_space<vmem>>) semaphore(%arg25 : memref<!tpu.dma_semaphore, #tpu.memory_space<semaphore_mem>>)
    %scan3A = arith.constant 0 : i32
    %scan3A_133 = arith.constant 0 : i32
    %scan3A_134 = arith.constant 19 : i32
    %scan3A_135 = arith.addi %scan3A_133, %scan3A_134 : i32
    %scan3A_136 = arith.constant 1 : i32
    scf.for %scan3A_240 = %scan3A_133 to %scan3A_135 step %scan3A_136  : i32 {
      %mul3A_241 = arith.constant 8 : i32
      %mul3A_242 = arith.muli %scan3A_240, %mul3A_241 : i32
      %add3A = arith.constant 0 : i32
      %add3A_243 = arith.addi %mul3A_242, %add3A : i32
      %dma_wait3A_244 = arith.constant 0 : i32
      %dma_wait3A_245 = tpu.memref_slice %arg7[%add3A_243, %dma_wait3A_244] : memref<160x128xi32, #tpu.memory_space<vmem>> -> memref<1x128xi32, #tpu.memory_space<vmem>>
      %dma_wait3A_246 = tpu.memref_squeeze %dma_wait3A_245 : memref<1x128xi32, #tpu.memory_space<vmem>> -> memref<128xi32, #tpu.memory_space<vmem>>
      %dma_wait3A_247 = arith.constant 0 : i32
      %dma_wait3A_248 = arith.constant 0 : i32
      %dma_wait3A_249 = tpu.memref_slice %arg4[%arg0, %dma_wait3A_247, %dma_wait3A_248] : memref<2x10000x32xf32, #tpu.memory_space<hbm>> -> memref<1x10000x32xf32, #tpu.memory_space<hbm>>
      %dma_wait3A_250 = tpu.memref_squeeze %dma_wait3A_249 : memref<1x10000x32xf32, #tpu.memory_space<hbm>> -> memref<10000x32xf32, #tpu.memory_space<hbm>>
      %dma_wait3A_251 = arith.constant 0 : i32
      %dma_wait3A_252 = arith.constant 0 : i32
      %dma_wait3A_253 = tpu.memref_slice %dma_wait3A_250[%dma_wait3A_251, %dma_wait3A_252] : memref<10000x32xf32, #tpu.memory_space<hbm>> -> memref<10000x32xf32, #tpu.memory_space<hbm>>
      tpu.wait_indirect_dma semaphore(%arg18 : memref<!tpu.dma_semaphore, #tpu.memory_space<semaphore_mem>>) src(%dma_wait3A_253 : memref<10000x32xf32, #tpu.memory_space<hbm>>) dst(%arg9 : memref<128x32xf32, #tpu.memory_space<vmem>>)
      %add3A_254 = arith.constant 0 : i32
      %add3A_255 = arith.addi %mul3A_242, %add3A_254 : i32
      %dma_start3A_256 = arith.constant 0 : i32
      %dma_start3A_257 = tpu.memref_slice %arg8[%add3A_255, %dma_start3A_256] : memref<160x128xi32, #tpu.memory_space<vmem>> -> memref<1x128xi32, #tpu.memory_space<vmem>>
      %dma_start3A_258 = tpu.memref_squeeze %dma_start3A_257 : memref<1x128xi32, #tpu.memory_space<vmem>> -> memref<128xi32, #tpu.memory_space<vmem>>
      %dma_start3A_259 = arith.constant 0 : i32
      %dma_start3A_260 = arith.constant 0 : i32
      %dma_start3A_261 = tpu.memref_slice %arg17[%dma_start3A_259, %dma_start3A_260] : memref<10112x32xf32, #tpu.memory_space<vmem_shared>> -> memref<10112x32xf32, #tpu.memory_space<vmem_shared>>
      tpu.enqueue_indirect_dma source(%arg9 : memref<128x32xf32, #tpu.memory_space<vmem>>) target(%dma_start3A_261 : memref<10112x32xf32, #tpu.memory_space<vmem_shared>>) offsets(%dma_start3A_258 : memref<128xi32, #tpu.memory_space<vmem>>) semaphore(%arg26 : memref<!tpu.dma_semaphore, #tpu.memory_space<semaphore_mem>>) {add = true}
      %add3A_262 = arith.constant 1 : i32
      %add3A_263 = arith.addi %mul3A_242, %add3A_262 : i32
      %dma_wait3A_264 = arith.constant 0 : i32
      %dma_wait3A_265 = tpu.memref_slice %arg7[%add3A_263, %dma_wait3A_264] : memref<160x128xi32, #tpu.memory_space<vmem>> -> memref<1x128xi32, #tpu.memory_space<vmem>>
      %dma_wait3A_266 = tpu.memref_squeeze %dma_wait3A_265 : memref<1x128xi32, #tpu.memory_space<vmem>> -> memref<128xi32, #tpu.memory_space<vmem>>
      %dma_wait3A_267 = arith.constant 0 : i32
      %dma_wait3A_268 = arith.constant 0 : i32
      %dma_wait3A_269 = tpu.memref_slice %arg4[%arg0, %dma_wait3A_267, %dma_wait3A_268] : memref<2x10000x32xf32, #tpu.memory_space<hbm>> -> memref<1x10000x32xf32, #tpu.memory_space<hbm>>
      %dma_wait3A_270 = tpu.memref_squeeze %dma_wait3A_269 : memref<1x10000x32xf32, #tpu.memory_space<hbm>> -> memref<10000x32xf32, #tpu.memory_space<hbm>>
      %dma_wait3A_271 = arith.constant 0 : i32
      %dma_wait3A_272 = arith.constant 0 : i32
      %dma_wait3A_273 = tpu.memref_slice %dma_wait3A_270[%dma_wait3A_271, %dma_wait3A_272] : memref<10000x32xf32, #tpu.memory_space<hbm>> -> memref<10000x32xf32, #tpu.memory_space<hbm>>
      tpu.wait_indirect_dma semaphore(%arg19 : memref<!tpu.dma_semaphore, #tpu.memory_space<semaphore_mem>>) src(%dma_wait3A_273 : memref<10000x32xf32, #tpu.memory_space<hbm>>) dst(%arg10 : memref<128x32xf32, #tpu.memory_space<vmem>>)
      %add3A_274 = arith.constant 1 : i32
      %add3A_275 = arith.addi %mul3A_242, %add3A_274 : i32
      %dma_start3A_276 = arith.constant 0 : i32
      %dma_start3A_277 = tpu.memref_slice %arg8[%add3A_275, %dma_start3A_276] : memref<160x128xi32, #tpu.memory_space<vmem>> -> memref<1x128xi32, #tpu.memory_space<vmem>>
      %dma_start3A_278 = tpu.memref_squeeze %dma_start3A_277 : memref<1x128xi32, #tpu.memory_space<vmem>> -> memref<128xi32, #tpu.memory_space<vmem>>
      %dma_start3A_279 = arith.constant 0 : i32
      %dma_start3A_280 = arith.constant 0 : i32
      %dma_start3A_281 = tpu.memref_slice %arg17[%dma_start3A_279, %dma_start3A_280] : memref<10112x32xf32, #tpu.memory_space<vmem_shared>> -> memref<10112x32xf32, #tpu.memory_space<vmem_shared>>
      tpu.enqueue_indirect_dma source(%arg10 : memref<128x32xf32, #tpu.memory_space<vmem>>) target(%dma_start3A_281 : memref<10112x32xf32, #tpu.memory_space<vmem_shared>>) offsets(%dma_start3A_278 : memref<128xi32, #tpu.memory_space<vmem>>) semaphore(%arg27 : memref<!tpu.dma_semaphore, #tpu.memory_space<semaphore_mem>>) {add = true}
      %add3A_282 = arith.constant 2 : i32
      %add3A_283 = arith.addi %mul3A_242, %add3A_282 : i32
      %dma_wait3A_284 = arith.constant 0 : i32
      %dma_wait3A_285 = tpu.memref_slice %arg7[%add3A_283, %dma_wait3A_284] : memref<160x128xi32, #tpu.memory_space<vmem>> -> memref<1x128xi32, #tpu.memory_space<vmem>>
      %dma_wait3A_286 = tpu.memref_squeeze %dma_wait3A_285 : memref<1x128xi32, #tpu.memory_space<vmem>> -> memref<128xi32, #tpu.memory_space<vmem>>
      %dma_wait3A_287 = arith.constant 0 : i32
      %dma_wait3A_288 = arith.constant 0 : i32
      %dma_wait3A_289 = tpu.memref_slice %arg4[%arg0, %dma_wait3A_287, %dma_wait3A_288] : memref<2x10000x32xf32, #tpu.memory_space<hbm>> -> memref<1x10000x32xf32, #tpu.memory_space<hbm>>
      %dma_wait3A_290 = tpu.memref_squeeze %dma_wait3A_289 : memref<1x10000x32xf32, #tpu.memory_space<hbm>> -> memref<10000x32xf32, #tpu.memory_space<hbm>>
      %dma_wait3A_291 = arith.constant 0 : i32
      %dma_wait3A_292 = arith.constant 0 : i32
      %dma_wait3A_293 = tpu.memref_slice %dma_wait3A_290[%dma_wait3A_291, %dma_wait3A_292] : memref<10000x32xf32, #tpu.memory_space<hbm>> -> memref<10000x32xf32, #tpu.memory_space<hbm>>
      tpu.wait_indirect_dma semaphore(%arg20 : memref<!tpu.dma_semaphore, #tpu.memory_space<semaphore_mem>>) src(%dma_wait3A_293 : memref<10000x32xf32, #tpu.memory_space<hbm>>) dst(%arg11 : memref<128x32xf32, #tpu.memory_space<vmem>>)
      %add3A_294 = arith.constant 2 : i32
      %add3A_295 = arith.addi %mul3A_242, %add3A_294 : i32
      %dma_start3A_296 = arith.constant 0 : i32
      %dma_start3A_297 = tpu.memref_slice %arg8[%add3A_295, %dma_start3A_296] : memref<160x128xi32, #tpu.memory_space<vmem>> -> memref<1x128xi32, #tpu.memory_space<vmem>>
      %dma_start3A_298 = tpu.memref_squeeze %dma_start3A_297 : memref<1x128xi32, #tpu.memory_space<vmem>> -> memref<128xi32, #tpu.memory_space<vmem>>
      %dma_start3A_299 = arith.constant 0 : i32
      %dma_start3A_300 = arith.constant 0 : i32
      %dma_start3A_301 = tpu.memref_slice %arg17[%dma_start3A_299, %dma_start3A_300] : memref<10112x32xf32, #tpu.memory_space<vmem_shared>> -> memref<10112x32xf32, #tpu.memory_space<vmem_shared>>
      tpu.enqueue_indirect_dma source(%arg11 : memref<128x32xf32, #tpu.memory_space<vmem>>) target(%dma_start3A_301 : memref<10112x32xf32, #tpu.memory_space<vmem_shared>>) offsets(%dma_start3A_298 : memref<128xi32, #tpu.memory_space<vmem>>) semaphore(%arg28 : memref<!tpu.dma_semaphore, #tpu.memory_space<semaphore_mem>>) {add = true}
      %add3A_302 = arith.constant 3 : i32
      %add3A_303 = arith.addi %mul3A_242, %add3A_302 : i32
      %dma_wait3A_304 = arith.constant 0 : i32
      %dma_wait3A_305 = tpu.memref_slice %arg7[%add3A_303, %dma_wait3A_304] : memref<160x128xi32, #tpu.memory_space<vmem>> -> memref<1x128xi32, #tpu.memory_space<vmem>>
      %dma_wait3A_306 = tpu.memref_squeeze %dma_wait3A_305 : memref<1x128xi32, #tpu.memory_space<vmem>> -> memref<128xi32, #tpu.memory_space<vmem>>
      %dma_wait3A_307 = arith.constant 0 : i32
      %dma_wait3A_308 = arith.constant 0 : i32
      %dma_wait3A_309 = tpu.memref_slice %arg4[%arg0, %dma_wait3A_307, %dma_wait3A_308] : memref<2x10000x32xf32, #tpu.memory_space<hbm>> -> memref<1x10000x32xf32, #tpu.memory_space<hbm>>
      %dma_wait3A_310 = tpu.memref_squeeze %dma_wait3A_309 : memref<1x10000x32xf32, #tpu.memory_space<hbm>> -> memref<10000x32xf32, #tpu.memory_space<hbm>>
      %dma_wait3A_311 = arith.constant 0 : i32
      %dma_wait3A_312 = arith.constant 0 : i32
      %dma_wait3A_313 = tpu.memref_slice %dma_wait3A_310[%dma_wait3A_311, %dma_wait3A_312] : memref<10000x32xf32, #tpu.memory_space<hbm>> -> memref<10000x32xf32, #tpu.memory_space<hbm>>
      tpu.wait_indirect_dma semaphore(%arg21 : memref<!tpu.dma_semaphore, #tpu.memory_space<semaphore_mem>>) src(%dma_wait3A_313 : memref<10000x32xf32, #tpu.memory_space<hbm>>) dst(%arg12 : memref<128x32xf32, #tpu.memory_space<vmem>>)
      %add3A_314 = arith.constant 3 : i32
      %add3A_315 = arith.addi %mul3A_242, %add3A_314 : i32
      %dma_start3A_316 = arith.constant 0 : i32
      %dma_start3A_317 = tpu.memref_slice %arg8[%add3A_315, %dma_start3A_316] : memref<160x128xi32, #tpu.memory_space<vmem>> -> memref<1x128xi32, #tpu.memory_space<vmem>>
      %dma_start3A_318 = tpu.memref_squeeze %dma_start3A_317 : memref<1x128xi32, #tpu.memory_space<vmem>> -> memref<128xi32, #tpu.memory_space<vmem>>
      %dma_start3A_319 = arith.constant 0 : i32
      %dma_start3A_320 = arith.constant 0 : i32
      %dma_start3A_321 = tpu.memref_slice %arg17[%dma_start3A_319, %dma_start3A_320] : memref<10112x32xf32, #tpu.memory_space<vmem_shared>> -> memref<10112x32xf32, #tpu.memory_space<vmem_shared>>
      tpu.enqueue_indirect_dma source(%arg12 : memref<128x32xf32, #tpu.memory_space<vmem>>) target(%dma_start3A_321 : memref<10112x32xf32, #tpu.memory_space<vmem_shared>>) offsets(%dma_start3A_318 : memref<128xi32, #tpu.memory_space<vmem>>) semaphore(%arg29 : memref<!tpu.dma_semaphore, #tpu.memory_space<semaphore_mem>>) {add = true}
      %add3A_322 = arith.constant 4 : i32
      %add3A_323 = arith.addi %mul3A_242, %add3A_322 : i32
      %dma_wait3A_324 = arith.constant 0 : i32
      %dma_wait3A_325 = tpu.memref_slice %arg7[%add3A_323, %dma_wait3A_324] : memref<160x128xi32, #tpu.memory_space<vmem>> -> memref<1x128xi32, #tpu.memory_space<vmem>>
      %dma_wait3A_326 = tpu.memref_squeeze %dma_wait3A_325 : memref<1x128xi32, #tpu.memory_space<vmem>> -> memref<128xi32, #tpu.memory_space<vmem>>
      %dma_wait3A_327 = arith.constant 0 : i32
      %dma_wait3A_328 = arith.constant 0 : i32
      %dma_wait3A_329 = tpu.memref_slice %arg4[%arg0, %dma_wait3A_327, %dma_wait3A_328] : memref<2x10000x32xf32, #tpu.memory_space<hbm>> -> memref<1x10000x32xf32, #tpu.memory_space<hbm>>
      %dma_wait3A_330 = tpu.memref_squeeze %dma_wait3A_329 : memref<1x10000x32xf32, #tpu.memory_space<hbm>> -> memref<10000x32xf32, #tpu.memory_space<hbm>>
      %dma_wait3A_331 = arith.constant 0 : i32
      %dma_wait3A_332 = arith.constant 0 : i32
      %dma_wait3A_333 = tpu.memref_slice %dma_wait3A_330[%dma_wait3A_331, %dma_wait3A_332] : memref<10000x32xf32, #tpu.memory_space<hbm>> -> memref<10000x32xf32, #tpu.memory_space<hbm>>
      tpu.wait_indirect_dma semaphore(%arg22 : memref<!tpu.dma_semaphore, #tpu.memory_space<semaphore_mem>>) src(%dma_wait3A_333 : memref<10000x32xf32, #tpu.memory_space<hbm>>) dst(%arg13 : memref<128x32xf32, #tpu.memory_space<vmem>>)
      %add3A_334 = arith.constant 4 : i32
      %add3A_335 = arith.addi %mul3A_242, %add3A_334 : i32
      %dma_start3A_336 = arith.constant 0 : i32
      %dma_start3A_337 = tpu.memref_slice %arg8[%add3A_335, %dma_start3A_336] : memref<160x128xi32, #tpu.memory_space<vmem>> -> memref<1x128xi32, #tpu.memory_space<vmem>>
      %dma_start3A_338 = tpu.memref_squeeze %dma_start3A_337 : memref<1x128xi32, #tpu.memory_space<vmem>> -> memref<128xi32, #tpu.memory_space<vmem>>
      %dma_start3A_339 = arith.constant 0 : i32
      %dma_start3A_340 = arith.constant 0 : i32
      %dma_start3A_341 = tpu.memref_slice %arg17[%dma_start3A_339, %dma_start3A_340] : memref<10112x32xf32, #tpu.memory_space<vmem_shared>> -> memref<10112x32xf32, #tpu.memory_space<vmem_shared>>
      tpu.enqueue_indirect_dma source(%arg13 : memref<128x32xf32, #tpu.memory_space<vmem>>) target(%dma_start3A_341 : memref<10112x32xf32, #tpu.memory_space<vmem_shared>>) offsets(%dma_start3A_338 : memref<128xi32, #tpu.memory_space<vmem>>) semaphore(%arg30 : memref<!tpu.dma_semaphore, #tpu.memory_space<semaphore_mem>>) {add = true}
      %add3A_342 = arith.constant 5 : i32
      %add3A_343 = arith.addi %mul3A_242, %add3A_342 : i32
      %dma_wait3A_344 = arith.constant 0 : i32
      %dma_wait3A_345 = tpu.memref_slice %arg7[%add3A_343, %dma_wait3A_344] : memref<160x128xi32, #tpu.memory_space<vmem>> -> memref<1x128xi32, #tpu.memory_space<vmem>>
      %dma_wait3A_346 = tpu.memref_squeeze %dma_wait3A_345 : memref<1x128xi32, #tpu.memory_space<vmem>> -> memref<128xi32, #tpu.memory_space<vmem>>
      %dma_wait3A_347 = arith.constant 0 : i32
      %dma_wait3A_348 = arith.constant 0 : i32
      %dma_wait3A_349 = tpu.memref_slice %arg4[%arg0, %dma_wait3A_347, %dma_wait3A_348] : memref<2x10000x32xf32, #tpu.memory_space<hbm>> -> memref<1x10000x32xf32, #tpu.memory_space<hbm>>
      %dma_wait3A_350 = tpu.memref_squeeze %dma_wait3A_349 : memref<1x10000x32xf32, #tpu.memory_space<hbm>> -> memref<10000x32xf32, #tpu.memory_space<hbm>>
      %dma_wait3A_351 = arith.constant 0 : i32
      %dma_wait3A_352 = arith.constant 0 : i32
      %dma_wait3A_353 = tpu.memref_slice %dma_wait3A_350[%dma_wait3A_351, %dma_wait3A_352] : memref<10000x32xf32, #tpu.memory_space<hbm>> -> memref<10000x32xf32, #tpu.memory_space<hbm>>
      tpu.wait_indirect_dma semaphore(%arg23 : memref<!tpu.dma_semaphore, #tpu.memory_space<semaphore_mem>>) src(%dma_wait3A_353 : memref<10000x32xf32, #tpu.memory_space<hbm>>) dst(%arg14 : memref<128x32xf32, #tpu.memory_space<vmem>>)
      %add3A_354 = arith.constant 5 : i32
      %add3A_355 = arith.addi %mul3A_242, %add3A_354 : i32
      %dma_start3A_356 = arith.constant 0 : i32
      %dma_start3A_357 = tpu.memref_slice %arg8[%add3A_355, %dma_start3A_356] : memref<160x128xi32, #tpu.memory_space<vmem>> -> memref<1x128xi32, #tpu.memory_space<vmem>>
      %dma_start3A_358 = tpu.memref_squeeze %dma_start3A_357 : memref<1x128xi32, #tpu.memory_space<vmem>> -> memref<128xi32, #tpu.memory_space<vmem>>
      %dma_start3A_359 = arith.constant 0 : i32
      %dma_start3A_360 = arith.constant 0 : i32
      %dma_start3A_361 = tpu.memref_slice %arg17[%dma_start3A_359, %dma_start3A_360] : memref<10112x32xf32, #tpu.memory_space<vmem_shared>> -> memref<10112x32xf32, #tpu.memory_space<vmem_shared>>
      tpu.enqueue_indirect_dma source(%arg14 : memref<128x32xf32, #tpu.memory_space<vmem>>) target(%dma_start3A_361 : memref<10112x32xf32, #tpu.memory_space<vmem_shared>>) offsets(%dma_start3A_358 : memref<128xi32, #tpu.memory_space<vmem>>) semaphore(%arg31 : memref<!tpu.dma_semaphore, #tpu.memory_space<semaphore_mem>>) {add = true}
      %add3A_362 = arith.constant 6 : i32
      %add3A_363 = arith.addi %mul3A_242, %add3A_362 : i32
      %dma_wait3A_364 = arith.constant 0 : i32
      %dma_wait3A_365 = tpu.memref_slice %arg7[%add3A_363, %dma_wait3A_364] : memref<160x128xi32, #tpu.memory_space<vmem>> -> memref<1x128xi32, #tpu.memory_space<vmem>>
      %dma_wait3A_366 = tpu.memref_squeeze %dma_wait3A_365 : memref<1x128xi32, #tpu.memory_space<vmem>> -> memref<128xi32, #tpu.memory_space<vmem>>
      %dma_wait3A_367 = arith.constant 0 : i32
      %dma_wait3A_368 = arith.constant 0 : i32
      %dma_wait3A_369 = tpu.memref_slice %arg4[%arg0, %dma_wait3A_367, %dma_wait3A_368] : memref<2x10000x32xf32, #tpu.memory_space<hbm>> -> memref<1x10000x32xf32, #tpu.memory_space<hbm>>
      %dma_wait3A_370 = tpu.memref_squeeze %dma_wait3A_369 : memref<1x10000x32xf32, #tpu.memory_space<hbm>> -> memref<10000x32xf32, #tpu.memory_space<hbm>>
      %dma_wait3A_371 = arith.constant 0 : i32
      %dma_wait3A_372 = arith.constant 0 : i32
      %dma_wait3A_373 = tpu.memref_slice %dma_wait3A_370[%dma_wait3A_371, %dma_wait3A_372] : memref<10000x32xf32, #tpu.memory_space<hbm>> -> memref<10000x32xf32, #tpu.memory_space<hbm>>
      tpu.wait_indirect_dma semaphore(%arg24 : memref<!tpu.dma_semaphore, #tpu.memory_space<semaphore_mem>>) src(%dma_wait3A_373 : memref<10000x32xf32, #tpu.memory_space<hbm>>) dst(%arg15 : memref<128x32xf32, #tpu.memory_space<vmem>>)
      %add3A_374 = arith.constant 6 : i32
      %add3A_375 = arith.addi %mul3A_242, %add3A_374 : i32
      %dma_start3A_376 = arith.constant 0 : i32
      %dma_start3A_377 = tpu.memref_slice %arg8[%add3A_375, %dma_start3A_376] : memref<160x128xi32, #tpu.memory_space<vmem>> -> memref<1x128xi32, #tpu.memory_space<vmem>>
      %dma_start3A_378 = tpu.memref_squeeze %dma_start3A_377 : memref<1x128xi32, #tpu.memory_space<vmem>> -> memref<128xi32, #tpu.memory_space<vmem>>
      %dma_start3A_379 = arith.constant 0 : i32
      %dma_start3A_380 = arith.constant 0 : i32
      %dma_start3A_381 = tpu.memref_slice %arg17[%dma_start3A_379, %dma_start3A_380] : memref<10112x32xf32, #tpu.memory_space<vmem_shared>> -> memref<10112x32xf32, #tpu.memory_space<vmem_shared>>
      tpu.enqueue_indirect_dma source(%arg15 : memref<128x32xf32, #tpu.memory_space<vmem>>) target(%dma_start3A_381 : memref<10112x32xf32, #tpu.memory_space<vmem_shared>>) offsets(%dma_start3A_378 : memref<128xi32, #tpu.memory_space<vmem>>) semaphore(%arg32 : memref<!tpu.dma_semaphore, #tpu.memory_space<semaphore_mem>>) {add = true}
      %add3A_382 = arith.constant 7 : i32
      %add3A_383 = arith.addi %mul3A_242, %add3A_382 : i32
      %dma_wait3A_384 = arith.constant 0 : i32
      %dma_wait3A_385 = tpu.memref_slice %arg7[%add3A_383, %dma_wait3A_384] : memref<160x128xi32, #tpu.memory_space<vmem>> -> memref<1x128xi32, #tpu.memory_space<vmem>>
      %dma_wait3A_386 = tpu.memref_squeeze %dma_wait3A_385 : memref<1x128xi32, #tpu.memory_space<vmem>> -> memref<128xi32, #tpu.memory_space<vmem>>
      %dma_wait3A_387 = arith.constant 0 : i32
      %dma_wait3A_388 = arith.constant 0 : i32
      %dma_wait3A_389 = tpu.memref_slice %arg4[%arg0, %dma_wait3A_387, %dma_wait3A_388] : memref<2x10000x32xf32, #tpu.memory_space<hbm>> -> memref<1x10000x32xf32, #tpu.memory_space<hbm>>
      %dma_wait3A_390 = tpu.memref_squeeze %dma_wait3A_389 : memref<1x10000x32xf32, #tpu.memory_space<hbm>> -> memref<10000x32xf32, #tpu.memory_space<hbm>>
      %dma_wait3A_391 = arith.constant 0 : i32
      %dma_wait3A_392 = arith.constant 0 : i32
      %dma_wait3A_393 = tpu.memref_slice %dma_wait3A_390[%dma_wait3A_391, %dma_wait3A_392] : memref<10000x32xf32, #tpu.memory_space<hbm>> -> memref<10000x32xf32, #tpu.memory_space<hbm>>
      tpu.wait_indirect_dma semaphore(%arg25 : memref<!tpu.dma_semaphore, #tpu.memory_space<semaphore_mem>>) src(%dma_wait3A_393 : memref<10000x32xf32, #tpu.memory_space<hbm>>) dst(%arg16 : memref<128x32xf32, #tpu.memory_space<vmem>>)
      %add3A_394 = arith.constant 7 : i32
      %add3A_395 = arith.addi %mul3A_242, %add3A_394 : i32
      %dma_start3A_396 = arith.constant 0 : i32
      %dma_start3A_397 = tpu.memref_slice %arg8[%add3A_395, %dma_start3A_396] : memref<160x128xi32, #tpu.memory_space<vmem>> -> memref<1x128xi32, #tpu.memory_space<vmem>>
      %dma_start3A_398 = tpu.memref_squeeze %dma_start3A_397 : memref<1x128xi32, #tpu.memory_space<vmem>> -> memref<128xi32, #tpu.memory_space<vmem>>
      %dma_start3A_399 = arith.constant 0 : i32
      %dma_start3A_400 = arith.constant 0 : i32
      %dma_start3A_401 = tpu.memref_slice %arg17[%dma_start3A_399, %dma_start3A_400] : memref<10112x32xf32, #tpu.memory_space<vmem_shared>> -> memref<10112x32xf32, #tpu.memory_space<vmem_shared>>
      tpu.enqueue_indirect_dma source(%arg16 : memref<128x32xf32, #tpu.memory_space<vmem>>) target(%dma_start3A_401 : memref<10112x32xf32, #tpu.memory_space<vmem_shared>>) offsets(%dma_start3A_398 : memref<128xi32, #tpu.memory_space<vmem>>) semaphore(%arg33 : memref<!tpu.dma_semaphore, #tpu.memory_space<semaphore_mem>>) {add = true}
      %add3A_402 = arith.constant 0 : i32
      %add3A_403 = arith.addi %mul3A_242, %add3A_402 : i32
      %dma_wait3A_404 = arith.constant 0 : i32
      %dma_wait3A_405 = tpu.memref_slice %arg8[%add3A_403, %dma_wait3A_404] : memref<160x128xi32, #tpu.memory_space<vmem>> -> memref<1x128xi32, #tpu.memory_space<vmem>>
      %dma_wait3A_406 = tpu.memref_squeeze %dma_wait3A_405 : memref<1x128xi32, #tpu.memory_space<vmem>> -> memref<128xi32, #tpu.memory_space<vmem>>
      %dma_wait3A_407 = arith.constant 0 : i32
      %dma_wait3A_408 = arith.constant 0 : i32
      %dma_wait3A_409 = tpu.memref_slice %arg17[%dma_wait3A_407, %dma_wait3A_408] : memref<10112x32xf32, #tpu.memory_space<vmem_shared>> -> memref<10112x32xf32, #tpu.memory_space<vmem_shared>>
      tpu.wait_indirect_dma semaphore(%arg26 : memref<!tpu.dma_semaphore, #tpu.memory_space<semaphore_mem>>) src(%arg9 : memref<128x32xf32, #tpu.memory_space<vmem>>) dst(%dma_wait3A_409 : memref<10112x32xf32, #tpu.memory_space<vmem_shared>>)
      %add3A_410 = arith.constant 8 : i32
      %add3A_411 = arith.addi %mul3A_242, %add3A_410 : i32
      %add3A_412 = arith.constant 0 : i32
      %add3A_413 = arith.addi %add3A_411, %add3A_412 : i32
      %dma_start3A_414 = arith.constant 0 : i32
      %dma_start3A_415 = tpu.memref_slice %arg7[%add3A_413, %dma_start3A_414] : memref<160x128xi32, #tpu.memory_space<vmem>> -> memref<1x128xi32, #tpu.memory_space<vmem>>
      %dma_start3A_416 = tpu.memref_squeeze %dma_start3A_415 : memref<1x128xi32, #tpu.memory_space<vmem>> -> memref<128xi32, #tpu.memory_space<vmem>>
      %dma_start3A_417 = arith.constant 0 : i32
      %dma_start3A_418 = arith.constant 0 : i32
      %dma_start3A_419 = tpu.memref_slice %arg4[%arg0, %dma_start3A_417, %dma_start3A_418] : memref<2x10000x32xf32, #tpu.memory_space<hbm>> -> memref<1x10000x32xf32, #tpu.memory_space<hbm>>
      %dma_start3A_420 = tpu.memref_squeeze %dma_start3A_419 : memref<1x10000x32xf32, #tpu.memory_space<hbm>> -> memref<10000x32xf32, #tpu.memory_space<hbm>>
      %dma_start3A_421 = arith.constant 0 : i32
      %dma_start3A_422 = arith.constant 0 : i32
      %dma_start3A_423 = tpu.memref_slice %dma_start3A_420[%dma_start3A_421, %dma_start3A_422] : memref<10000x32xf32, #tpu.memory_space<hbm>> -> memref<10000x32xf32, #tpu.memory_space<hbm>>
      tpu.enqueue_indirect_dma source(%dma_start3A_423 : memref<10000x32xf32, #tpu.memory_space<hbm>>) target(%arg9 : memref<128x32xf32, #tpu.memory_space<vmem>>) offsets(%dma_start3A_416 : memref<128xi32, #tpu.memory_space<vmem>>) semaphore(%arg18 : memref<!tpu.dma_semaphore, #tpu.memory_space<semaphore_mem>>)
      %add3A_424 = arith.constant 1 : i32
      %add3A_425 = arith.addi %mul3A_242, %add3A_424 : i32
      %dma_wait3A_426 = arith.constant 0 : i32
      %dma_wait3A_427 = tpu.memref_slice %arg8[%add3A_425, %dma_wait3A_426] : memref<160x128xi32, #tpu.memory_space<vmem>> -> memref<1x128xi32, #tpu.memory_space<vmem>>
      %dma_wait3A_428 = tpu.memref_squeeze %dma_wait3A_427 : memref<1x128xi32, #tpu.memory_space<vmem>> -> memref<128xi32, #tpu.memory_space<vmem>>
      %dma_wait3A_429 = arith.constant 0 : i32
      %dma_wait3A_430 = arith.constant 0 : i32
      %dma_wait3A_431 = tpu.memref_slice %arg17[%dma_wait3A_429, %dma_wait3A_430] : memref<10112x32xf32, #tpu.memory_space<vmem_shared>> -> memref<10112x32xf32, #tpu.memory_space<vmem_shared>>
      tpu.wait_indirect_dma semaphore(%arg27 : memref<!tpu.dma_semaphore, #tpu.memory_space<semaphore_mem>>) src(%arg10 : memref<128x32xf32, #tpu.memory_space<vmem>>) dst(%dma_wait3A_431 : memref<10112x32xf32, #tpu.memory_space<vmem_shared>>)
      %add3A_432 = arith.constant 8 : i32
      %add3A_433 = arith.addi %mul3A_242, %add3A_432 : i32
      %add3A_434 = arith.constant 1 : i32
      %add3A_435 = arith.addi %add3A_433, %add3A_434 : i32
      %dma_start3A_436 = arith.constant 0 : i32
      %dma_start3A_437 = tpu.memref_slice %arg7[%add3A_435, %dma_start3A_436] : memref<160x128xi32, #tpu.memory_space<vmem>> -> memref<1x128xi32, #tpu.memory_space<vmem>>
      %dma_start3A_438 = tpu.memref_squeeze %dma_start3A_437 : memref<1x128xi32, #tpu.memory_space<vmem>> -> memref<128xi32, #tpu.memory_space<vmem>>
      %dma_start3A_439 = arith.constant 0 : i32
      %dma_start3A_440 = arith.constant 0 : i32
      %dma_start3A_441 = tpu.memref_slice %arg4[%arg0, %dma_start3A_439, %dma_start3A_440] : memref<2x10000x32xf32, #tpu.memory_space<hbm>> -> memref<1x10000x32xf32, #tpu.memory_space<hbm>>
      %dma_start3A_442 = tpu.memref_squeeze %dma_start3A_441 : memref<1x10000x32xf32, #tpu.memory_space<hbm>> -> memref<10000x32xf32, #tpu.memory_space<hbm>>
      %dma_start3A_443 = arith.constant 0 : i32
      %dma_start3A_444 = arith.constant 0 : i32
      %dma_start3A_445 = tpu.memref_slice %dma_start3A_442[%dma_start3A_443, %dma_start3A_444] : memref<10000x32xf32, #tpu.memory_space<hbm>> -> memref<10000x32xf32, #tpu.memory_space<hbm>>
      tpu.enqueue_indirect_dma source(%dma_start3A_445 : memref<10000x32xf32, #tpu.memory_space<hbm>>) target(%arg10 : memref<128x32xf32, #tpu.memory_space<vmem>>) offsets(%dma_start3A_438 : memref<128xi32, #tpu.memory_space<vmem>>) semaphore(%arg19 : memref<!tpu.dma_semaphore, #tpu.memory_space<semaphore_mem>>)
      %add3A_446 = arith.constant 2 : i32
      %add3A_447 = arith.addi %mul3A_242, %add3A_446 : i32
      %dma_wait3A_448 = arith.constant 0 : i32
      %dma_wait3A_449 = tpu.memref_slice %arg8[%add3A_447, %dma_wait3A_448] : memref<160x128xi32, #tpu.memory_space<vmem>> -> memref<1x128xi32, #tpu.memory_space<vmem>>
      %dma_wait3A_450 = tpu.memref_squeeze %dma_wait3A_449 : memref<1x128xi32, #tpu.memory_space<vmem>> -> memref<128xi32, #tpu.memory_space<vmem>>
      %dma_wait3A_451 = arith.constant 0 : i32
      %dma_wait3A_452 = arith.constant 0 : i32
      %dma_wait3A_453 = tpu.memref_slice %arg17[%dma_wait3A_451, %dma_wait3A_452] : memref<10112x32xf32, #tpu.memory_space<vmem_shared>> -> memref<10112x32xf32, #tpu.memory_space<vmem_shared>>
      tpu.wait_indirect_dma semaphore(%arg28 : memref<!tpu.dma_semaphore, #tpu.memory_space<semaphore_mem>>) src(%arg11 : memref<128x32xf32, #tpu.memory_space<vmem>>) dst(%dma_wait3A_453 : memref<10112x32xf32, #tpu.memory_space<vmem_shared>>)
      %add3A_454 = arith.constant 8 : i32
      %add3A_455 = arith.addi %mul3A_242, %add3A_454 : i32
      %add3A_456 = arith.constant 2 : i32
      %add3A_457 = arith.addi %add3A_455, %add3A_456 : i32
      %dma_start3A_458 = arith.constant 0 : i32
      %dma_start3A_459 = tpu.memref_slice %arg7[%add3A_457, %dma_start3A_458] : memref<160x128xi32, #tpu.memory_space<vmem>> -> memref<1x128xi32, #tpu.memory_space<vmem>>
      %dma_start3A_460 = tpu.memref_squeeze %dma_start3A_459 : memref<1x128xi32, #tpu.memory_space<vmem>> -> memref<128xi32, #tpu.memory_space<vmem>>
      %dma_start3A_461 = arith.constant 0 : i32
      %dma_start3A_462 = arith.constant 0 : i32
      %dma_start3A_463 = tpu.memref_slice %arg4[%arg0, %dma_start3A_461, %dma_start3A_462] : memref<2x10000x32xf32, #tpu.memory_space<hbm>> -> memref<1x10000x32xf32, #tpu.memory_space<hbm>>
      %dma_start3A_464 = tpu.memref_squeeze %dma_start3A_463 : memref<1x10000x32xf32, #tpu.memory_space<hbm>> -> memref<10000x32xf32, #tpu.memory_space<hbm>>
      %dma_start3A_465 = arith.constant 0 : i32
      %dma_start3A_466 = arith.constant 0 : i32
      %dma_start3A_467 = tpu.memref_slice %dma_start3A_464[%dma_start3A_465, %dma_start3A_466] : memref<10000x32xf32, #tpu.memory_space<hbm>> -> memref<10000x32xf32, #tpu.memory_space<hbm>>
      tpu.enqueue_indirect_dma source(%dma_start3A_467 : memref<10000x32xf32, #tpu.memory_space<hbm>>) target(%arg11 : memref<128x32xf32, #tpu.memory_space<vmem>>) offsets(%dma_start3A_460 : memref<128xi32, #tpu.memory_space<vmem>>) semaphore(%arg20 : memref<!tpu.dma_semaphore, #tpu.memory_space<semaphore_mem>>)
      %add3A_468 = arith.constant 3 : i32
      %add3A_469 = arith.addi %mul3A_242, %add3A_468 : i32
      %dma_wait3A_470 = arith.constant 0 : i32
      %dma_wait3A_471 = tpu.memref_slice %arg8[%add3A_469, %dma_wait3A_470] : memref<160x128xi32, #tpu.memory_space<vmem>> -> memref<1x128xi32, #tpu.memory_space<vmem>>
      %dma_wait3A_472 = tpu.memref_squeeze %dma_wait3A_471 : memref<1x128xi32, #tpu.memory_space<vmem>> -> memref<128xi32, #tpu.memory_space<vmem>>
      %dma_wait3A_473 = arith.constant 0 : i32
      %dma_wait3A_474 = arith.constant 0 : i32
      %dma_wait3A_475 = tpu.memref_slice %arg17[%dma_wait3A_473, %dma_wait3A_474] : memref<10112x32xf32, #tpu.memory_space<vmem_shared>> -> memref<10112x32xf32, #tpu.memory_space<vmem_shared>>
      tpu.wait_indirect_dma semaphore(%arg29 : memref<!tpu.dma_semaphore, #tpu.memory_space<semaphore_mem>>) src(%arg12 : memref<128x32xf32, #tpu.memory_space<vmem>>) dst(%dma_wait3A_475 : memref<10112x32xf32, #tpu.memory_space<vmem_shared>>)
      %add3A_476 = arith.constant 8 : i32
      %add3A_477 = arith.addi %mul3A_242, %add3A_476 : i32
      %add3A_478 = arith.constant 3 : i32
      %add3A_479 = arith.addi %add3A_477, %add3A_478 : i32
      %dma_start3A_480 = arith.constant 0 : i32
      %dma_start3A_481 = tpu.memref_slice %arg7[%add3A_479, %dma_start3A_480] : memref<160x128xi32, #tpu.memory_space<vmem>> -> memref<1x128xi32, #tpu.memory_space<vmem>>
      %dma_start3A_482 = tpu.memref_squeeze %dma_start3A_481 : memref<1x128xi32, #tpu.memory_space<vmem>> -> memref<128xi32, #tpu.memory_space<vmem>>
      %dma_start3A_483 = arith.constant 0 : i32
      %dma_start3A_484 = arith.constant 0 : i32
      %dma_start3A_485 = tpu.memref_slice %arg4[%arg0, %dma_start3A_483, %dma_start3A_484] : memref<2x10000x32xf32, #tpu.memory_space<hbm>> -> memref<1x10000x32xf32, #tpu.memory_space<hbm>>
      %dma_start3A_486 = tpu.memref_squeeze %dma_start3A_485 : memref<1x10000x32xf32, #tpu.memory_space<hbm>> -> memref<10000x32xf32, #tpu.memory_space<hbm>>
      %dma_start3A_487 = arith.constant 0 : i32
      %dma_start3A_488 = arith.constant 0 : i32
      %dma_start3A_489 = tpu.memref_slice %dma_start3A_486[%dma_start3A_487, %dma_start3A_488] : memref<10000x32xf32, #tpu.memory_space<hbm>> -> memref<10000x32xf32, #tpu.memory_space<hbm>>
      tpu.enqueue_indirect_dma source(%dma_start3A_489 : memref<10000x32xf32, #tpu.memory_space<hbm>>) target(%arg12 : memref<128x32xf32, #tpu.memory_space<vmem>>) offsets(%dma_start3A_482 : memref<128xi32, #tpu.memory_space<vmem>>) semaphore(%arg21 : memref<!tpu.dma_semaphore, #tpu.memory_space<semaphore_mem>>)
      %add3A_490 = arith.constant 4 : i32
      %add3A_491 = arith.addi %mul3A_242, %add3A_490 : i32
      %dma_wait3A_492 = arith.constant 0 : i32
      %dma_wait3A_493 = tpu.memref_slice %arg8[%add3A_491, %dma_wait3A_492] : memref<160x128xi32, #tpu.memory_space<vmem>> -> memref<1x128xi32, #tpu.memory_space<vmem>>
      %dma_wait3A_494 = tpu.memref_squeeze %dma_wait3A_493 : memref<1x128xi32, #tpu.memory_space<vmem>> -> memref<128xi32, #tpu.memory_space<vmem>>
      %dma_wait3A_495 = arith.constant 0 : i32
      %dma_wait3A_496 = arith.constant 0 : i32
      %dma_wait3A_497 = tpu.memref_slice %arg17[%dma_wait3A_495, %dma_wait3A_496] : memref<10112x32xf32, #tpu.memory_space<vmem_shared>> -> memref<10112x32xf32, #tpu.memory_space<vmem_shared>>
      tpu.wait_indirect_dma semaphore(%arg30 : memref<!tpu.dma_semaphore, #tpu.memory_space<semaphore_mem>>) src(%arg13 : memref<128x32xf32, #tpu.memory_space<vmem>>) dst(%dma_wait3A_497 : memref<10112x32xf32, #tpu.memory_space<vmem_shared>>)
      %add3A_498 = arith.constant 8 : i32
      %add3A_499 = arith.addi %mul3A_242, %add3A_498 : i32
      %add3A_500 = arith.constant 4 : i32
      %add3A_501 = arith.addi %add3A_499, %add3A_500 : i32
      %dma_start3A_502 = arith.constant 0 : i32
      %dma_start3A_503 = tpu.memref_slice %arg7[%add3A_501, %dma_start3A_502] : memref<160x128xi32, #tpu.memory_space<vmem>> -> memref<1x128xi32, #tpu.memory_space<vmem>>
      %dma_start3A_504 = tpu.memref_squeeze %dma_start3A_503 : memref<1x128xi32, #tpu.memory_space<vmem>> -> memref<128xi32, #tpu.memory_space<vmem>>
      %dma_start3A_505 = arith.constant 0 : i32
      %dma_start3A_506 = arith.constant 0 : i32
      %dma_start3A_507 = tpu.memref_slice %arg4[%arg0, %dma_start3A_505, %dma_start3A_506] : memref<2x10000x32xf32, #tpu.memory_space<hbm>> -> memref<1x10000x32xf32, #tpu.memory_space<hbm>>
      %dma_start3A_508 = tpu.memref_squeeze %dma_start3A_507 : memref<1x10000x32xf32, #tpu.memory_space<hbm>> -> memref<10000x32xf32, #tpu.memory_space<hbm>>
      %dma_start3A_509 = arith.constant 0 : i32
      %dma_start3A_510 = arith.constant 0 : i32
      %dma_start3A_511 = tpu.memref_slice %dma_start3A_508[%dma_start3A_509, %dma_start3A_510] : memref<10000x32xf32, #tpu.memory_space<hbm>> -> memref<10000x32xf32, #tpu.memory_space<hbm>>
      tpu.enqueue_indirect_dma source(%dma_start3A_511 : memref<10000x32xf32, #tpu.memory_space<hbm>>) target(%arg13 : memref<128x32xf32, #tpu.memory_space<vmem>>) offsets(%dma_start3A_504 : memref<128xi32, #tpu.memory_space<vmem>>) semaphore(%arg22 : memref<!tpu.dma_semaphore, #tpu.memory_space<semaphore_mem>>)
      %add3A_512 = arith.constant 5 : i32
      %add3A_513 = arith.addi %mul3A_242, %add3A_512 : i32
      %dma_wait3A_514 = arith.constant 0 : i32
      %dma_wait3A_515 = tpu.memref_slice %arg8[%add3A_513, %dma_wait3A_514] : memref<160x128xi32, #tpu.memory_space<vmem>> -> memref<1x128xi32, #tpu.memory_space<vmem>>
      %dma_wait3A_516 = tpu.memref_squeeze %dma_wait3A_515 : memref<1x128xi32, #tpu.memory_space<vmem>> -> memref<128xi32, #tpu.memory_space<vmem>>
      %dma_wait3A_517 = arith.constant 0 : i32
      %dma_wait3A_518 = arith.constant 0 : i32
      %dma_wait3A_519 = tpu.memref_slice %arg17[%dma_wait3A_517, %dma_wait3A_518] : memref<10112x32xf32, #tpu.memory_space<vmem_shared>> -> memref<10112x32xf32, #tpu.memory_space<vmem_shared>>
      tpu.wait_indirect_dma semaphore(%arg31 : memref<!tpu.dma_semaphore, #tpu.memory_space<semaphore_mem>>) src(%arg14 : memref<128x32xf32, #tpu.memory_space<vmem>>) dst(%dma_wait3A_519 : memref<10112x32xf32, #tpu.memory_space<vmem_shared>>)
      %add3A_520 = arith.constant 8 : i32
      %add3A_521 = arith.addi %mul3A_242, %add3A_520 : i32
      %add3A_522 = arith.constant 5 : i32
      %add3A_523 = arith.addi %add3A_521, %add3A_522 : i32
      %dma_start3A_524 = arith.constant 0 : i32
      %dma_start3A_525 = tpu.memref_slice %arg7[%add3A_523, %dma_start3A_524] : memref<160x128xi32, #tpu.memory_space<vmem>> -> memref<1x128xi32, #tpu.memory_space<vmem>>
      %dma_start3A_526 = tpu.memref_squeeze %dma_start3A_525 : memref<1x128xi32, #tpu.memory_space<vmem>> -> memref<128xi32, #tpu.memory_space<vmem>>
      %dma_start3A_527 = arith.constant 0 : i32
      %dma_start3A_528 = arith.constant 0 : i32
      %dma_start3A_529 = tpu.memref_slice %arg4[%arg0, %dma_start3A_527, %dma_start3A_528] : memref<2x10000x32xf32, #tpu.memory_space<hbm>> -> memref<1x10000x32xf32, #tpu.memory_space<hbm>>
      %dma_start3A_530 = tpu.memref_squeeze %dma_start3A_529 : memref<1x10000x32xf32, #tpu.memory_space<hbm>> -> memref<10000x32xf32, #tpu.memory_space<hbm>>
      %dma_start3A_531 = arith.constant 0 : i32
      %dma_start3A_532 = arith.constant 0 : i32
      %dma_start3A_533 = tpu.memref_slice %dma_start3A_530[%dma_start3A_531, %dma_start3A_532] : memref<10000x32xf32, #tpu.memory_space<hbm>> -> memref<10000x32xf32, #tpu.memory_space<hbm>>
      tpu.enqueue_indirect_dma source(%dma_start3A_533 : memref<10000x32xf32, #tpu.memory_space<hbm>>) target(%arg14 : memref<128x32xf32, #tpu.memory_space<vmem>>) offsets(%dma_start3A_526 : memref<128xi32, #tpu.memory_space<vmem>>) semaphore(%arg23 : memref<!tpu.dma_semaphore, #tpu.memory_space<semaphore_mem>>)
      %add3A_534 = arith.constant 6 : i32
      %add3A_535 = arith.addi %mul3A_242, %add3A_534 : i32
      %dma_wait3A_536 = arith.constant 0 : i32
      %dma_wait3A_537 = tpu.memref_slice %arg8[%add3A_535, %dma_wait3A_536] : memref<160x128xi32, #tpu.memory_space<vmem>> -> memref<1x128xi32, #tpu.memory_space<vmem>>
      %dma_wait3A_538 = tpu.memref_squeeze %dma_wait3A_537 : memref<1x128xi32, #tpu.memory_space<vmem>> -> memref<128xi32, #tpu.memory_space<vmem>>
      %dma_wait3A_539 = arith.constant 0 : i32
      %dma_wait3A_540 = arith.constant 0 : i32
      %dma_wait3A_541 = tpu.memref_slice %arg17[%dma_wait3A_539, %dma_wait3A_540] : memref<10112x32xf32, #tpu.memory_space<vmem_shared>> -> memref<10112x32xf32, #tpu.memory_space<vmem_shared>>
      tpu.wait_indirect_dma semaphore(%arg32 : memref<!tpu.dma_semaphore, #tpu.memory_space<semaphore_mem>>) src(%arg15 : memref<128x32xf32, #tpu.memory_space<vmem>>) dst(%dma_wait3A_541 : memref<10112x32xf32, #tpu.memory_space<vmem_shared>>)
      %add3A_542 = arith.constant 8 : i32
      %add3A_543 = arith.addi %mul3A_242, %add3A_542 : i32
      %add3A_544 = arith.constant 6 : i32
      %add3A_545 = arith.addi %add3A_543, %add3A_544 : i32
      %dma_start3A_546 = arith.constant 0 : i32
      %dma_start3A_547 = tpu.memref_slice %arg7[%add3A_545, %dma_start3A_546] : memref<160x128xi32, #tpu.memory_space<vmem>> -> memref<1x128xi32, #tpu.memory_space<vmem>>
      %dma_start3A_548 = tpu.memref_squeeze %dma_start3A_547 : memref<1x128xi32, #tpu.memory_space<vmem>> -> memref<128xi32, #tpu.memory_space<vmem>>
      %dma_start3A_549 = arith.constant 0 : i32
      %dma_start3A_550 = arith.constant 0 : i32
      %dma_start3A_551 = tpu.memref_slice %arg4[%arg0, %dma_start3A_549, %dma_start3A_550] : memref<2x10000x32xf32, #tpu.memory_space<hbm>> -> memref<1x10000x32xf32, #tpu.memory_space<hbm>>
      %dma_start3A_552 = tpu.memref_squeeze %dma_start3A_551 : memref<1x10000x32xf32, #tpu.memory_space<hbm>> -> memref<10000x32xf32, #tpu.memory_space<hbm>>
      %dma_start3A_553 = arith.constant 0 : i32
      %dma_start3A_554 = arith.constant 0 : i32
      %dma_start3A_555 = tpu.memref_slice %dma_start3A_552[%dma_start3A_553, %dma_start3A_554] : memref<10000x32xf32, #tpu.memory_space<hbm>> -> memref<10000x32xf32, #tpu.memory_space<hbm>>
      tpu.enqueue_indirect_dma source(%dma_start3A_555 : memref<10000x32xf32, #tpu.memory_space<hbm>>) target(%arg15 : memref<128x32xf32, #tpu.memory_space<vmem>>) offsets(%dma_start3A_548 : memref<128xi32, #tpu.memory_space<vmem>>) semaphore(%arg24 : memref<!tpu.dma_semaphore, #tpu.memory_space<semaphore_mem>>)
      %add3A_556 = arith.constant 7 : i32
      %add3A_557 = arith.addi %mul3A_242, %add3A_556 : i32
      %dma_wait3A_558 = arith.constant 0 : i32
      %dma_wait3A_559 = tpu.memref_slice %arg8[%add3A_557, %dma_wait3A_558] : memref<160x128xi32, #tpu.memory_space<vmem>> -> memref<1x128xi32, #tpu.memory_space<vmem>>
      %dma_wait3A_560 = tpu.memref_squeeze %dma_wait3A_559 : memref<1x128xi32, #tpu.memory_space<vmem>> -> memref<128xi32, #tpu.memory_space<vmem>>
      %dma_wait3A_561 = arith.constant 0 : i32
      %dma_wait3A_562 = arith.constant 0 : i32
      %dma_wait3A_563 = tpu.memref_slice %arg17[%dma_wait3A_561, %dma_wait3A_562] : memref<10112x32xf32, #tpu.memory_space<vmem_shared>> -> memref<10112x32xf32, #tpu.memory_space<vmem_shared>>
      tpu.wait_indirect_dma semaphore(%arg33 : memref<!tpu.dma_semaphore, #tpu.memory_space<semaphore_mem>>) src(%arg16 : memref<128x32xf32, #tpu.memory_space<vmem>>) dst(%dma_wait3A_563 : memref<10112x32xf32, #tpu.memory_space<vmem_shared>>)
      %add3A_564 = arith.constant 8 : i32
      %add3A_565 = arith.addi %mul3A_242, %add3A_564 : i32
      %add3A_566 = arith.constant 7 : i32
      %add3A_567 = arith.addi %add3A_565, %add3A_566 : i32
      %dma_start3A_568 = arith.constant 0 : i32
      %dma_start3A_569 = tpu.memref_slice %arg7[%add3A_567, %dma_start3A_568] : memref<160x128xi32, #tpu.memory_space<vmem>> -> memref<1x128xi32, #tpu.memory_space<vmem>>
      %dma_start3A_570 = tpu.memref_squeeze %dma_start3A_569 : memref<1x128xi32, #tpu.memory_space<vmem>> -> memref<128xi32, #tpu.memory_space<vmem>>
      %dma_start3A_571 = arith.constant 0 : i32
      %dma_start3A_572 = arith.constant 0 : i32
      %dma_start3A_573 = tpu.memref_slice %arg4[%arg0, %dma_start3A_571, %dma_start3A_572] : memref<2x10000x32xf32, #tpu.memory_space<hbm>> -> memref<1x10000x32xf32, #tpu.memory_space<hbm>>
      %dma_start3A_574 = tpu.memref_squeeze %dma_start3A_573 : memref<1x10000x32xf32, #tpu.memory_space<hbm>> -> memref<10000x32xf32, #tpu.memory_space<hbm>>
      %dma_start3A_575 = arith.constant 0 : i32
      %dma_start3A_576 = arith.constant 0 : i32
      %dma_start3A_577 = tpu.memref_slice %dma_start3A_574[%dma_start3A_575, %dma_start3A_576] : memref<10000x32xf32, #tpu.memory_space<hbm>> -> memref<10000x32xf32, #tpu.memory_space<hbm>>
      tpu.enqueue_indirect_dma source(%dma_start3A_577 : memref<10000x32xf32, #tpu.memory_space<hbm>>) target(%arg16 : memref<128x32xf32, #tpu.memory_space<vmem>>) offsets(%dma_start3A_570 : memref<128xi32, #tpu.memory_space<vmem>>) semaphore(%arg25 : memref<!tpu.dma_semaphore, #tpu.memory_space<semaphore_mem>>)
    }
    %scan3A_137 = arith.constant 19 : i32
    %dma_wait3A_138 = arith.constant 152 : i32
    %dma_wait3A_139 = arith.constant 0 : i32
    %dma_wait3A_140 = tpu.memref_slice %arg7[%dma_wait3A_138, %dma_wait3A_139] : memref<160x128xi32, #tpu.memory_space<vmem>> -> memref<1x128xi32, #tpu.memory_space<vmem>>
    %dma_wait3A_141 = tpu.memref_squeeze %dma_wait3A_140 : memref<1x128xi32, #tpu.memory_space<vmem>> -> memref<128xi32, #tpu.memory_space<vmem>>
    %dma_wait3A_142 = arith.constant 0 : i32
    %dma_wait3A_143 = arith.constant 0 : i32
    %dma_wait3A_144 = tpu.memref_slice %arg4[%arg0, %dma_wait3A_142, %dma_wait3A_143] : memref<2x10000x32xf32, #tpu.memory_space<hbm>> -> memref<1x10000x32xf32, #tpu.memory_space<hbm>>
    %dma_wait3A_145 = tpu.memref_squeeze %dma_wait3A_144 : memref<1x10000x32xf32, #tpu.memory_space<hbm>> -> memref<10000x32xf32, #tpu.memory_space<hbm>>
    %dma_wait3A_146 = arith.constant 0 : i32
    %dma_wait3A_147 = arith.constant 0 : i32
    %dma_wait3A_148 = tpu.memref_slice %dma_wait3A_145[%dma_wait3A_146, %dma_wait3A_147] : memref<10000x32xf32, #tpu.memory_space<hbm>> -> memref<10000x32xf32, #tpu.memory_space<hbm>>
    tpu.wait_indirect_dma semaphore(%arg18 : memref<!tpu.dma_semaphore, #tpu.memory_space<semaphore_mem>>) src(%dma_wait3A_148 : memref<10000x32xf32, #tpu.memory_space<hbm>>) dst(%arg9 : memref<128x32xf32, #tpu.memory_space<vmem>>)
    %run_scoped3A = arith.constant 152 : i32
    "tpu.region"() ({
      %run_scoped3A_240 = tpu.sem_alloc : memref<!tpu.dma_semaphore, #tpu.memory_space<semaphore_mem>>
      %dma_start3A_241 = arith.constant 0 : i32
      %dma_start3A_242 = tpu.memref_slice %arg8[%run_scoped3A, %dma_start3A_241] : memref<160x128xi32, #tpu.memory_space<vmem>> -> memref<1x128xi32, #tpu.memory_space<vmem>>
      %dma_start3A_243 = tpu.memref_squeeze %dma_start3A_242 : memref<1x128xi32, #tpu.memory_space<vmem>> -> memref<128xi32, #tpu.memory_space<vmem>>
      %dma_start3A_244 = arith.constant 0 : i32
      %dma_start3A_245 = arith.constant 0 : i32
      %dma_start3A_246 = tpu.memref_slice %arg17[%dma_start3A_244, %dma_start3A_245] : memref<10112x32xf32, #tpu.memory_space<vmem_shared>> -> memref<10112x32xf32, #tpu.memory_space<vmem_shared>>
      tpu.enqueue_indirect_dma source(%arg9 : memref<128x32xf32, #tpu.memory_space<vmem>>) target(%dma_start3A_246 : memref<10112x32xf32, #tpu.memory_space<vmem_shared>>) offsets(%dma_start3A_243 : memref<128xi32, #tpu.memory_space<vmem>>) semaphore(%run_scoped3A_240 : memref<!tpu.dma_semaphore, #tpu.memory_space<semaphore_mem>>) {add = true}
      %dma_wait3A_247 = arith.constant 0 : i32
      %dma_wait3A_248 = tpu.memref_slice %arg8[%run_scoped3A, %dma_wait3A_247] : memref<160x128xi32, #tpu.memory_space<vmem>> -> memref<1x128xi32, #tpu.memory_space<vmem>>
      %dma_wait3A_249 = tpu.memref_squeeze %dma_wait3A_248 : memref<1x128xi32, #tpu.memory_space<vmem>> -> memref<128xi32, #tpu.memory_space<vmem>>
      %dma_wait3A_250 = arith.constant 0 : i32
      %dma_wait3A_251 = arith.constant 0 : i32
      %dma_wait3A_252 = tpu.memref_slice %arg17[%dma_wait3A_250, %dma_wait3A_251] : memref<10112x32xf32, #tpu.memory_space<vmem_shared>> -> memref<10112x32xf32, #tpu.memory_space<vmem_shared>>
      tpu.wait_indirect_dma semaphore(%run_scoped3A_240 : memref<!tpu.dma_semaphore, #tpu.memory_space<semaphore_mem>>) src(%arg9 : memref<128x32xf32, #tpu.memory_space<vmem>>) dst(%dma_wait3A_252 : memref<10112x32xf32, #tpu.memory_space<vmem_shared>>)
      tpu.yield
    }) : () -> ()
    %dma_wait3A_149 = arith.constant 153 : i32
    %dma_wait3A_150 = arith.constant 0 : i32
    %dma_wait3A_151 = tpu.memref_slice %arg7[%dma_wait3A_149, %dma_wait3A_150] : memref<160x128xi32, #tpu.memory_space<vmem>> -> memref<1x128xi32, #tpu.memory_space<vmem>>
    %dma_wait3A_152 = tpu.memref_squeeze %dma_wait3A_151 : memref<1x128xi32, #tpu.memory_space<vmem>> -> memref<128xi32, #tpu.memory_space<vmem>>
    %dma_wait3A_153 = arith.constant 0 : i32
    %dma_wait3A_154 = arith.constant 0 : i32
    %dma_wait3A_155 = tpu.memref_slice %arg4[%arg0, %dma_wait3A_153, %dma_wait3A_154] : memref<2x10000x32xf32, #tpu.memory_space<hbm>> -> memref<1x10000x32xf32, #tpu.memory_space<hbm>>
    %dma_wait3A_156 = tpu.memref_squeeze %dma_wait3A_155 : memref<1x10000x32xf32, #tpu.memory_space<hbm>> -> memref<10000x32xf32, #tpu.memory_space<hbm>>
    %dma_wait3A_157 = arith.constant 0 : i32
    %dma_wait3A_158 = arith.constant 0 : i32
    %dma_wait3A_159 = tpu.memref_slice %dma_wait3A_156[%dma_wait3A_157, %dma_wait3A_158] : memref<10000x32xf32, #tpu.memory_space<hbm>> -> memref<10000x32xf32, #tpu.memory_space<hbm>>
    tpu.wait_indirect_dma semaphore(%arg19 : memref<!tpu.dma_semaphore, #tpu.memory_space<semaphore_mem>>) src(%dma_wait3A_159 : memref<10000x32xf32, #tpu.memory_space<hbm>>) dst(%arg10 : memref<128x32xf32, #tpu.memory_space<vmem>>)
    %run_scoped3A_160 = arith.constant 153 : i32
    "tpu.region"() ({
      %run_scoped3A_240 = tpu.sem_alloc : memref<!tpu.dma_semaphore, #tpu.memory_space<semaphore_mem>>
      %dma_start3A_241 = arith.constant 0 : i32
      %dma_start3A_242 = tpu.memref_slice %arg8[%run_scoped3A_160, %dma_start3A_241] : memref<160x128xi32, #tpu.memory_space<vmem>> -> memref<1x128xi32, #tpu.memory_space<vmem>>
      %dma_start3A_243 = tpu.memref_squeeze %dma_start3A_242 : memref<1x128xi32, #tpu.memory_space<vmem>> -> memref<128xi32, #tpu.memory_space<vmem>>
      %dma_start3A_244 = arith.constant 0 : i32
      %dma_start3A_245 = arith.constant 0 : i32
      %dma_start3A_246 = tpu.memref_slice %arg17[%dma_start3A_244, %dma_start3A_245] : memref<10112x32xf32, #tpu.memory_space<vmem_shared>> -> memref<10112x32xf32, #tpu.memory_space<vmem_shared>>
      tpu.enqueue_indirect_dma source(%arg10 : memref<128x32xf32, #tpu.memory_space<vmem>>) target(%dma_start3A_246 : memref<10112x32xf32, #tpu.memory_space<vmem_shared>>) offsets(%dma_start3A_243 : memref<128xi32, #tpu.memory_space<vmem>>) semaphore(%run_scoped3A_240 : memref<!tpu.dma_semaphore, #tpu.memory_space<semaphore_mem>>) {add = true}
      %dma_wait3A_247 = arith.constant 0 : i32
      %dma_wait3A_248 = tpu.memref_slice %arg8[%run_scoped3A_160, %dma_wait3A_247] : memref<160x128xi32, #tpu.memory_space<vmem>> -> memref<1x128xi32, #tpu.memory_space<vmem>>
      %dma_wait3A_249 = tpu.memref_squeeze %dma_wait3A_248 : memref<1x128xi32, #tpu.memory_space<vmem>> -> memref<128xi32, #tpu.memory_space<vmem>>
      %dma_wait3A_250 = arith.constant 0 : i32
      %dma_wait3A_251 = arith.constant 0 : i32
      %dma_wait3A_252 = tpu.memref_slice %arg17[%dma_wait3A_250, %dma_wait3A_251] : memref<10112x32xf32, #tpu.memory_space<vmem_shared>> -> memref<10112x32xf32, #tpu.memory_space<vmem_shared>>
      tpu.wait_indirect_dma semaphore(%run_scoped3A_240 : memref<!tpu.dma_semaphore, #tpu.memory_space<semaphore_mem>>) src(%arg10 : memref<128x32xf32, #tpu.memory_space<vmem>>) dst(%dma_wait3A_252 : memref<10112x32xf32, #tpu.memory_space<vmem_shared>>)
      tpu.yield
    }) : () -> ()
    %dma_wait3A_161 = arith.constant 154 : i32
    %dma_wait3A_162 = arith.constant 0 : i32
    %dma_wait3A_163 = tpu.memref_slice %arg7[%dma_wait3A_161, %dma_wait3A_162] : memref<160x128xi32, #tpu.memory_space<vmem>> -> memref<1x128xi32, #tpu.memory_space<vmem>>
    %dma_wait3A_164 = tpu.memref_squeeze %dma_wait3A_163 : memref<1x128xi32, #tpu.memory_space<vmem>> -> memref<128xi32, #tpu.memory_space<vmem>>
    %dma_wait3A_165 = arith.constant 0 : i32
    %dma_wait3A_166 = arith.constant 0 : i32
    %dma_wait3A_167 = tpu.memref_slice %arg4[%arg0, %dma_wait3A_165, %dma_wait3A_166] : memref<2x10000x32xf32, #tpu.memory_space<hbm>> -> memref<1x10000x32xf32, #tpu.memory_space<hbm>>
    %dma_wait3A_168 = tpu.memref_squeeze %dma_wait3A_167 : memref<1x10000x32xf32, #tpu.memory_space<hbm>> -> memref<10000x32xf32, #tpu.memory_space<hbm>>
    %dma_wait3A_169 = arith.constant 0 : i32
    %dma_wait3A_170 = arith.constant 0 : i32
    %dma_wait3A_171 = tpu.memref_slice %dma_wait3A_168[%dma_wait3A_169, %dma_wait3A_170] : memref<10000x32xf32, #tpu.memory_space<hbm>> -> memref<10000x32xf32, #tpu.memory_space<hbm>>
    tpu.wait_indirect_dma semaphore(%arg20 : memref<!tpu.dma_semaphore, #tpu.memory_space<semaphore_mem>>) src(%dma_wait3A_171 : memref<10000x32xf32, #tpu.memory_space<hbm>>) dst(%arg11 : memref<128x32xf32, #tpu.memory_space<vmem>>)
    %run_scoped3A_172 = arith.constant 154 : i32
    "tpu.region"() ({
      %run_scoped3A_240 = tpu.sem_alloc : memref<!tpu.dma_semaphore, #tpu.memory_space<semaphore_mem>>
      %dma_start3A_241 = arith.constant 0 : i32
      %dma_start3A_242 = tpu.memref_slice %arg8[%run_scoped3A_172, %dma_start3A_241] : memref<160x128xi32, #tpu.memory_space<vmem>> -> memref<1x128xi32, #tpu.memory_space<vmem>>
      %dma_start3A_243 = tpu.memref_squeeze %dma_start3A_242 : memref<1x128xi32, #tpu.memory_space<vmem>> -> memref<128xi32, #tpu.memory_space<vmem>>
      %dma_start3A_244 = arith.constant 0 : i32
      %dma_start3A_245 = arith.constant 0 : i32
      %dma_start3A_246 = tpu.memref_slice %arg17[%dma_start3A_244, %dma_start3A_245] : memref<10112x32xf32, #tpu.memory_space<vmem_shared>> -> memref<10112x32xf32, #tpu.memory_space<vmem_shared>>
      tpu.enqueue_indirect_dma source(%arg11 : memref<128x32xf32, #tpu.memory_space<vmem>>) target(%dma_start3A_246 : memref<10112x32xf32, #tpu.memory_space<vmem_shared>>) offsets(%dma_start3A_243 : memref<128xi32, #tpu.memory_space<vmem>>) semaphore(%run_scoped3A_240 : memref<!tpu.dma_semaphore, #tpu.memory_space<semaphore_mem>>) {add = true}
      %dma_wait3A_247 = arith.constant 0 : i32
      %dma_wait3A_248 = tpu.memref_slice %arg8[%run_scoped3A_172, %dma_wait3A_247] : memref<160x128xi32, #tpu.memory_space<vmem>> -> memref<1x128xi32, #tpu.memory_space<vmem>>
      %dma_wait3A_249 = tpu.memref_squeeze %dma_wait3A_248 : memref<1x128xi32, #tpu.memory_space<vmem>> -> memref<128xi32, #tpu.memory_space<vmem>>
      %dma_wait3A_250 = arith.constant 0 : i32
      %dma_wait3A_251 = arith.constant 0 : i32
      %dma_wait3A_252 = tpu.memref_slice %arg17[%dma_wait3A_250, %dma_wait3A_251] : memref<10112x32xf32, #tpu.memory_space<vmem_shared>> -> memref<10112x32xf32, #tpu.memory_space<vmem_shared>>
      tpu.wait_indirect_dma semaphore(%run_scoped3A_240 : memref<!tpu.dma_semaphore, #tpu.memory_space<semaphore_mem>>) src(%arg11 : memref<128x32xf32, #tpu.memory_space<vmem>>) dst(%dma_wait3A_252 : memref<10112x32xf32, #tpu.memory_space<vmem_shared>>)
      tpu.yield
    }) : () -> ()
    %dma_wait3A_173 = arith.constant 155 : i32
    %dma_wait3A_174 = arith.constant 0 : i32
    %dma_wait3A_175 = tpu.memref_slice %arg7[%dma_wait3A_173, %dma_wait3A_174] : memref<160x128xi32, #tpu.memory_space<vmem>> -> memref<1x128xi32, #tpu.memory_space<vmem>>
    %dma_wait3A_176 = tpu.memref_squeeze %dma_wait3A_175 : memref<1x128xi32, #tpu.memory_space<vmem>> -> memref<128xi32, #tpu.memory_space<vmem>>
    %dma_wait3A_177 = arith.constant 0 : i32
    %dma_wait3A_178 = arith.constant 0 : i32
    %dma_wait3A_179 = tpu.memref_slice %arg4[%arg0, %dma_wait3A_177, %dma_wait3A_178] : memref<2x10000x32xf32, #tpu.memory_space<hbm>> -> memref<1x10000x32xf32, #tpu.memory_space<hbm>>
    %dma_wait3A_180 = tpu.memref_squeeze %dma_wait3A_179 : memref<1x10000x32xf32, #tpu.memory_space<hbm>> -> memref<10000x32xf32, #tpu.memory_space<hbm>>
    %dma_wait3A_181 = arith.constant 0 : i32
    %dma_wait3A_182 = arith.constant 0 : i32
    %dma_wait3A_183 = tpu.memref_slice %dma_wait3A_180[%dma_wait3A_181, %dma_wait3A_182] : memref<10000x32xf32, #tpu.memory_space<hbm>> -> memref<10000x32xf32, #tpu.memory_space<hbm>>
    tpu.wait_indirect_dma semaphore(%arg21 : memref<!tpu.dma_semaphore, #tpu.memory_space<semaphore_mem>>) src(%dma_wait3A_183 : memref<10000x32xf32, #tpu.memory_space<hbm>>) dst(%arg12 : memref<128x32xf32, #tpu.memory_space<vmem>>)
    %run_scoped3A_184 = arith.constant 155 : i32
    "tpu.region"() ({
      %run_scoped3A_240 = tpu.sem_alloc : memref<!tpu.dma_semaphore, #tpu.memory_space<semaphore_mem>>
      %dma_start3A_241 = arith.constant 0 : i32
      %dma_start3A_242 = tpu.memref_slice %arg8[%run_scoped3A_184, %dma_start3A_241] : memref<160x128xi32, #tpu.memory_space<vmem>> -> memref<1x128xi32, #tpu.memory_space<vmem>>
      %dma_start3A_243 = tpu.memref_squeeze %dma_start3A_242 : memref<1x128xi32, #tpu.memory_space<vmem>> -> memref<128xi32, #tpu.memory_space<vmem>>
      %dma_start3A_244 = arith.constant 0 : i32
      %dma_start3A_245 = arith.constant 0 : i32
      %dma_start3A_246 = tpu.memref_slice %arg17[%dma_start3A_244, %dma_start3A_245] : memref<10112x32xf32, #tpu.memory_space<vmem_shared>> -> memref<10112x32xf32, #tpu.memory_space<vmem_shared>>
      tpu.enqueue_indirect_dma source(%arg12 : memref<128x32xf32, #tpu.memory_space<vmem>>) target(%dma_start3A_246 : memref<10112x32xf32, #tpu.memory_space<vmem_shared>>) offsets(%dma_start3A_243 : memref<128xi32, #tpu.memory_space<vmem>>) semaphore(%run_scoped3A_240 : memref<!tpu.dma_semaphore, #tpu.memory_space<semaphore_mem>>) {add = true}
      %dma_wait3A_247 = arith.constant 0 : i32
      %dma_wait3A_248 = tpu.memref_slice %arg8[%run_scoped3A_184, %dma_wait3A_247] : memref<160x128xi32, #tpu.memory_space<vmem>> -> memref<1x128xi32, #tpu.memory_space<vmem>>
      %dma_wait3A_249 = tpu.memref_squeeze %dma_wait3A_248 : memref<1x128xi32, #tpu.memory_space<vmem>> -> memref<128xi32, #tpu.memory_space<vmem>>
      %dma_wait3A_250 = arith.constant 0 : i32
      %dma_wait3A_251 = arith.constant 0 : i32
      %dma_wait3A_252 = tpu.memref_slice %arg17[%dma_wait3A_250, %dma_wait3A_251] : memref<10112x32xf32, #tpu.memory_space<vmem_shared>> -> memref<10112x32xf32, #tpu.memory_space<vmem_shared>>
      tpu.wait_indirect_dma semaphore(%run_scoped3A_240 : memref<!tpu.dma_semaphore, #tpu.memory_space<semaphore_mem>>) src(%arg12 : memref<128x32xf32, #tpu.memory_space<vmem>>) dst(%dma_wait3A_252 : memref<10112x32xf32, #tpu.memory_space<vmem_shared>>)
      tpu.yield
    }) : () -> ()
    %dma_wait3A_185 = arith.constant 156 : i32
    %dma_wait3A_186 = arith.constant 0 : i32
    %dma_wait3A_187 = tpu.memref_slice %arg7[%dma_wait3A_185, %dma_wait3A_186] : memref<160x128xi32, #tpu.memory_space<vmem>> -> memref<1x128xi32, #tpu.memory_space<vmem>>
    %dma_wait3A_188 = tpu.memref_squeeze %dma_wait3A_187 : memref<1x128xi32, #tpu.memory_space<vmem>> -> memref<128xi32, #tpu.memory_space<vmem>>
    %dma_wait3A_189 = arith.constant 0 : i32
    %dma_wait3A_190 = arith.constant 0 : i32
    %dma_wait3A_191 = tpu.memref_slice %arg4[%arg0, %dma_wait3A_189, %dma_wait3A_190] : memref<2x10000x32xf32, #tpu.memory_space<hbm>> -> memref<1x10000x32xf32, #tpu.memory_space<hbm>>
    %dma_wait3A_192 = tpu.memref_squeeze %dma_wait3A_191 : memref<1x10000x32xf32, #tpu.memory_space<hbm>> -> memref<10000x32xf32, #tpu.memory_space<hbm>>
    %dma_wait3A_193 = arith.constant 0 : i32
    %dma_wait3A_194 = arith.constant 0 : i32
    %dma_wait3A_195 = tpu.memref_slice %dma_wait3A_192[%dma_wait3A_193, %dma_wait3A_194] : memref<10000x32xf32, #tpu.memory_space<hbm>> -> memref<10000x32xf32, #tpu.memory_space<hbm>>
    tpu.wait_indirect_dma semaphore(%arg22 : memref<!tpu.dma_semaphore, #tpu.memory_space<semaphore_mem>>) src(%dma_wait3A_195 : memref<10000x32xf32, #tpu.memory_space<hbm>>) dst(%arg13 : memref<128x32xf32, #tpu.memory_space<vmem>>)
    %run_scoped3A_196 = arith.constant 156 : i32
    "tpu.region"() ({
      %run_scoped3A_240 = tpu.sem_alloc : memref<!tpu.dma_semaphore, #tpu.memory_space<semaphore_mem>>
      %dma_start3A_241 = arith.constant 0 : i32
      %dma_start3A_242 = tpu.memref_slice %arg8[%run_scoped3A_196, %dma_start3A_241] : memref<160x128xi32, #tpu.memory_space<vmem>> -> memref<1x128xi32, #tpu.memory_space<vmem>>
      %dma_start3A_243 = tpu.memref_squeeze %dma_start3A_242 : memref<1x128xi32, #tpu.memory_space<vmem>> -> memref<128xi32, #tpu.memory_space<vmem>>
      %dma_start3A_244 = arith.constant 0 : i32
      %dma_start3A_245 = arith.constant 0 : i32
      %dma_start3A_246 = tpu.memref_slice %arg17[%dma_start3A_244, %dma_start3A_245] : memref<10112x32xf32, #tpu.memory_space<vmem_shared>> -> memref<10112x32xf32, #tpu.memory_space<vmem_shared>>
      tpu.enqueue_indirect_dma source(%arg13 : memref<128x32xf32, #tpu.memory_space<vmem>>) target(%dma_start3A_246 : memref<10112x32xf32, #tpu.memory_space<vmem_shared>>) offsets(%dma_start3A_243 : memref<128xi32, #tpu.memory_space<vmem>>) semaphore(%run_scoped3A_240 : memref<!tpu.dma_semaphore, #tpu.memory_space<semaphore_mem>>) {add = true}
      %dma_wait3A_247 = arith.constant 0 : i32
      %dma_wait3A_248 = tpu.memref_slice %arg8[%run_scoped3A_196, %dma_wait3A_247] : memref<160x128xi32, #tpu.memory_space<vmem>> -> memref<1x128xi32, #tpu.memory_space<vmem>>
      %dma_wait3A_249 = tpu.memref_squeeze %dma_wait3A_248 : memref<1x128xi32, #tpu.memory_space<vmem>> -> memref<128xi32, #tpu.memory_space<vmem>>
      %dma_wait3A_250 = arith.constant 0 : i32
      %dma_wait3A_251 = arith.constant 0 : i32
      %dma_wait3A_252 = tpu.memref_slice %arg17[%dma_wait3A_250, %dma_wait3A_251] : memref<10112x32xf32, #tpu.memory_space<vmem_shared>> -> memref<10112x32xf32, #tpu.memory_space<vmem_shared>>
      tpu.wait_indirect_dma semaphore(%run_scoped3A_240 : memref<!tpu.dma_semaphore, #tpu.memory_space<semaphore_mem>>) src(%arg13 : memref<128x32xf32, #tpu.memory_space<vmem>>) dst(%dma_wait3A_252 : memref<10112x32xf32, #tpu.memory_space<vmem_shared>>)
      tpu.yield
    }) : () -> ()
    %dma_wait3A_197 = arith.constant 157 : i32
    %dma_wait3A_198 = arith.constant 0 : i32
    %dma_wait3A_199 = tpu.memref_slice %arg7[%dma_wait3A_197, %dma_wait3A_198] : memref<160x128xi32, #tpu.memory_space<vmem>> -> memref<1x128xi32, #tpu.memory_space<vmem>>
    %dma_wait3A_200 = tpu.memref_squeeze %dma_wait3A_199 : memref<1x128xi32, #tpu.memory_space<vmem>> -> memref<128xi32, #tpu.memory_space<vmem>>
    %dma_wait3A_201 = arith.constant 0 : i32
    %dma_wait3A_202 = arith.constant 0 : i32
    %dma_wait3A_203 = tpu.memref_slice %arg4[%arg0, %dma_wait3A_201, %dma_wait3A_202] : memref<2x10000x32xf32, #tpu.memory_space<hbm>> -> memref<1x10000x32xf32, #tpu.memory_space<hbm>>
    %dma_wait3A_204 = tpu.memref_squeeze %dma_wait3A_203 : memref<1x10000x32xf32, #tpu.memory_space<hbm>> -> memref<10000x32xf32, #tpu.memory_space<hbm>>
    %dma_wait3A_205 = arith.constant 0 : i32
    %dma_wait3A_206 = arith.constant 0 : i32
    %dma_wait3A_207 = tpu.memref_slice %dma_wait3A_204[%dma_wait3A_205, %dma_wait3A_206] : memref<10000x32xf32, #tpu.memory_space<hbm>> -> memref<10000x32xf32, #tpu.memory_space<hbm>>
    tpu.wait_indirect_dma semaphore(%arg23 : memref<!tpu.dma_semaphore, #tpu.memory_space<semaphore_mem>>) src(%dma_wait3A_207 : memref<10000x32xf32, #tpu.memory_space<hbm>>) dst(%arg14 : memref<128x32xf32, #tpu.memory_space<vmem>>)
    %run_scoped3A_208 = arith.constant 157 : i32
    "tpu.region"() ({
      %run_scoped3A_240 = tpu.sem_alloc : memref<!tpu.dma_semaphore, #tpu.memory_space<semaphore_mem>>
      %dma_start3A_241 = arith.constant 0 : i32
      %dma_start3A_242 = tpu.memref_slice %arg8[%run_scoped3A_208, %dma_start3A_241] : memref<160x128xi32, #tpu.memory_space<vmem>> -> memref<1x128xi32, #tpu.memory_space<vmem>>
      %dma_start3A_243 = tpu.memref_squeeze %dma_start3A_242 : memref<1x128xi32, #tpu.memory_space<vmem>> -> memref<128xi32, #tpu.memory_space<vmem>>
      %dma_start3A_244 = arith.constant 0 : i32
      %dma_start3A_245 = arith.constant 0 : i32
      %dma_start3A_246 = tpu.memref_slice %arg17[%dma_start3A_244, %dma_start3A_245] : memref<10112x32xf32, #tpu.memory_space<vmem_shared>> -> memref<10112x32xf32, #tpu.memory_space<vmem_shared>>
      tpu.enqueue_indirect_dma source(%arg14 : memref<128x32xf32, #tpu.memory_space<vmem>>) target(%dma_start3A_246 : memref<10112x32xf32, #tpu.memory_space<vmem_shared>>) offsets(%dma_start3A_243 : memref<128xi32, #tpu.memory_space<vmem>>) semaphore(%run_scoped3A_240 : memref<!tpu.dma_semaphore, #tpu.memory_space<semaphore_mem>>) {add = true}
      %dma_wait3A_247 = arith.constant 0 : i32
      %dma_wait3A_248 = tpu.memref_slice %arg8[%run_scoped3A_208, %dma_wait3A_247] : memref<160x128xi32, #tpu.memory_space<vmem>> -> memref<1x128xi32, #tpu.memory_space<vmem>>
      %dma_wait3A_249 = tpu.memref_squeeze %dma_wait3A_248 : memref<1x128xi32, #tpu.memory_space<vmem>> -> memref<128xi32, #tpu.memory_space<vmem>>
      %dma_wait3A_250 = arith.constant 0 : i32
      %dma_wait3A_251 = arith.constant 0 : i32
      %dma_wait3A_252 = tpu.memref_slice %arg17[%dma_wait3A_250, %dma_wait3A_251] : memref<10112x32xf32, #tpu.memory_space<vmem_shared>> -> memref<10112x32xf32, #tpu.memory_space<vmem_shared>>
      tpu.wait_indirect_dma semaphore(%run_scoped3A_240 : memref<!tpu.dma_semaphore, #tpu.memory_space<semaphore_mem>>) src(%arg14 : memref<128x32xf32, #tpu.memory_space<vmem>>) dst(%dma_wait3A_252 : memref<10112x32xf32, #tpu.memory_space<vmem_shared>>)
      tpu.yield
    }) : () -> ()
    %dma_wait3A_209 = arith.constant 158 : i32
    %dma_wait3A_210 = arith.constant 0 : i32
    %dma_wait3A_211 = tpu.memref_slice %arg7[%dma_wait3A_209, %dma_wait3A_210] : memref<160x128xi32, #tpu.memory_space<vmem>> -> memref<1x128xi32, #tpu.memory_space<vmem>>
    %dma_wait3A_212 = tpu.memref_squeeze %dma_wait3A_211 : memref<1x128xi32, #tpu.memory_space<vmem>> -> memref<128xi32, #tpu.memory_space<vmem>>
    %dma_wait3A_213 = arith.constant 0 : i32
    %dma_wait3A_214 = arith.constant 0 : i32
    %dma_wait3A_215 = tpu.memref_slice %arg4[%arg0, %dma_wait3A_213, %dma_wait3A_214] : memref<2x10000x32xf32, #tpu.memory_space<hbm>> -> memref<1x10000x32xf32, #tpu.memory_space<hbm>>
    %dma_wait3A_216 = tpu.memref_squeeze %dma_wait3A_215 : memref<1x10000x32xf32, #tpu.memory_space<hbm>> -> memref<10000x32xf32, #tpu.memory_space<hbm>>
    %dma_wait3A_217 = arith.constant 0 : i32
    %dma_wait3A_218 = arith.constant 0 : i32
    %dma_wait3A_219 = tpu.memref_slice %dma_wait3A_216[%dma_wait3A_217, %dma_wait3A_218] : memref<10000x32xf32, #tpu.memory_space<hbm>> -> memref<10000x32xf32, #tpu.memory_space<hbm>>
    tpu.wait_indirect_dma semaphore(%arg24 : memref<!tpu.dma_semaphore, #tpu.memory_space<semaphore_mem>>) src(%dma_wait3A_219 : memref<10000x32xf32, #tpu.memory_space<hbm>>) dst(%arg15 : memref<128x32xf32, #tpu.memory_space<vmem>>)
    %run_scoped3A_220 = arith.constant 158 : i32
    "tpu.region"() ({
      %run_scoped3A_240 = tpu.sem_alloc : memref<!tpu.dma_semaphore, #tpu.memory_space<semaphore_mem>>
      %dma_start3A_241 = arith.constant 0 : i32
      %dma_start3A_242 = tpu.memref_slice %arg8[%run_scoped3A_220, %dma_start3A_241] : memref<160x128xi32, #tpu.memory_space<vmem>> -> memref<1x128xi32, #tpu.memory_space<vmem>>
      %dma_start3A_243 = tpu.memref_squeeze %dma_start3A_242 : memref<1x128xi32, #tpu.memory_space<vmem>> -> memref<128xi32, #tpu.memory_space<vmem>>
      %dma_start3A_244 = arith.constant 0 : i32
      %dma_start3A_245 = arith.constant 0 : i32
      %dma_start3A_246 = tpu.memref_slice %arg17[%dma_start3A_244, %dma_start3A_245] : memref<10112x32xf32, #tpu.memory_space<vmem_shared>> -> memref<10112x32xf32, #tpu.memory_space<vmem_shared>>
      tpu.enqueue_indirect_dma source(%arg15 : memref<128x32xf32, #tpu.memory_space<vmem>>) target(%dma_start3A_246 : memref<10112x32xf32, #tpu.memory_space<vmem_shared>>) offsets(%dma_start3A_243 : memref<128xi32, #tpu.memory_space<vmem>>) semaphore(%run_scoped3A_240 : memref<!tpu.dma_semaphore, #tpu.memory_space<semaphore_mem>>) {add = true}
      %dma_wait3A_247 = arith.constant 0 : i32
      %dma_wait3A_248 = tpu.memref_slice %arg8[%run_scoped3A_220, %dma_wait3A_247] : memref<160x128xi32, #tpu.memory_space<vmem>> -> memref<1x128xi32, #tpu.memory_space<vmem>>
      %dma_wait3A_249 = tpu.memref_squeeze %dma_wait3A_248 : memref<1x128xi32, #tpu.memory_space<vmem>> -> memref<128xi32, #tpu.memory_space<vmem>>
      %dma_wait3A_250 = arith.constant 0 : i32
      %dma_wait3A_251 = arith.constant 0 : i32
      %dma_wait3A_252 = tpu.memref_slice %arg17[%dma_wait3A_250, %dma_wait3A_251] : memref<10112x32xf32, #tpu.memory_space<vmem_shared>> -> memref<10112x32xf32, #tpu.memory_space<vmem_shared>>
      tpu.wait_indirect_dma semaphore(%run_scoped3A_240 : memref<!tpu.dma_semaphore, #tpu.memory_space<semaphore_mem>>) src(%arg15 : memref<128x32xf32, #tpu.memory_space<vmem>>) dst(%dma_wait3A_252 : memref<10112x32xf32, #tpu.memory_space<vmem_shared>>)
      tpu.yield
    }) : () -> ()
    %dma_wait3A_221 = arith.constant 159 : i32
    %dma_wait3A_222 = arith.constant 0 : i32
    %dma_wait3A_223 = tpu.memref_slice %arg7[%dma_wait3A_221, %dma_wait3A_222] : memref<160x128xi32, #tpu.memory_space<vmem>> -> memref<1x128xi32, #tpu.memory_space<vmem>>
    %dma_wait3A_224 = tpu.memref_squeeze %dma_wait3A_223 : memref<1x128xi32, #tpu.memory_space<vmem>> -> memref<128xi32, #tpu.memory_space<vmem>>
    %dma_wait3A_225 = arith.constant 0 : i32
    %dma_wait3A_226 = arith.constant 0 : i32
    %dma_wait3A_227 = tpu.memref_slice %arg4[%arg0, %dma_wait3A_225, %dma_wait3A_226] : memref<2x10000x32xf32, #tpu.memory_space<hbm>> -> memref<1x10000x32xf32, #tpu.memory_space<hbm>>
    %dma_wait3A_228 = tpu.memref_squeeze %dma_wait3A_227 : memref<1x10000x32xf32, #tpu.memory_space<hbm>> -> memref<10000x32xf32, #tpu.memory_space<hbm>>
    %dma_wait3A_229 = arith.constant 0 : i32
    %dma_wait3A_230 = arith.constant 0 : i32
    %dma_wait3A_231 = tpu.memref_slice %dma_wait3A_228[%dma_wait3A_229, %dma_wait3A_230] : memref<10000x32xf32, #tpu.memory_space<hbm>> -> memref<10000x32xf32, #tpu.memory_space<hbm>>
    tpu.wait_indirect_dma semaphore(%arg25 : memref<!tpu.dma_semaphore, #tpu.memory_space<semaphore_mem>>) src(%dma_wait3A_231 : memref<10000x32xf32, #tpu.memory_space<hbm>>) dst(%arg16 : memref<128x32xf32, #tpu.memory_space<vmem>>)
    %run_scoped3A_232 = arith.constant 159 : i32
    "tpu.region"() ({
      %run_scoped3A_240 = tpu.sem_alloc : memref<!tpu.dma_semaphore, #tpu.memory_space<semaphore_mem>>
      %dma_start3A_241 = arith.constant 0 : i32
      %dma_start3A_242 = tpu.memref_slice %arg8[%run_scoped3A_232, %dma_start3A_241] : memref<160x128xi32, #tpu.memory_space<vmem>> -> memref<1x128xi32, #tpu.memory_space<vmem>>
      %dma_start3A_243 = tpu.memref_squeeze %dma_start3A_242 : memref<1x128xi32, #tpu.memory_space<vmem>> -> memref<128xi32, #tpu.memory_space<vmem>>
      %dma_start3A_244 = arith.constant 0 : i32
      %dma_start3A_245 = arith.constant 0 : i32
      %dma_start3A_246 = tpu.memref_slice %arg17[%dma_start3A_244, %dma_start3A_245] : memref<10112x32xf32, #tpu.memory_space<vmem_shared>> -> memref<10112x32xf32, #tpu.memory_space<vmem_shared>>
      tpu.enqueue_indirect_dma source(%arg16 : memref<128x32xf32, #tpu.memory_space<vmem>>) target(%dma_start3A_246 : memref<10112x32xf32, #tpu.memory_space<vmem_shared>>) offsets(%dma_start3A_243 : memref<128xi32, #tpu.memory_space<vmem>>) semaphore(%run_scoped3A_240 : memref<!tpu.dma_semaphore, #tpu.memory_space<semaphore_mem>>) {add = true}
      %dma_wait3A_247 = arith.constant 0 : i32
      %dma_wait3A_248 = tpu.memref_slice %arg8[%run_scoped3A_232, %dma_wait3A_247] : memref<160x128xi32, #tpu.memory_space<vmem>> -> memref<1x128xi32, #tpu.memory_space<vmem>>
      %dma_wait3A_249 = tpu.memref_squeeze %dma_wait3A_248 : memref<1x128xi32, #tpu.memory_space<vmem>> -> memref<128xi32, #tpu.memory_space<vmem>>
      %dma_wait3A_250 = arith.constant 0 : i32
      %dma_wait3A_251 = arith.constant 0 : i32
      %dma_wait3A_252 = tpu.memref_slice %arg17[%dma_wait3A_250, %dma_wait3A_251] : memref<10112x32xf32, #tpu.memory_space<vmem_shared>> -> memref<10112x32xf32, #tpu.memory_space<vmem_shared>>
      tpu.wait_indirect_dma semaphore(%run_scoped3A_240 : memref<!tpu.dma_semaphore, #tpu.memory_space<semaphore_mem>>) src(%arg16 : memref<128x32xf32, #tpu.memory_space<vmem>>) dst(%dma_wait3A_252 : memref<10112x32xf32, #tpu.memory_space<vmem_shared>>)
      tpu.yield
    }) : () -> ()
    %barrier3A_233 = arith.constant 0 : index
    tpu.barrier barrier_id(%barrier3A_233)
    %mul3A_234 = arith.constant 632 : i32
    %mul3A_235 = arith.muli %arg1, %mul3A_234 : i32
    %mul3A_236 = arith.constant 632 : i32
    %mul3A_237 = arith.muli %arg1, %mul3A_236 : i32
    %mul3A_238 = arith.constant 32 : i32
    %mul3A_239 = arith.muli %arg0, %mul3A_238 : i32
    "tpu.region"() ({
      %run_scoped3A_240 = tpu.sem_alloc : memref<!tpu.dma_semaphore, #tpu.memory_space<semaphore_mem>>
      %dma_start3A_241 = tpu.memref_slice %arg6[%mul3A_237, %mul3A_239] : memref<10112x128xf32, #tpu.memory_space<hbm>> -> memref<632x32xf32, #tpu.memory_space<hbm>>
      %dma_start3A_242 = arith.constant 0 : i32
      %dma_start3A_243 = tpu.memref_slice %arg17[%mul3A_235, %dma_start3A_242] : memref<10112x32xf32, #tpu.memory_space<vmem_shared>> -> memref<632x32xf32, #tpu.memory_space<vmem_shared>>
      tpu.enqueue_dma source(%dma_start3A_243 : memref<632x32xf32, #tpu.memory_space<vmem_shared>>) target(%dma_start3A_241 : memref<632x32xf32, #tpu.memory_space<hbm>>) target_semaphore(%run_scoped3A_240 : memref<!tpu.dma_semaphore, #tpu.memory_space<semaphore_mem>>)
      %dma_wait3A_244 = tpu.memref_slice %arg6[%mul3A_237, %mul3A_239] : memref<10112x128xf32, #tpu.memory_space<hbm>> -> memref<632x32xf32, #tpu.memory_space<hbm>>
      %dma_wait3A_245 = arith.constant 0 : i32
      %dma_wait3A_246 = tpu.memref_slice %arg17[%mul3A_235, %dma_wait3A_245] : memref<10112x32xf32, #tpu.memory_space<vmem_shared>> -> memref<632x32xf32, #tpu.memory_space<vmem_shared>>
      tpu.wait_dma2 semaphore(%run_scoped3A_240 : memref<!tpu.dma_semaphore, #tpu.memory_space<semaphore_mem>>) src(%dma_wait3A_246 : memref<632x32xf32, #tpu.memory_space<vmem_shared>>) dst(%dma_wait3A_244 : memref<632x32xf32, #tpu.memory_space<hbm>>)
      tpu.yield
    }) : () -> ()
    return
  }
}

#map = affine_map<(d0, d1) -> (0, 0, 0)>
#map1 = affine_map<(d0, d1) -> (0, 0)>
module attributes {stable_mosaic.version = 14 : i64} {
  func.func @agg(%arg0: i32, %arg1: i32, %arg2: memref<16x160x128xi32, #tpu.memory_space<hbm>>, %arg3: memref<16x160x128xi32, #tpu.memory_space<hbm>>, %arg4: memref<2x10000x64xf32, #tpu.memory_space<hbm>>, %arg5: memref<10112x64xf32, #tpu.memory_space<hbm>>, %arg6: memref<10112x128xf32, #tpu.memory_space<hbm>>, %arg7: memref<160x128xi32, #tpu.memory_space<vmem>>, %arg8: memref<160x128xi32, #tpu.memory_space<vmem>>, %arg9: memref<128x64xf32, #tpu.memory_space<vmem>>, %arg10: memref<128x64xf32, #tpu.memory_space<vmem>>, %arg11: memref<128x64xf32, #tpu.memory_space<vmem>>, %arg12: memref<128x64xf32, #tpu.memory_space<vmem>>, %arg13: memref<128x64xf32, #tpu.memory_space<vmem>>, %arg14: memref<10112x64xf32, #tpu.memory_space<vmem_shared>>, %arg15: memref<!tpu.dma_semaphore, #tpu.memory_space<semaphore_mem>>, %arg16: memref<!tpu.dma_semaphore, #tpu.memory_space<semaphore_mem>>, %arg17: memref<!tpu.dma_semaphore, #tpu.memory_space<semaphore_mem>>, %arg18: memref<!tpu.dma_semaphore, #tpu.memory_space<semaphore_mem>>, %arg19: memref<!tpu.dma_semaphore, #tpu.memory_space<semaphore_mem>>, %arg20: memref<!tpu.dma_semaphore, #tpu.memory_space<semaphore_mem>>, %arg21: memref<!tpu.dma_semaphore, #tpu.memory_space<semaphore_mem>>, %arg22: memref<!tpu.dma_semaphore, #tpu.memory_space<semaphore_mem>>, %arg23: memref<!tpu.dma_semaphore, #tpu.memory_space<semaphore_mem>>, %arg24: memref<!tpu.dma_semaphore, #tpu.memory_space<semaphore_mem>>) attributes {dimension_semantics = [#tpu.dimension_semantics<core_parallel>, #tpu.dimension_semantics<subcore_parallel>], iteration_bounds = array<i64: 2, 16>, scalar_prefetch = 0 : i64, scratch_operands = 18 : i64, tpu.core_type = #tpu.core_type<sc_vector_subcore>, window_params = [{transform_indices = #map}, {transform_indices = #map}, {transform_indices = #map}, {transform_indices = #map1}, {transform_indices = #map1}]} {
    %dma_start3A = arith.constant 0 : i32
    %dma_start3A_0 = arith.constant 0 : i32
    %dma_start3A_1 = tpu.memref_slice %arg2[%arg1, %dma_start3A, %dma_start3A_0] : memref<16x160x128xi32, #tpu.memory_space<hbm>> -> memref<1x160x128xi32, #tpu.memory_space<hbm>>
    %dma_start3A_2 = tpu.memref_squeeze %dma_start3A_1 : memref<1x160x128xi32, #tpu.memory_space<hbm>> -> memref<160x128xi32, #tpu.memory_space<hbm>>
    %dma_start3A_3 = arith.constant 0 : i32
    %dma_start3A_4 = arith.constant 0 : i32
    %dma_start3A_5 = tpu.memref_slice %arg2[%arg1, %dma_start3A_3, %dma_start3A_4] : memref<16x160x128xi32, #tpu.memory_space<hbm>> -> memref<1x160x128xi32, #tpu.memory_space<hbm>>
    %dma_start3A_6 = tpu.memref_squeeze %dma_start3A_5 : memref<1x160x128xi32, #tpu.memory_space<hbm>> -> memref<160x128xi32, #tpu.memory_space<hbm>>
    tpu.enqueue_dma source(%dma_start3A_6 : memref<160x128xi32, #tpu.memory_space<hbm>>) target(%arg7 : memref<160x128xi32, #tpu.memory_space<vmem>>) target_semaphore(%arg15 : memref<!tpu.dma_semaphore, #tpu.memory_space<semaphore_mem>>)
    %dma_start3A_7 = arith.constant 0 : i32
    %dma_start3A_8 = arith.constant 0 : i32
    %dma_start3A_9 = tpu.memref_slice %arg3[%arg1, %dma_start3A_7, %dma_start3A_8] : memref<16x160x128xi32, #tpu.memory_space<hbm>> -> memref<1x160x128xi32, #tpu.memory_space<hbm>>
    %dma_start3A_10 = tpu.memref_squeeze %dma_start3A_9 : memref<1x160x128xi32, #tpu.memory_space<hbm>> -> memref<160x128xi32, #tpu.memory_space<hbm>>
    %dma_start3A_11 = arith.constant 0 : i32
    %dma_start3A_12 = arith.constant 0 : i32
    %dma_start3A_13 = tpu.memref_slice %arg3[%arg1, %dma_start3A_11, %dma_start3A_12] : memref<16x160x128xi32, #tpu.memory_space<hbm>> -> memref<1x160x128xi32, #tpu.memory_space<hbm>>
    %dma_start3A_14 = tpu.memref_squeeze %dma_start3A_13 : memref<1x160x128xi32, #tpu.memory_space<hbm>> -> memref<160x128xi32, #tpu.memory_space<hbm>>
    tpu.enqueue_dma source(%dma_start3A_14 : memref<160x128xi32, #tpu.memory_space<hbm>>) target(%arg8 : memref<160x128xi32, #tpu.memory_space<vmem>>) target_semaphore(%arg16 : memref<!tpu.dma_semaphore, #tpu.memory_space<semaphore_mem>>)
    %mul3A = arith.constant 632 : i32
    %mul3A_15 = arith.muli %arg1, %mul3A : i32
    %mul3A_16 = arith.constant 632 : i32
    %mul3A_17 = arith.muli %arg1, %mul3A_16 : i32
    %dma_start3A_18 = arith.constant 0 : i32
    %dma_start3A_19 = tpu.memref_slice %arg14[%mul3A_17, %dma_start3A_18] : memref<10112x64xf32, #tpu.memory_space<vmem_shared>> -> memref<632x64xf32, #tpu.memory_space<vmem_shared>>
    %dma_start3A_20 = arith.constant 0 : i32
    %dma_start3A_21 = tpu.memref_slice %arg5[%mul3A_15, %dma_start3A_20] : memref<10112x64xf32, #tpu.memory_space<hbm>> -> memref<632x64xf32, #tpu.memory_space<hbm>>
    tpu.enqueue_dma source(%dma_start3A_21 : memref<632x64xf32, #tpu.memory_space<hbm>>) target(%dma_start3A_19 : memref<632x64xf32, #tpu.memory_space<vmem_shared>>) target_semaphore(%arg17 : memref<!tpu.dma_semaphore, #tpu.memory_space<semaphore_mem>>)
    %dma_wait3A = arith.constant 0 : i32
    %dma_wait3A_22 = arith.constant 0 : i32
    %dma_wait3A_23 = tpu.memref_slice %arg2[%arg1, %dma_wait3A, %dma_wait3A_22] : memref<16x160x128xi32, #tpu.memory_space<hbm>> -> memref<1x160x128xi32, #tpu.memory_space<hbm>>
    %dma_wait3A_24 = tpu.memref_squeeze %dma_wait3A_23 : memref<1x160x128xi32, #tpu.memory_space<hbm>> -> memref<160x128xi32, #tpu.memory_space<hbm>>
    %dma_wait3A_25 = arith.constant 0 : i32
    %dma_wait3A_26 = arith.constant 0 : i32
    %dma_wait3A_27 = tpu.memref_slice %arg2[%arg1, %dma_wait3A_25, %dma_wait3A_26] : memref<16x160x128xi32, #tpu.memory_space<hbm>> -> memref<1x160x128xi32, #tpu.memory_space<hbm>>
    %dma_wait3A_28 = tpu.memref_squeeze %dma_wait3A_27 : memref<1x160x128xi32, #tpu.memory_space<hbm>> -> memref<160x128xi32, #tpu.memory_space<hbm>>
    tpu.wait_dma2 semaphore(%arg15 : memref<!tpu.dma_semaphore, #tpu.memory_space<semaphore_mem>>) src(%dma_wait3A_28 : memref<160x128xi32, #tpu.memory_space<hbm>>) dst(%arg7 : memref<160x128xi32, #tpu.memory_space<vmem>>)
    %dma_wait3A_29 = arith.constant 0 : i32
    %dma_wait3A_30 = arith.constant 0 : i32
    %dma_wait3A_31 = tpu.memref_slice %arg3[%arg1, %dma_wait3A_29, %dma_wait3A_30] : memref<16x160x128xi32, #tpu.memory_space<hbm>> -> memref<1x160x128xi32, #tpu.memory_space<hbm>>
    %dma_wait3A_32 = tpu.memref_squeeze %dma_wait3A_31 : memref<1x160x128xi32, #tpu.memory_space<hbm>> -> memref<160x128xi32, #tpu.memory_space<hbm>>
    %dma_wait3A_33 = arith.constant 0 : i32
    %dma_wait3A_34 = arith.constant 0 : i32
    %dma_wait3A_35 = tpu.memref_slice %arg3[%arg1, %dma_wait3A_33, %dma_wait3A_34] : memref<16x160x128xi32, #tpu.memory_space<hbm>> -> memref<1x160x128xi32, #tpu.memory_space<hbm>>
    %dma_wait3A_36 = tpu.memref_squeeze %dma_wait3A_35 : memref<1x160x128xi32, #tpu.memory_space<hbm>> -> memref<160x128xi32, #tpu.memory_space<hbm>>
    tpu.wait_dma2 semaphore(%arg16 : memref<!tpu.dma_semaphore, #tpu.memory_space<semaphore_mem>>) src(%dma_wait3A_36 : memref<160x128xi32, #tpu.memory_space<hbm>>) dst(%arg8 : memref<160x128xi32, #tpu.memory_space<vmem>>)
    %mul3A_37 = arith.constant 632 : i32
    %mul3A_38 = arith.muli %arg1, %mul3A_37 : i32
    %mul3A_39 = arith.constant 632 : i32
    %mul3A_40 = arith.muli %arg1, %mul3A_39 : i32
    %dma_wait3A_41 = arith.constant 0 : i32
    %dma_wait3A_42 = tpu.memref_slice %arg14[%mul3A_40, %dma_wait3A_41] : memref<10112x64xf32, #tpu.memory_space<vmem_shared>> -> memref<632x64xf32, #tpu.memory_space<vmem_shared>>
    %dma_wait3A_43 = arith.constant 0 : i32
    %dma_wait3A_44 = tpu.memref_slice %arg5[%mul3A_38, %dma_wait3A_43] : memref<10112x64xf32, #tpu.memory_space<hbm>> -> memref<632x64xf32, #tpu.memory_space<hbm>>
    tpu.wait_dma2 semaphore(%arg17 : memref<!tpu.dma_semaphore, #tpu.memory_space<semaphore_mem>>) src(%dma_wait3A_44 : memref<632x64xf32, #tpu.memory_space<hbm>>) dst(%dma_wait3A_42 : memref<632x64xf32, #tpu.memory_space<vmem_shared>>)
    %barrier3A = arith.constant 0 : index
    tpu.barrier barrier_id(%barrier3A)
    %dma_start3A_45 = arith.constant 0 : i32
    %dma_start3A_46 = arith.constant 0 : i32
    %dma_start3A_47 = tpu.memref_slice %arg7[%dma_start3A_45, %dma_start3A_46] : memref<160x128xi32, #tpu.memory_space<vmem>> -> memref<1x128xi32, #tpu.memory_space<vmem>>
    %dma_start3A_48 = tpu.memref_squeeze %dma_start3A_47 : memref<1x128xi32, #tpu.memory_space<vmem>> -> memref<128xi32, #tpu.memory_space<vmem>>
    %dma_start3A_49 = arith.constant 0 : i32
    %dma_start3A_50 = arith.constant 0 : i32
    %dma_start3A_51 = tpu.memref_slice %arg4[%arg0, %dma_start3A_49, %dma_start3A_50] : memref<2x10000x64xf32, #tpu.memory_space<hbm>> -> memref<1x10000x64xf32, #tpu.memory_space<hbm>>
    %dma_start3A_52 = tpu.memref_squeeze %dma_start3A_51 : memref<1x10000x64xf32, #tpu.memory_space<hbm>> -> memref<10000x64xf32, #tpu.memory_space<hbm>>
    %dma_start3A_53 = arith.constant 0 : i32
    %dma_start3A_54 = arith.constant 0 : i32
    %dma_start3A_55 = tpu.memref_slice %dma_start3A_52[%dma_start3A_53, %dma_start3A_54] : memref<10000x64xf32, #tpu.memory_space<hbm>> -> memref<10000x64xf32, #tpu.memory_space<hbm>>
    tpu.enqueue_indirect_dma source(%dma_start3A_55 : memref<10000x64xf32, #tpu.memory_space<hbm>>) target(%arg9 : memref<128x64xf32, #tpu.memory_space<vmem>>) offsets(%dma_start3A_48 : memref<128xi32, #tpu.memory_space<vmem>>) semaphore(%arg15 : memref<!tpu.dma_semaphore, #tpu.memory_space<semaphore_mem>>)
    %dma_start3A_56 = arith.constant 1 : i32
    %dma_start3A_57 = arith.constant 0 : i32
    %dma_start3A_58 = tpu.memref_slice %arg7[%dma_start3A_56, %dma_start3A_57] : memref<160x128xi32, #tpu.memory_space<vmem>> -> memref<1x128xi32, #tpu.memory_space<vmem>>
    %dma_start3A_59 = tpu.memref_squeeze %dma_start3A_58 : memref<1x128xi32, #tpu.memory_space<vmem>> -> memref<128xi32, #tpu.memory_space<vmem>>
    %dma_start3A_60 = arith.constant 0 : i32
    %dma_start3A_61 = arith.constant 0 : i32
    %dma_start3A_62 = tpu.memref_slice %arg4[%arg0, %dma_start3A_60, %dma_start3A_61] : memref<2x10000x64xf32, #tpu.memory_space<hbm>> -> memref<1x10000x64xf32, #tpu.memory_space<hbm>>
    %dma_start3A_63 = tpu.memref_squeeze %dma_start3A_62 : memref<1x10000x64xf32, #tpu.memory_space<hbm>> -> memref<10000x64xf32, #tpu.memory_space<hbm>>
    %dma_start3A_64 = arith.constant 0 : i32
    %dma_start3A_65 = arith.constant 0 : i32
    %dma_start3A_66 = tpu.memref_slice %dma_start3A_63[%dma_start3A_64, %dma_start3A_65] : memref<10000x64xf32, #tpu.memory_space<hbm>> -> memref<10000x64xf32, #tpu.memory_space<hbm>>
    tpu.enqueue_indirect_dma source(%dma_start3A_66 : memref<10000x64xf32, #tpu.memory_space<hbm>>) target(%arg10 : memref<128x64xf32, #tpu.memory_space<vmem>>) offsets(%dma_start3A_59 : memref<128xi32, #tpu.memory_space<vmem>>) semaphore(%arg16 : memref<!tpu.dma_semaphore, #tpu.memory_space<semaphore_mem>>)
    %dma_start3A_67 = arith.constant 2 : i32
    %dma_start3A_68 = arith.constant 0 : i32
    %dma_start3A_69 = tpu.memref_slice %arg7[%dma_start3A_67, %dma_start3A_68] : memref<160x128xi32, #tpu.memory_space<vmem>> -> memref<1x128xi32, #tpu.memory_space<vmem>>
    %dma_start3A_70 = tpu.memref_squeeze %dma_start3A_69 : memref<1x128xi32, #tpu.memory_space<vmem>> -> memref<128xi32, #tpu.memory_space<vmem>>
    %dma_start3A_71 = arith.constant 0 : i32
    %dma_start3A_72 = arith.constant 0 : i32
    %dma_start3A_73 = tpu.memref_slice %arg4[%arg0, %dma_start3A_71, %dma_start3A_72] : memref<2x10000x64xf32, #tpu.memory_space<hbm>> -> memref<1x10000x64xf32, #tpu.memory_space<hbm>>
    %dma_start3A_74 = tpu.memref_squeeze %dma_start3A_73 : memref<1x10000x64xf32, #tpu.memory_space<hbm>> -> memref<10000x64xf32, #tpu.memory_space<hbm>>
    %dma_start3A_75 = arith.constant 0 : i32
    %dma_start3A_76 = arith.constant 0 : i32
    %dma_start3A_77 = tpu.memref_slice %dma_start3A_74[%dma_start3A_75, %dma_start3A_76] : memref<10000x64xf32, #tpu.memory_space<hbm>> -> memref<10000x64xf32, #tpu.memory_space<hbm>>
    tpu.enqueue_indirect_dma source(%dma_start3A_77 : memref<10000x64xf32, #tpu.memory_space<hbm>>) target(%arg11 : memref<128x64xf32, #tpu.memory_space<vmem>>) offsets(%dma_start3A_70 : memref<128xi32, #tpu.memory_space<vmem>>) semaphore(%arg17 : memref<!tpu.dma_semaphore, #tpu.memory_space<semaphore_mem>>)
    %dma_start3A_78 = arith.constant 3 : i32
    %dma_start3A_79 = arith.constant 0 : i32
    %dma_start3A_80 = tpu.memref_slice %arg7[%dma_start3A_78, %dma_start3A_79] : memref<160x128xi32, #tpu.memory_space<vmem>> -> memref<1x128xi32, #tpu.memory_space<vmem>>
    %dma_start3A_81 = tpu.memref_squeeze %dma_start3A_80 : memref<1x128xi32, #tpu.memory_space<vmem>> -> memref<128xi32, #tpu.memory_space<vmem>>
    %dma_start3A_82 = arith.constant 0 : i32
    %dma_start3A_83 = arith.constant 0 : i32
    %dma_start3A_84 = tpu.memref_slice %arg4[%arg0, %dma_start3A_82, %dma_start3A_83] : memref<2x10000x64xf32, #tpu.memory_space<hbm>> -> memref<1x10000x64xf32, #tpu.memory_space<hbm>>
    %dma_start3A_85 = tpu.memref_squeeze %dma_start3A_84 : memref<1x10000x64xf32, #tpu.memory_space<hbm>> -> memref<10000x64xf32, #tpu.memory_space<hbm>>
    %dma_start3A_86 = arith.constant 0 : i32
    %dma_start3A_87 = arith.constant 0 : i32
    %dma_start3A_88 = tpu.memref_slice %dma_start3A_85[%dma_start3A_86, %dma_start3A_87] : memref<10000x64xf32, #tpu.memory_space<hbm>> -> memref<10000x64xf32, #tpu.memory_space<hbm>>
    tpu.enqueue_indirect_dma source(%dma_start3A_88 : memref<10000x64xf32, #tpu.memory_space<hbm>>) target(%arg12 : memref<128x64xf32, #tpu.memory_space<vmem>>) offsets(%dma_start3A_81 : memref<128xi32, #tpu.memory_space<vmem>>) semaphore(%arg18 : memref<!tpu.dma_semaphore, #tpu.memory_space<semaphore_mem>>)
    %dma_start3A_89 = arith.constant 4 : i32
    %dma_start3A_90 = arith.constant 0 : i32
    %dma_start3A_91 = tpu.memref_slice %arg7[%dma_start3A_89, %dma_start3A_90] : memref<160x128xi32, #tpu.memory_space<vmem>> -> memref<1x128xi32, #tpu.memory_space<vmem>>
    %dma_start3A_92 = tpu.memref_squeeze %dma_start3A_91 : memref<1x128xi32, #tpu.memory_space<vmem>> -> memref<128xi32, #tpu.memory_space<vmem>>
    %dma_start3A_93 = arith.constant 0 : i32
    %dma_start3A_94 = arith.constant 0 : i32
    %dma_start3A_95 = tpu.memref_slice %arg4[%arg0, %dma_start3A_93, %dma_start3A_94] : memref<2x10000x64xf32, #tpu.memory_space<hbm>> -> memref<1x10000x64xf32, #tpu.memory_space<hbm>>
    %dma_start3A_96 = tpu.memref_squeeze %dma_start3A_95 : memref<1x10000x64xf32, #tpu.memory_space<hbm>> -> memref<10000x64xf32, #tpu.memory_space<hbm>>
    %dma_start3A_97 = arith.constant 0 : i32
    %dma_start3A_98 = arith.constant 0 : i32
    %dma_start3A_99 = tpu.memref_slice %dma_start3A_96[%dma_start3A_97, %dma_start3A_98] : memref<10000x64xf32, #tpu.memory_space<hbm>> -> memref<10000x64xf32, #tpu.memory_space<hbm>>
    tpu.enqueue_indirect_dma source(%dma_start3A_99 : memref<10000x64xf32, #tpu.memory_space<hbm>>) target(%arg13 : memref<128x64xf32, #tpu.memory_space<vmem>>) offsets(%dma_start3A_92 : memref<128xi32, #tpu.memory_space<vmem>>) semaphore(%arg19 : memref<!tpu.dma_semaphore, #tpu.memory_space<semaphore_mem>>)
    %scan3A = arith.constant 0 : i32
    %scan3A_100 = arith.constant 0 : i32
    %scan3A_101 = arith.constant 31 : i32
    %scan3A_102 = arith.addi %scan3A_100, %scan3A_101 : i32
    %scan3A_103 = arith.constant 1 : i32
    scf.for %scan3A_171 = %scan3A_100 to %scan3A_102 step %scan3A_103  : i32 {
      %mul3A_172 = arith.constant 5 : i32
      %mul3A_173 = arith.muli %scan3A_171, %mul3A_172 : i32
      %add3A = arith.constant 0 : i32
      %add3A_174 = arith.addi %mul3A_173, %add3A : i32
      %dma_wait3A_175 = arith.constant 0 : i32
      %dma_wait3A_176 = tpu.memref_slice %arg7[%add3A_174, %dma_wait3A_175] : memref<160x128xi32, #tpu.memory_space<vmem>> -> memref<1x128xi32, #tpu.memory_space<vmem>>
      %dma_wait3A_177 = tpu.memref_squeeze %dma_wait3A_176 : memref<1x128xi32, #tpu.memory_space<vmem>> -> memref<128xi32, #tpu.memory_space<vmem>>
      %dma_wait3A_178 = arith.constant 0 : i32
      %dma_wait3A_179 = arith.constant 0 : i32
      %dma_wait3A_180 = tpu.memref_slice %arg4[%arg0, %dma_wait3A_178, %dma_wait3A_179] : memref<2x10000x64xf32, #tpu.memory_space<hbm>> -> memref<1x10000x64xf32, #tpu.memory_space<hbm>>
      %dma_wait3A_181 = tpu.memref_squeeze %dma_wait3A_180 : memref<1x10000x64xf32, #tpu.memory_space<hbm>> -> memref<10000x64xf32, #tpu.memory_space<hbm>>
      %dma_wait3A_182 = arith.constant 0 : i32
      %dma_wait3A_183 = arith.constant 0 : i32
      %dma_wait3A_184 = tpu.memref_slice %dma_wait3A_181[%dma_wait3A_182, %dma_wait3A_183] : memref<10000x64xf32, #tpu.memory_space<hbm>> -> memref<10000x64xf32, #tpu.memory_space<hbm>>
      tpu.wait_indirect_dma semaphore(%arg15 : memref<!tpu.dma_semaphore, #tpu.memory_space<semaphore_mem>>) src(%dma_wait3A_184 : memref<10000x64xf32, #tpu.memory_space<hbm>>) dst(%arg9 : memref<128x64xf32, #tpu.memory_space<vmem>>)
      %add3A_185 = arith.constant 0 : i32
      %add3A_186 = arith.addi %mul3A_173, %add3A_185 : i32
      %dma_start3A_187 = arith.constant 0 : i32
      %dma_start3A_188 = tpu.memref_slice %arg8[%add3A_186, %dma_start3A_187] : memref<160x128xi32, #tpu.memory_space<vmem>> -> memref<1x128xi32, #tpu.memory_space<vmem>>
      %dma_start3A_189 = tpu.memref_squeeze %dma_start3A_188 : memref<1x128xi32, #tpu.memory_space<vmem>> -> memref<128xi32, #tpu.memory_space<vmem>>
      %dma_start3A_190 = arith.constant 0 : i32
      %dma_start3A_191 = arith.constant 0 : i32
      %dma_start3A_192 = tpu.memref_slice %arg14[%dma_start3A_190, %dma_start3A_191] : memref<10112x64xf32, #tpu.memory_space<vmem_shared>> -> memref<10112x64xf32, #tpu.memory_space<vmem_shared>>
      tpu.enqueue_indirect_dma source(%arg9 : memref<128x64xf32, #tpu.memory_space<vmem>>) target(%dma_start3A_192 : memref<10112x64xf32, #tpu.memory_space<vmem_shared>>) offsets(%dma_start3A_189 : memref<128xi32, #tpu.memory_space<vmem>>) semaphore(%arg20 : memref<!tpu.dma_semaphore, #tpu.memory_space<semaphore_mem>>) {add = true}
      %add3A_193 = arith.constant 1 : i32
      %add3A_194 = arith.addi %mul3A_173, %add3A_193 : i32
      %dma_wait3A_195 = arith.constant 0 : i32
      %dma_wait3A_196 = tpu.memref_slice %arg7[%add3A_194, %dma_wait3A_195] : memref<160x128xi32, #tpu.memory_space<vmem>> -> memref<1x128xi32, #tpu.memory_space<vmem>>
      %dma_wait3A_197 = tpu.memref_squeeze %dma_wait3A_196 : memref<1x128xi32, #tpu.memory_space<vmem>> -> memref<128xi32, #tpu.memory_space<vmem>>
      %dma_wait3A_198 = arith.constant 0 : i32
      %dma_wait3A_199 = arith.constant 0 : i32
      %dma_wait3A_200 = tpu.memref_slice %arg4[%arg0, %dma_wait3A_198, %dma_wait3A_199] : memref<2x10000x64xf32, #tpu.memory_space<hbm>> -> memref<1x10000x64xf32, #tpu.memory_space<hbm>>
      %dma_wait3A_201 = tpu.memref_squeeze %dma_wait3A_200 : memref<1x10000x64xf32, #tpu.memory_space<hbm>> -> memref<10000x64xf32, #tpu.memory_space<hbm>>
      %dma_wait3A_202 = arith.constant 0 : i32
      %dma_wait3A_203 = arith.constant 0 : i32
      %dma_wait3A_204 = tpu.memref_slice %dma_wait3A_201[%dma_wait3A_202, %dma_wait3A_203] : memref<10000x64xf32, #tpu.memory_space<hbm>> -> memref<10000x64xf32, #tpu.memory_space<hbm>>
      tpu.wait_indirect_dma semaphore(%arg16 : memref<!tpu.dma_semaphore, #tpu.memory_space<semaphore_mem>>) src(%dma_wait3A_204 : memref<10000x64xf32, #tpu.memory_space<hbm>>) dst(%arg10 : memref<128x64xf32, #tpu.memory_space<vmem>>)
      %add3A_205 = arith.constant 1 : i32
      %add3A_206 = arith.addi %mul3A_173, %add3A_205 : i32
      %dma_start3A_207 = arith.constant 0 : i32
      %dma_start3A_208 = tpu.memref_slice %arg8[%add3A_206, %dma_start3A_207] : memref<160x128xi32, #tpu.memory_space<vmem>> -> memref<1x128xi32, #tpu.memory_space<vmem>>
      %dma_start3A_209 = tpu.memref_squeeze %dma_start3A_208 : memref<1x128xi32, #tpu.memory_space<vmem>> -> memref<128xi32, #tpu.memory_space<vmem>>
      %dma_start3A_210 = arith.constant 0 : i32
      %dma_start3A_211 = arith.constant 0 : i32
      %dma_start3A_212 = tpu.memref_slice %arg14[%dma_start3A_210, %dma_start3A_211] : memref<10112x64xf32, #tpu.memory_space<vmem_shared>> -> memref<10112x64xf32, #tpu.memory_space<vmem_shared>>
      tpu.enqueue_indirect_dma source(%arg10 : memref<128x64xf32, #tpu.memory_space<vmem>>) target(%dma_start3A_212 : memref<10112x64xf32, #tpu.memory_space<vmem_shared>>) offsets(%dma_start3A_209 : memref<128xi32, #tpu.memory_space<vmem>>) semaphore(%arg21 : memref<!tpu.dma_semaphore, #tpu.memory_space<semaphore_mem>>) {add = true}
      %add3A_213 = arith.constant 2 : i32
      %add3A_214 = arith.addi %mul3A_173, %add3A_213 : i32
      %dma_wait3A_215 = arith.constant 0 : i32
      %dma_wait3A_216 = tpu.memref_slice %arg7[%add3A_214, %dma_wait3A_215] : memref<160x128xi32, #tpu.memory_space<vmem>> -> memref<1x128xi32, #tpu.memory_space<vmem>>
      %dma_wait3A_217 = tpu.memref_squeeze %dma_wait3A_216 : memref<1x128xi32, #tpu.memory_space<vmem>> -> memref<128xi32, #tpu.memory_space<vmem>>
      %dma_wait3A_218 = arith.constant 0 : i32
      %dma_wait3A_219 = arith.constant 0 : i32
      %dma_wait3A_220 = tpu.memref_slice %arg4[%arg0, %dma_wait3A_218, %dma_wait3A_219] : memref<2x10000x64xf32, #tpu.memory_space<hbm>> -> memref<1x10000x64xf32, #tpu.memory_space<hbm>>
      %dma_wait3A_221 = tpu.memref_squeeze %dma_wait3A_220 : memref<1x10000x64xf32, #tpu.memory_space<hbm>> -> memref<10000x64xf32, #tpu.memory_space<hbm>>
      %dma_wait3A_222 = arith.constant 0 : i32
      %dma_wait3A_223 = arith.constant 0 : i32
      %dma_wait3A_224 = tpu.memref_slice %dma_wait3A_221[%dma_wait3A_222, %dma_wait3A_223] : memref<10000x64xf32, #tpu.memory_space<hbm>> -> memref<10000x64xf32, #tpu.memory_space<hbm>>
      tpu.wait_indirect_dma semaphore(%arg17 : memref<!tpu.dma_semaphore, #tpu.memory_space<semaphore_mem>>) src(%dma_wait3A_224 : memref<10000x64xf32, #tpu.memory_space<hbm>>) dst(%arg11 : memref<128x64xf32, #tpu.memory_space<vmem>>)
      %add3A_225 = arith.constant 2 : i32
      %add3A_226 = arith.addi %mul3A_173, %add3A_225 : i32
      %dma_start3A_227 = arith.constant 0 : i32
      %dma_start3A_228 = tpu.memref_slice %arg8[%add3A_226, %dma_start3A_227] : memref<160x128xi32, #tpu.memory_space<vmem>> -> memref<1x128xi32, #tpu.memory_space<vmem>>
      %dma_start3A_229 = tpu.memref_squeeze %dma_start3A_228 : memref<1x128xi32, #tpu.memory_space<vmem>> -> memref<128xi32, #tpu.memory_space<vmem>>
      %dma_start3A_230 = arith.constant 0 : i32
      %dma_start3A_231 = arith.constant 0 : i32
      %dma_start3A_232 = tpu.memref_slice %arg14[%dma_start3A_230, %dma_start3A_231] : memref<10112x64xf32, #tpu.memory_space<vmem_shared>> -> memref<10112x64xf32, #tpu.memory_space<vmem_shared>>
      tpu.enqueue_indirect_dma source(%arg11 : memref<128x64xf32, #tpu.memory_space<vmem>>) target(%dma_start3A_232 : memref<10112x64xf32, #tpu.memory_space<vmem_shared>>) offsets(%dma_start3A_229 : memref<128xi32, #tpu.memory_space<vmem>>) semaphore(%arg22 : memref<!tpu.dma_semaphore, #tpu.memory_space<semaphore_mem>>) {add = true}
      %add3A_233 = arith.constant 3 : i32
      %add3A_234 = arith.addi %mul3A_173, %add3A_233 : i32
      %dma_wait3A_235 = arith.constant 0 : i32
      %dma_wait3A_236 = tpu.memref_slice %arg7[%add3A_234, %dma_wait3A_235] : memref<160x128xi32, #tpu.memory_space<vmem>> -> memref<1x128xi32, #tpu.memory_space<vmem>>
      %dma_wait3A_237 = tpu.memref_squeeze %dma_wait3A_236 : memref<1x128xi32, #tpu.memory_space<vmem>> -> memref<128xi32, #tpu.memory_space<vmem>>
      %dma_wait3A_238 = arith.constant 0 : i32
      %dma_wait3A_239 = arith.constant 0 : i32
      %dma_wait3A_240 = tpu.memref_slice %arg4[%arg0, %dma_wait3A_238, %dma_wait3A_239] : memref<2x10000x64xf32, #tpu.memory_space<hbm>> -> memref<1x10000x64xf32, #tpu.memory_space<hbm>>
      %dma_wait3A_241 = tpu.memref_squeeze %dma_wait3A_240 : memref<1x10000x64xf32, #tpu.memory_space<hbm>> -> memref<10000x64xf32, #tpu.memory_space<hbm>>
      %dma_wait3A_242 = arith.constant 0 : i32
      %dma_wait3A_243 = arith.constant 0 : i32
      %dma_wait3A_244 = tpu.memref_slice %dma_wait3A_241[%dma_wait3A_242, %dma_wait3A_243] : memref<10000x64xf32, #tpu.memory_space<hbm>> -> memref<10000x64xf32, #tpu.memory_space<hbm>>
      tpu.wait_indirect_dma semaphore(%arg18 : memref<!tpu.dma_semaphore, #tpu.memory_space<semaphore_mem>>) src(%dma_wait3A_244 : memref<10000x64xf32, #tpu.memory_space<hbm>>) dst(%arg12 : memref<128x64xf32, #tpu.memory_space<vmem>>)
      %add3A_245 = arith.constant 3 : i32
      %add3A_246 = arith.addi %mul3A_173, %add3A_245 : i32
      %dma_start3A_247 = arith.constant 0 : i32
      %dma_start3A_248 = tpu.memref_slice %arg8[%add3A_246, %dma_start3A_247] : memref<160x128xi32, #tpu.memory_space<vmem>> -> memref<1x128xi32, #tpu.memory_space<vmem>>
      %dma_start3A_249 = tpu.memref_squeeze %dma_start3A_248 : memref<1x128xi32, #tpu.memory_space<vmem>> -> memref<128xi32, #tpu.memory_space<vmem>>
      %dma_start3A_250 = arith.constant 0 : i32
      %dma_start3A_251 = arith.constant 0 : i32
      %dma_start3A_252 = tpu.memref_slice %arg14[%dma_start3A_250, %dma_start3A_251] : memref<10112x64xf32, #tpu.memory_space<vmem_shared>> -> memref<10112x64xf32, #tpu.memory_space<vmem_shared>>
      tpu.enqueue_indirect_dma source(%arg12 : memref<128x64xf32, #tpu.memory_space<vmem>>) target(%dma_start3A_252 : memref<10112x64xf32, #tpu.memory_space<vmem_shared>>) offsets(%dma_start3A_249 : memref<128xi32, #tpu.memory_space<vmem>>) semaphore(%arg23 : memref<!tpu.dma_semaphore, #tpu.memory_space<semaphore_mem>>) {add = true}
      %add3A_253 = arith.constant 4 : i32
      %add3A_254 = arith.addi %mul3A_173, %add3A_253 : i32
      %dma_wait3A_255 = arith.constant 0 : i32
      %dma_wait3A_256 = tpu.memref_slice %arg7[%add3A_254, %dma_wait3A_255] : memref<160x128xi32, #tpu.memory_space<vmem>> -> memref<1x128xi32, #tpu.memory_space<vmem>>
      %dma_wait3A_257 = tpu.memref_squeeze %dma_wait3A_256 : memref<1x128xi32, #tpu.memory_space<vmem>> -> memref<128xi32, #tpu.memory_space<vmem>>
      %dma_wait3A_258 = arith.constant 0 : i32
      %dma_wait3A_259 = arith.constant 0 : i32
      %dma_wait3A_260 = tpu.memref_slice %arg4[%arg0, %dma_wait3A_258, %dma_wait3A_259] : memref<2x10000x64xf32, #tpu.memory_space<hbm>> -> memref<1x10000x64xf32, #tpu.memory_space<hbm>>
      %dma_wait3A_261 = tpu.memref_squeeze %dma_wait3A_260 : memref<1x10000x64xf32, #tpu.memory_space<hbm>> -> memref<10000x64xf32, #tpu.memory_space<hbm>>
      %dma_wait3A_262 = arith.constant 0 : i32
      %dma_wait3A_263 = arith.constant 0 : i32
      %dma_wait3A_264 = tpu.memref_slice %dma_wait3A_261[%dma_wait3A_262, %dma_wait3A_263] : memref<10000x64xf32, #tpu.memory_space<hbm>> -> memref<10000x64xf32, #tpu.memory_space<hbm>>
      tpu.wait_indirect_dma semaphore(%arg19 : memref<!tpu.dma_semaphore, #tpu.memory_space<semaphore_mem>>) src(%dma_wait3A_264 : memref<10000x64xf32, #tpu.memory_space<hbm>>) dst(%arg13 : memref<128x64xf32, #tpu.memory_space<vmem>>)
      %add3A_265 = arith.constant 4 : i32
      %add3A_266 = arith.addi %mul3A_173, %add3A_265 : i32
      %dma_start3A_267 = arith.constant 0 : i32
      %dma_start3A_268 = tpu.memref_slice %arg8[%add3A_266, %dma_start3A_267] : memref<160x128xi32, #tpu.memory_space<vmem>> -> memref<1x128xi32, #tpu.memory_space<vmem>>
      %dma_start3A_269 = tpu.memref_squeeze %dma_start3A_268 : memref<1x128xi32, #tpu.memory_space<vmem>> -> memref<128xi32, #tpu.memory_space<vmem>>
      %dma_start3A_270 = arith.constant 0 : i32
      %dma_start3A_271 = arith.constant 0 : i32
      %dma_start3A_272 = tpu.memref_slice %arg14[%dma_start3A_270, %dma_start3A_271] : memref<10112x64xf32, #tpu.memory_space<vmem_shared>> -> memref<10112x64xf32, #tpu.memory_space<vmem_shared>>
      tpu.enqueue_indirect_dma source(%arg13 : memref<128x64xf32, #tpu.memory_space<vmem>>) target(%dma_start3A_272 : memref<10112x64xf32, #tpu.memory_space<vmem_shared>>) offsets(%dma_start3A_269 : memref<128xi32, #tpu.memory_space<vmem>>) semaphore(%arg24 : memref<!tpu.dma_semaphore, #tpu.memory_space<semaphore_mem>>) {add = true}
      %add3A_273 = arith.constant 0 : i32
      %add3A_274 = arith.addi %mul3A_173, %add3A_273 : i32
      %dma_wait3A_275 = arith.constant 0 : i32
      %dma_wait3A_276 = tpu.memref_slice %arg8[%add3A_274, %dma_wait3A_275] : memref<160x128xi32, #tpu.memory_space<vmem>> -> memref<1x128xi32, #tpu.memory_space<vmem>>
      %dma_wait3A_277 = tpu.memref_squeeze %dma_wait3A_276 : memref<1x128xi32, #tpu.memory_space<vmem>> -> memref<128xi32, #tpu.memory_space<vmem>>
      %dma_wait3A_278 = arith.constant 0 : i32
      %dma_wait3A_279 = arith.constant 0 : i32
      %dma_wait3A_280 = tpu.memref_slice %arg14[%dma_wait3A_278, %dma_wait3A_279] : memref<10112x64xf32, #tpu.memory_space<vmem_shared>> -> memref<10112x64xf32, #tpu.memory_space<vmem_shared>>
      tpu.wait_indirect_dma semaphore(%arg20 : memref<!tpu.dma_semaphore, #tpu.memory_space<semaphore_mem>>) src(%arg9 : memref<128x64xf32, #tpu.memory_space<vmem>>) dst(%dma_wait3A_280 : memref<10112x64xf32, #tpu.memory_space<vmem_shared>>)
      %add3A_281 = arith.constant 5 : i32
      %add3A_282 = arith.addi %mul3A_173, %add3A_281 : i32
      %add3A_283 = arith.constant 0 : i32
      %add3A_284 = arith.addi %add3A_282, %add3A_283 : i32
      %dma_start3A_285 = arith.constant 0 : i32
      %dma_start3A_286 = tpu.memref_slice %arg7[%add3A_284, %dma_start3A_285] : memref<160x128xi32, #tpu.memory_space<vmem>> -> memref<1x128xi32, #tpu.memory_space<vmem>>
      %dma_start3A_287 = tpu.memref_squeeze %dma_start3A_286 : memref<1x128xi32, #tpu.memory_space<vmem>> -> memref<128xi32, #tpu.memory_space<vmem>>
      %dma_start3A_288 = arith.constant 0 : i32
      %dma_start3A_289 = arith.constant 0 : i32
      %dma_start3A_290 = tpu.memref_slice %arg4[%arg0, %dma_start3A_288, %dma_start3A_289] : memref<2x10000x64xf32, #tpu.memory_space<hbm>> -> memref<1x10000x64xf32, #tpu.memory_space<hbm>>
      %dma_start3A_291 = tpu.memref_squeeze %dma_start3A_290 : memref<1x10000x64xf32, #tpu.memory_space<hbm>> -> memref<10000x64xf32, #tpu.memory_space<hbm>>
      %dma_start3A_292 = arith.constant 0 : i32
      %dma_start3A_293 = arith.constant 0 : i32
      %dma_start3A_294 = tpu.memref_slice %dma_start3A_291[%dma_start3A_292, %dma_start3A_293] : memref<10000x64xf32, #tpu.memory_space<hbm>> -> memref<10000x64xf32, #tpu.memory_space<hbm>>
      tpu.enqueue_indirect_dma source(%dma_start3A_294 : memref<10000x64xf32, #tpu.memory_space<hbm>>) target(%arg9 : memref<128x64xf32, #tpu.memory_space<vmem>>) offsets(%dma_start3A_287 : memref<128xi32, #tpu.memory_space<vmem>>) semaphore(%arg15 : memref<!tpu.dma_semaphore, #tpu.memory_space<semaphore_mem>>)
      %add3A_295 = arith.constant 1 : i32
      %add3A_296 = arith.addi %mul3A_173, %add3A_295 : i32
      %dma_wait3A_297 = arith.constant 0 : i32
      %dma_wait3A_298 = tpu.memref_slice %arg8[%add3A_296, %dma_wait3A_297] : memref<160x128xi32, #tpu.memory_space<vmem>> -> memref<1x128xi32, #tpu.memory_space<vmem>>
      %dma_wait3A_299 = tpu.memref_squeeze %dma_wait3A_298 : memref<1x128xi32, #tpu.memory_space<vmem>> -> memref<128xi32, #tpu.memory_space<vmem>>
      %dma_wait3A_300 = arith.constant 0 : i32
      %dma_wait3A_301 = arith.constant 0 : i32
      %dma_wait3A_302 = tpu.memref_slice %arg14[%dma_wait3A_300, %dma_wait3A_301] : memref<10112x64xf32, #tpu.memory_space<vmem_shared>> -> memref<10112x64xf32, #tpu.memory_space<vmem_shared>>
      tpu.wait_indirect_dma semaphore(%arg21 : memref<!tpu.dma_semaphore, #tpu.memory_space<semaphore_mem>>) src(%arg10 : memref<128x64xf32, #tpu.memory_space<vmem>>) dst(%dma_wait3A_302 : memref<10112x64xf32, #tpu.memory_space<vmem_shared>>)
      %add3A_303 = arith.constant 5 : i32
      %add3A_304 = arith.addi %mul3A_173, %add3A_303 : i32
      %add3A_305 = arith.constant 1 : i32
      %add3A_306 = arith.addi %add3A_304, %add3A_305 : i32
      %dma_start3A_307 = arith.constant 0 : i32
      %dma_start3A_308 = tpu.memref_slice %arg7[%add3A_306, %dma_start3A_307] : memref<160x128xi32, #tpu.memory_space<vmem>> -> memref<1x128xi32, #tpu.memory_space<vmem>>
      %dma_start3A_309 = tpu.memref_squeeze %dma_start3A_308 : memref<1x128xi32, #tpu.memory_space<vmem>> -> memref<128xi32, #tpu.memory_space<vmem>>
      %dma_start3A_310 = arith.constant 0 : i32
      %dma_start3A_311 = arith.constant 0 : i32
      %dma_start3A_312 = tpu.memref_slice %arg4[%arg0, %dma_start3A_310, %dma_start3A_311] : memref<2x10000x64xf32, #tpu.memory_space<hbm>> -> memref<1x10000x64xf32, #tpu.memory_space<hbm>>
      %dma_start3A_313 = tpu.memref_squeeze %dma_start3A_312 : memref<1x10000x64xf32, #tpu.memory_space<hbm>> -> memref<10000x64xf32, #tpu.memory_space<hbm>>
      %dma_start3A_314 = arith.constant 0 : i32
      %dma_start3A_315 = arith.constant 0 : i32
      %dma_start3A_316 = tpu.memref_slice %dma_start3A_313[%dma_start3A_314, %dma_start3A_315] : memref<10000x64xf32, #tpu.memory_space<hbm>> -> memref<10000x64xf32, #tpu.memory_space<hbm>>
      tpu.enqueue_indirect_dma source(%dma_start3A_316 : memref<10000x64xf32, #tpu.memory_space<hbm>>) target(%arg10 : memref<128x64xf32, #tpu.memory_space<vmem>>) offsets(%dma_start3A_309 : memref<128xi32, #tpu.memory_space<vmem>>) semaphore(%arg16 : memref<!tpu.dma_semaphore, #tpu.memory_space<semaphore_mem>>)
      %add3A_317 = arith.constant 2 : i32
      %add3A_318 = arith.addi %mul3A_173, %add3A_317 : i32
      %dma_wait3A_319 = arith.constant 0 : i32
      %dma_wait3A_320 = tpu.memref_slice %arg8[%add3A_318, %dma_wait3A_319] : memref<160x128xi32, #tpu.memory_space<vmem>> -> memref<1x128xi32, #tpu.memory_space<vmem>>
      %dma_wait3A_321 = tpu.memref_squeeze %dma_wait3A_320 : memref<1x128xi32, #tpu.memory_space<vmem>> -> memref<128xi32, #tpu.memory_space<vmem>>
      %dma_wait3A_322 = arith.constant 0 : i32
      %dma_wait3A_323 = arith.constant 0 : i32
      %dma_wait3A_324 = tpu.memref_slice %arg14[%dma_wait3A_322, %dma_wait3A_323] : memref<10112x64xf32, #tpu.memory_space<vmem_shared>> -> memref<10112x64xf32, #tpu.memory_space<vmem_shared>>
      tpu.wait_indirect_dma semaphore(%arg22 : memref<!tpu.dma_semaphore, #tpu.memory_space<semaphore_mem>>) src(%arg11 : memref<128x64xf32, #tpu.memory_space<vmem>>) dst(%dma_wait3A_324 : memref<10112x64xf32, #tpu.memory_space<vmem_shared>>)
      %add3A_325 = arith.constant 5 : i32
      %add3A_326 = arith.addi %mul3A_173, %add3A_325 : i32
      %add3A_327 = arith.constant 2 : i32
      %add3A_328 = arith.addi %add3A_326, %add3A_327 : i32
      %dma_start3A_329 = arith.constant 0 : i32
      %dma_start3A_330 = tpu.memref_slice %arg7[%add3A_328, %dma_start3A_329] : memref<160x128xi32, #tpu.memory_space<vmem>> -> memref<1x128xi32, #tpu.memory_space<vmem>>
      %dma_start3A_331 = tpu.memref_squeeze %dma_start3A_330 : memref<1x128xi32, #tpu.memory_space<vmem>> -> memref<128xi32, #tpu.memory_space<vmem>>
      %dma_start3A_332 = arith.constant 0 : i32
      %dma_start3A_333 = arith.constant 0 : i32
      %dma_start3A_334 = tpu.memref_slice %arg4[%arg0, %dma_start3A_332, %dma_start3A_333] : memref<2x10000x64xf32, #tpu.memory_space<hbm>> -> memref<1x10000x64xf32, #tpu.memory_space<hbm>>
      %dma_start3A_335 = tpu.memref_squeeze %dma_start3A_334 : memref<1x10000x64xf32, #tpu.memory_space<hbm>> -> memref<10000x64xf32, #tpu.memory_space<hbm>>
      %dma_start3A_336 = arith.constant 0 : i32
      %dma_start3A_337 = arith.constant 0 : i32
      %dma_start3A_338 = tpu.memref_slice %dma_start3A_335[%dma_start3A_336, %dma_start3A_337] : memref<10000x64xf32, #tpu.memory_space<hbm>> -> memref<10000x64xf32, #tpu.memory_space<hbm>>
      tpu.enqueue_indirect_dma source(%dma_start3A_338 : memref<10000x64xf32, #tpu.memory_space<hbm>>) target(%arg11 : memref<128x64xf32, #tpu.memory_space<vmem>>) offsets(%dma_start3A_331 : memref<128xi32, #tpu.memory_space<vmem>>) semaphore(%arg17 : memref<!tpu.dma_semaphore, #tpu.memory_space<semaphore_mem>>)
      %add3A_339 = arith.constant 3 : i32
      %add3A_340 = arith.addi %mul3A_173, %add3A_339 : i32
      %dma_wait3A_341 = arith.constant 0 : i32
      %dma_wait3A_342 = tpu.memref_slice %arg8[%add3A_340, %dma_wait3A_341] : memref<160x128xi32, #tpu.memory_space<vmem>> -> memref<1x128xi32, #tpu.memory_space<vmem>>
      %dma_wait3A_343 = tpu.memref_squeeze %dma_wait3A_342 : memref<1x128xi32, #tpu.memory_space<vmem>> -> memref<128xi32, #tpu.memory_space<vmem>>
      %dma_wait3A_344 = arith.constant 0 : i32
      %dma_wait3A_345 = arith.constant 0 : i32
      %dma_wait3A_346 = tpu.memref_slice %arg14[%dma_wait3A_344, %dma_wait3A_345] : memref<10112x64xf32, #tpu.memory_space<vmem_shared>> -> memref<10112x64xf32, #tpu.memory_space<vmem_shared>>
      tpu.wait_indirect_dma semaphore(%arg23 : memref<!tpu.dma_semaphore, #tpu.memory_space<semaphore_mem>>) src(%arg12 : memref<128x64xf32, #tpu.memory_space<vmem>>) dst(%dma_wait3A_346 : memref<10112x64xf32, #tpu.memory_space<vmem_shared>>)
      %add3A_347 = arith.constant 5 : i32
      %add3A_348 = arith.addi %mul3A_173, %add3A_347 : i32
      %add3A_349 = arith.constant 3 : i32
      %add3A_350 = arith.addi %add3A_348, %add3A_349 : i32
      %dma_start3A_351 = arith.constant 0 : i32
      %dma_start3A_352 = tpu.memref_slice %arg7[%add3A_350, %dma_start3A_351] : memref<160x128xi32, #tpu.memory_space<vmem>> -> memref<1x128xi32, #tpu.memory_space<vmem>>
      %dma_start3A_353 = tpu.memref_squeeze %dma_start3A_352 : memref<1x128xi32, #tpu.memory_space<vmem>> -> memref<128xi32, #tpu.memory_space<vmem>>
      %dma_start3A_354 = arith.constant 0 : i32
      %dma_start3A_355 = arith.constant 0 : i32
      %dma_start3A_356 = tpu.memref_slice %arg4[%arg0, %dma_start3A_354, %dma_start3A_355] : memref<2x10000x64xf32, #tpu.memory_space<hbm>> -> memref<1x10000x64xf32, #tpu.memory_space<hbm>>
      %dma_start3A_357 = tpu.memref_squeeze %dma_start3A_356 : memref<1x10000x64xf32, #tpu.memory_space<hbm>> -> memref<10000x64xf32, #tpu.memory_space<hbm>>
      %dma_start3A_358 = arith.constant 0 : i32
      %dma_start3A_359 = arith.constant 0 : i32
      %dma_start3A_360 = tpu.memref_slice %dma_start3A_357[%dma_start3A_358, %dma_start3A_359] : memref<10000x64xf32, #tpu.memory_space<hbm>> -> memref<10000x64xf32, #tpu.memory_space<hbm>>
      tpu.enqueue_indirect_dma source(%dma_start3A_360 : memref<10000x64xf32, #tpu.memory_space<hbm>>) target(%arg12 : memref<128x64xf32, #tpu.memory_space<vmem>>) offsets(%dma_start3A_353 : memref<128xi32, #tpu.memory_space<vmem>>) semaphore(%arg18 : memref<!tpu.dma_semaphore, #tpu.memory_space<semaphore_mem>>)
      %add3A_361 = arith.constant 4 : i32
      %add3A_362 = arith.addi %mul3A_173, %add3A_361 : i32
      %dma_wait3A_363 = arith.constant 0 : i32
      %dma_wait3A_364 = tpu.memref_slice %arg8[%add3A_362, %dma_wait3A_363] : memref<160x128xi32, #tpu.memory_space<vmem>> -> memref<1x128xi32, #tpu.memory_space<vmem>>
      %dma_wait3A_365 = tpu.memref_squeeze %dma_wait3A_364 : memref<1x128xi32, #tpu.memory_space<vmem>> -> memref<128xi32, #tpu.memory_space<vmem>>
      %dma_wait3A_366 = arith.constant 0 : i32
      %dma_wait3A_367 = arith.constant 0 : i32
      %dma_wait3A_368 = tpu.memref_slice %arg14[%dma_wait3A_366, %dma_wait3A_367] : memref<10112x64xf32, #tpu.memory_space<vmem_shared>> -> memref<10112x64xf32, #tpu.memory_space<vmem_shared>>
      tpu.wait_indirect_dma semaphore(%arg24 : memref<!tpu.dma_semaphore, #tpu.memory_space<semaphore_mem>>) src(%arg13 : memref<128x64xf32, #tpu.memory_space<vmem>>) dst(%dma_wait3A_368 : memref<10112x64xf32, #tpu.memory_space<vmem_shared>>)
      %add3A_369 = arith.constant 5 : i32
      %add3A_370 = arith.addi %mul3A_173, %add3A_369 : i32
      %add3A_371 = arith.constant 4 : i32
      %add3A_372 = arith.addi %add3A_370, %add3A_371 : i32
      %dma_start3A_373 = arith.constant 0 : i32
      %dma_start3A_374 = tpu.memref_slice %arg7[%add3A_372, %dma_start3A_373] : memref<160x128xi32, #tpu.memory_space<vmem>> -> memref<1x128xi32, #tpu.memory_space<vmem>>
      %dma_start3A_375 = tpu.memref_squeeze %dma_start3A_374 : memref<1x128xi32, #tpu.memory_space<vmem>> -> memref<128xi32, #tpu.memory_space<vmem>>
      %dma_start3A_376 = arith.constant 0 : i32
      %dma_start3A_377 = arith.constant 0 : i32
      %dma_start3A_378 = tpu.memref_slice %arg4[%arg0, %dma_start3A_376, %dma_start3A_377] : memref<2x10000x64xf32, #tpu.memory_space<hbm>> -> memref<1x10000x64xf32, #tpu.memory_space<hbm>>
      %dma_start3A_379 = tpu.memref_squeeze %dma_start3A_378 : memref<1x10000x64xf32, #tpu.memory_space<hbm>> -> memref<10000x64xf32, #tpu.memory_space<hbm>>
      %dma_start3A_380 = arith.constant 0 : i32
      %dma_start3A_381 = arith.constant 0 : i32
      %dma_start3A_382 = tpu.memref_slice %dma_start3A_379[%dma_start3A_380, %dma_start3A_381] : memref<10000x64xf32, #tpu.memory_space<hbm>> -> memref<10000x64xf32, #tpu.memory_space<hbm>>
      tpu.enqueue_indirect_dma source(%dma_start3A_382 : memref<10000x64xf32, #tpu.memory_space<hbm>>) target(%arg13 : memref<128x64xf32, #tpu.memory_space<vmem>>) offsets(%dma_start3A_375 : memref<128xi32, #tpu.memory_space<vmem>>) semaphore(%arg19 : memref<!tpu.dma_semaphore, #tpu.memory_space<semaphore_mem>>)
    }
    %scan3A_104 = arith.constant 31 : i32
    %dma_wait3A_105 = arith.constant 155 : i32
    %dma_wait3A_106 = arith.constant 0 : i32
    %dma_wait3A_107 = tpu.memref_slice %arg7[%dma_wait3A_105, %dma_wait3A_106] : memref<160x128xi32, #tpu.memory_space<vmem>> -> memref<1x128xi32, #tpu.memory_space<vmem>>
    %dma_wait3A_108 = tpu.memref_squeeze %dma_wait3A_107 : memref<1x128xi32, #tpu.memory_space<vmem>> -> memref<128xi32, #tpu.memory_space<vmem>>
    %dma_wait3A_109 = arith.constant 0 : i32
    %dma_wait3A_110 = arith.constant 0 : i32
    %dma_wait3A_111 = tpu.memref_slice %arg4[%arg0, %dma_wait3A_109, %dma_wait3A_110] : memref<2x10000x64xf32, #tpu.memory_space<hbm>> -> memref<1x10000x64xf32, #tpu.memory_space<hbm>>
    %dma_wait3A_112 = tpu.memref_squeeze %dma_wait3A_111 : memref<1x10000x64xf32, #tpu.memory_space<hbm>> -> memref<10000x64xf32, #tpu.memory_space<hbm>>
    %dma_wait3A_113 = arith.constant 0 : i32
    %dma_wait3A_114 = arith.constant 0 : i32
    %dma_wait3A_115 = tpu.memref_slice %dma_wait3A_112[%dma_wait3A_113, %dma_wait3A_114] : memref<10000x64xf32, #tpu.memory_space<hbm>> -> memref<10000x64xf32, #tpu.memory_space<hbm>>
    tpu.wait_indirect_dma semaphore(%arg15 : memref<!tpu.dma_semaphore, #tpu.memory_space<semaphore_mem>>) src(%dma_wait3A_115 : memref<10000x64xf32, #tpu.memory_space<hbm>>) dst(%arg9 : memref<128x64xf32, #tpu.memory_space<vmem>>)
    %run_scoped3A = arith.constant 155 : i32
    "tpu.region"() ({
      %run_scoped3A_171 = tpu.sem_alloc : memref<!tpu.dma_semaphore, #tpu.memory_space<semaphore_mem>>
      %dma_start3A_172 = arith.constant 0 : i32
      %dma_start3A_173 = tpu.memref_slice %arg8[%run_scoped3A, %dma_start3A_172] : memref<160x128xi32, #tpu.memory_space<vmem>> -> memref<1x128xi32, #tpu.memory_space<vmem>>
      %dma_start3A_174 = tpu.memref_squeeze %dma_start3A_173 : memref<1x128xi32, #tpu.memory_space<vmem>> -> memref<128xi32, #tpu.memory_space<vmem>>
      %dma_start3A_175 = arith.constant 0 : i32
      %dma_start3A_176 = arith.constant 0 : i32
      %dma_start3A_177 = tpu.memref_slice %arg14[%dma_start3A_175, %dma_start3A_176] : memref<10112x64xf32, #tpu.memory_space<vmem_shared>> -> memref<10112x64xf32, #tpu.memory_space<vmem_shared>>
      tpu.enqueue_indirect_dma source(%arg9 : memref<128x64xf32, #tpu.memory_space<vmem>>) target(%dma_start3A_177 : memref<10112x64xf32, #tpu.memory_space<vmem_shared>>) offsets(%dma_start3A_174 : memref<128xi32, #tpu.memory_space<vmem>>) semaphore(%run_scoped3A_171 : memref<!tpu.dma_semaphore, #tpu.memory_space<semaphore_mem>>) {add = true}
      %dma_wait3A_178 = arith.constant 0 : i32
      %dma_wait3A_179 = tpu.memref_slice %arg8[%run_scoped3A, %dma_wait3A_178] : memref<160x128xi32, #tpu.memory_space<vmem>> -> memref<1x128xi32, #tpu.memory_space<vmem>>
      %dma_wait3A_180 = tpu.memref_squeeze %dma_wait3A_179 : memref<1x128xi32, #tpu.memory_space<vmem>> -> memref<128xi32, #tpu.memory_space<vmem>>
      %dma_wait3A_181 = arith.constant 0 : i32
      %dma_wait3A_182 = arith.constant 0 : i32
      %dma_wait3A_183 = tpu.memref_slice %arg14[%dma_wait3A_181, %dma_wait3A_182] : memref<10112x64xf32, #tpu.memory_space<vmem_shared>> -> memref<10112x64xf32, #tpu.memory_space<vmem_shared>>
      tpu.wait_indirect_dma semaphore(%run_scoped3A_171 : memref<!tpu.dma_semaphore, #tpu.memory_space<semaphore_mem>>) src(%arg9 : memref<128x64xf32, #tpu.memory_space<vmem>>) dst(%dma_wait3A_183 : memref<10112x64xf32, #tpu.memory_space<vmem_shared>>)
      tpu.yield
    }) : () -> ()
    %dma_wait3A_116 = arith.constant 156 : i32
    %dma_wait3A_117 = arith.constant 0 : i32
    %dma_wait3A_118 = tpu.memref_slice %arg7[%dma_wait3A_116, %dma_wait3A_117] : memref<160x128xi32, #tpu.memory_space<vmem>> -> memref<1x128xi32, #tpu.memory_space<vmem>>
    %dma_wait3A_119 = tpu.memref_squeeze %dma_wait3A_118 : memref<1x128xi32, #tpu.memory_space<vmem>> -> memref<128xi32, #tpu.memory_space<vmem>>
    %dma_wait3A_120 = arith.constant 0 : i32
    %dma_wait3A_121 = arith.constant 0 : i32
    %dma_wait3A_122 = tpu.memref_slice %arg4[%arg0, %dma_wait3A_120, %dma_wait3A_121] : memref<2x10000x64xf32, #tpu.memory_space<hbm>> -> memref<1x10000x64xf32, #tpu.memory_space<hbm>>
    %dma_wait3A_123 = tpu.memref_squeeze %dma_wait3A_122 : memref<1x10000x64xf32, #tpu.memory_space<hbm>> -> memref<10000x64xf32, #tpu.memory_space<hbm>>
    %dma_wait3A_124 = arith.constant 0 : i32
    %dma_wait3A_125 = arith.constant 0 : i32
    %dma_wait3A_126 = tpu.memref_slice %dma_wait3A_123[%dma_wait3A_124, %dma_wait3A_125] : memref<10000x64xf32, #tpu.memory_space<hbm>> -> memref<10000x64xf32, #tpu.memory_space<hbm>>
    tpu.wait_indirect_dma semaphore(%arg16 : memref<!tpu.dma_semaphore, #tpu.memory_space<semaphore_mem>>) src(%dma_wait3A_126 : memref<10000x64xf32, #tpu.memory_space<hbm>>) dst(%arg10 : memref<128x64xf32, #tpu.memory_space<vmem>>)
    %run_scoped3A_127 = arith.constant 156 : i32
    "tpu.region"() ({
      %run_scoped3A_171 = tpu.sem_alloc : memref<!tpu.dma_semaphore, #tpu.memory_space<semaphore_mem>>
      %dma_start3A_172 = arith.constant 0 : i32
      %dma_start3A_173 = tpu.memref_slice %arg8[%run_scoped3A_127, %dma_start3A_172] : memref<160x128xi32, #tpu.memory_space<vmem>> -> memref<1x128xi32, #tpu.memory_space<vmem>>
      %dma_start3A_174 = tpu.memref_squeeze %dma_start3A_173 : memref<1x128xi32, #tpu.memory_space<vmem>> -> memref<128xi32, #tpu.memory_space<vmem>>
      %dma_start3A_175 = arith.constant 0 : i32
      %dma_start3A_176 = arith.constant 0 : i32
      %dma_start3A_177 = tpu.memref_slice %arg14[%dma_start3A_175, %dma_start3A_176] : memref<10112x64xf32, #tpu.memory_space<vmem_shared>> -> memref<10112x64xf32, #tpu.memory_space<vmem_shared>>
      tpu.enqueue_indirect_dma source(%arg10 : memref<128x64xf32, #tpu.memory_space<vmem>>) target(%dma_start3A_177 : memref<10112x64xf32, #tpu.memory_space<vmem_shared>>) offsets(%dma_start3A_174 : memref<128xi32, #tpu.memory_space<vmem>>) semaphore(%run_scoped3A_171 : memref<!tpu.dma_semaphore, #tpu.memory_space<semaphore_mem>>) {add = true}
      %dma_wait3A_178 = arith.constant 0 : i32
      %dma_wait3A_179 = tpu.memref_slice %arg8[%run_scoped3A_127, %dma_wait3A_178] : memref<160x128xi32, #tpu.memory_space<vmem>> -> memref<1x128xi32, #tpu.memory_space<vmem>>
      %dma_wait3A_180 = tpu.memref_squeeze %dma_wait3A_179 : memref<1x128xi32, #tpu.memory_space<vmem>> -> memref<128xi32, #tpu.memory_space<vmem>>
      %dma_wait3A_181 = arith.constant 0 : i32
      %dma_wait3A_182 = arith.constant 0 : i32
      %dma_wait3A_183 = tpu.memref_slice %arg14[%dma_wait3A_181, %dma_wait3A_182] : memref<10112x64xf32, #tpu.memory_space<vmem_shared>> -> memref<10112x64xf32, #tpu.memory_space<vmem_shared>>
      tpu.wait_indirect_dma semaphore(%run_scoped3A_171 : memref<!tpu.dma_semaphore, #tpu.memory_space<semaphore_mem>>) src(%arg10 : memref<128x64xf32, #tpu.memory_space<vmem>>) dst(%dma_wait3A_183 : memref<10112x64xf32, #tpu.memory_space<vmem_shared>>)
      tpu.yield
    }) : () -> ()
    %dma_wait3A_128 = arith.constant 157 : i32
    %dma_wait3A_129 = arith.constant 0 : i32
    %dma_wait3A_130 = tpu.memref_slice %arg7[%dma_wait3A_128, %dma_wait3A_129] : memref<160x128xi32, #tpu.memory_space<vmem>> -> memref<1x128xi32, #tpu.memory_space<vmem>>
    %dma_wait3A_131 = tpu.memref_squeeze %dma_wait3A_130 : memref<1x128xi32, #tpu.memory_space<vmem>> -> memref<128xi32, #tpu.memory_space<vmem>>
    %dma_wait3A_132 = arith.constant 0 : i32
    %dma_wait3A_133 = arith.constant 0 : i32
    %dma_wait3A_134 = tpu.memref_slice %arg4[%arg0, %dma_wait3A_132, %dma_wait3A_133] : memref<2x10000x64xf32, #tpu.memory_space<hbm>> -> memref<1x10000x64xf32, #tpu.memory_space<hbm>>
    %dma_wait3A_135 = tpu.memref_squeeze %dma_wait3A_134 : memref<1x10000x64xf32, #tpu.memory_space<hbm>> -> memref<10000x64xf32, #tpu.memory_space<hbm>>
    %dma_wait3A_136 = arith.constant 0 : i32
    %dma_wait3A_137 = arith.constant 0 : i32
    %dma_wait3A_138 = tpu.memref_slice %dma_wait3A_135[%dma_wait3A_136, %dma_wait3A_137] : memref<10000x64xf32, #tpu.memory_space<hbm>> -> memref<10000x64xf32, #tpu.memory_space<hbm>>
    tpu.wait_indirect_dma semaphore(%arg17 : memref<!tpu.dma_semaphore, #tpu.memory_space<semaphore_mem>>) src(%dma_wait3A_138 : memref<10000x64xf32, #tpu.memory_space<hbm>>) dst(%arg11 : memref<128x64xf32, #tpu.memory_space<vmem>>)
    %run_scoped3A_139 = arith.constant 157 : i32
    "tpu.region"() ({
      %run_scoped3A_171 = tpu.sem_alloc : memref<!tpu.dma_semaphore, #tpu.memory_space<semaphore_mem>>
      %dma_start3A_172 = arith.constant 0 : i32
      %dma_start3A_173 = tpu.memref_slice %arg8[%run_scoped3A_139, %dma_start3A_172] : memref<160x128xi32, #tpu.memory_space<vmem>> -> memref<1x128xi32, #tpu.memory_space<vmem>>
      %dma_start3A_174 = tpu.memref_squeeze %dma_start3A_173 : memref<1x128xi32, #tpu.memory_space<vmem>> -> memref<128xi32, #tpu.memory_space<vmem>>
      %dma_start3A_175 = arith.constant 0 : i32
      %dma_start3A_176 = arith.constant 0 : i32
      %dma_start3A_177 = tpu.memref_slice %arg14[%dma_start3A_175, %dma_start3A_176] : memref<10112x64xf32, #tpu.memory_space<vmem_shared>> -> memref<10112x64xf32, #tpu.memory_space<vmem_shared>>
      tpu.enqueue_indirect_dma source(%arg11 : memref<128x64xf32, #tpu.memory_space<vmem>>) target(%dma_start3A_177 : memref<10112x64xf32, #tpu.memory_space<vmem_shared>>) offsets(%dma_start3A_174 : memref<128xi32, #tpu.memory_space<vmem>>) semaphore(%run_scoped3A_171 : memref<!tpu.dma_semaphore, #tpu.memory_space<semaphore_mem>>) {add = true}
      %dma_wait3A_178 = arith.constant 0 : i32
      %dma_wait3A_179 = tpu.memref_slice %arg8[%run_scoped3A_139, %dma_wait3A_178] : memref<160x128xi32, #tpu.memory_space<vmem>> -> memref<1x128xi32, #tpu.memory_space<vmem>>
      %dma_wait3A_180 = tpu.memref_squeeze %dma_wait3A_179 : memref<1x128xi32, #tpu.memory_space<vmem>> -> memref<128xi32, #tpu.memory_space<vmem>>
      %dma_wait3A_181 = arith.constant 0 : i32
      %dma_wait3A_182 = arith.constant 0 : i32
      %dma_wait3A_183 = tpu.memref_slice %arg14[%dma_wait3A_181, %dma_wait3A_182] : memref<10112x64xf32, #tpu.memory_space<vmem_shared>> -> memref<10112x64xf32, #tpu.memory_space<vmem_shared>>
      tpu.wait_indirect_dma semaphore(%run_scoped3A_171 : memref<!tpu.dma_semaphore, #tpu.memory_space<semaphore_mem>>) src(%arg11 : memref<128x64xf32, #tpu.memory_space<vmem>>) dst(%dma_wait3A_183 : memref<10112x64xf32, #tpu.memory_space<vmem_shared>>)
      tpu.yield
    }) : () -> ()
    %dma_wait3A_140 = arith.constant 158 : i32
    %dma_wait3A_141 = arith.constant 0 : i32
    %dma_wait3A_142 = tpu.memref_slice %arg7[%dma_wait3A_140, %dma_wait3A_141] : memref<160x128xi32, #tpu.memory_space<vmem>> -> memref<1x128xi32, #tpu.memory_space<vmem>>
    %dma_wait3A_143 = tpu.memref_squeeze %dma_wait3A_142 : memref<1x128xi32, #tpu.memory_space<vmem>> -> memref<128xi32, #tpu.memory_space<vmem>>
    %dma_wait3A_144 = arith.constant 0 : i32
    %dma_wait3A_145 = arith.constant 0 : i32
    %dma_wait3A_146 = tpu.memref_slice %arg4[%arg0, %dma_wait3A_144, %dma_wait3A_145] : memref<2x10000x64xf32, #tpu.memory_space<hbm>> -> memref<1x10000x64xf32, #tpu.memory_space<hbm>>
    %dma_wait3A_147 = tpu.memref_squeeze %dma_wait3A_146 : memref<1x10000x64xf32, #tpu.memory_space<hbm>> -> memref<10000x64xf32, #tpu.memory_space<hbm>>
    %dma_wait3A_148 = arith.constant 0 : i32
    %dma_wait3A_149 = arith.constant 0 : i32
    %dma_wait3A_150 = tpu.memref_slice %dma_wait3A_147[%dma_wait3A_148, %dma_wait3A_149] : memref<10000x64xf32, #tpu.memory_space<hbm>> -> memref<10000x64xf32, #tpu.memory_space<hbm>>
    tpu.wait_indirect_dma semaphore(%arg18 : memref<!tpu.dma_semaphore, #tpu.memory_space<semaphore_mem>>) src(%dma_wait3A_150 : memref<10000x64xf32, #tpu.memory_space<hbm>>) dst(%arg12 : memref<128x64xf32, #tpu.memory_space<vmem>>)
    %run_scoped3A_151 = arith.constant 158 : i32
    "tpu.region"() ({
      %run_scoped3A_171 = tpu.sem_alloc : memref<!tpu.dma_semaphore, #tpu.memory_space<semaphore_mem>>
      %dma_start3A_172 = arith.constant 0 : i32
      %dma_start3A_173 = tpu.memref_slice %arg8[%run_scoped3A_151, %dma_start3A_172] : memref<160x128xi32, #tpu.memory_space<vmem>> -> memref<1x128xi32, #tpu.memory_space<vmem>>
      %dma_start3A_174 = tpu.memref_squeeze %dma_start3A_173 : memref<1x128xi32, #tpu.memory_space<vmem>> -> memref<128xi32, #tpu.memory_space<vmem>>
      %dma_start3A_175 = arith.constant 0 : i32
      %dma_start3A_176 = arith.constant 0 : i32
      %dma_start3A_177 = tpu.memref_slice %arg14[%dma_start3A_175, %dma_start3A_176] : memref<10112x64xf32, #tpu.memory_space<vmem_shared>> -> memref<10112x64xf32, #tpu.memory_space<vmem_shared>>
      tpu.enqueue_indirect_dma source(%arg12 : memref<128x64xf32, #tpu.memory_space<vmem>>) target(%dma_start3A_177 : memref<10112x64xf32, #tpu.memory_space<vmem_shared>>) offsets(%dma_start3A_174 : memref<128xi32, #tpu.memory_space<vmem>>) semaphore(%run_scoped3A_171 : memref<!tpu.dma_semaphore, #tpu.memory_space<semaphore_mem>>) {add = true}
      %dma_wait3A_178 = arith.constant 0 : i32
      %dma_wait3A_179 = tpu.memref_slice %arg8[%run_scoped3A_151, %dma_wait3A_178] : memref<160x128xi32, #tpu.memory_space<vmem>> -> memref<1x128xi32, #tpu.memory_space<vmem>>
      %dma_wait3A_180 = tpu.memref_squeeze %dma_wait3A_179 : memref<1x128xi32, #tpu.memory_space<vmem>> -> memref<128xi32, #tpu.memory_space<vmem>>
      %dma_wait3A_181 = arith.constant 0 : i32
      %dma_wait3A_182 = arith.constant 0 : i32
      %dma_wait3A_183 = tpu.memref_slice %arg14[%dma_wait3A_181, %dma_wait3A_182] : memref<10112x64xf32, #tpu.memory_space<vmem_shared>> -> memref<10112x64xf32, #tpu.memory_space<vmem_shared>>
      tpu.wait_indirect_dma semaphore(%run_scoped3A_171 : memref<!tpu.dma_semaphore, #tpu.memory_space<semaphore_mem>>) src(%arg12 : memref<128x64xf32, #tpu.memory_space<vmem>>) dst(%dma_wait3A_183 : memref<10112x64xf32, #tpu.memory_space<vmem_shared>>)
      tpu.yield
    }) : () -> ()
    %dma_wait3A_152 = arith.constant 159 : i32
    %dma_wait3A_153 = arith.constant 0 : i32
    %dma_wait3A_154 = tpu.memref_slice %arg7[%dma_wait3A_152, %dma_wait3A_153] : memref<160x128xi32, #tpu.memory_space<vmem>> -> memref<1x128xi32, #tpu.memory_space<vmem>>
    %dma_wait3A_155 = tpu.memref_squeeze %dma_wait3A_154 : memref<1x128xi32, #tpu.memory_space<vmem>> -> memref<128xi32, #tpu.memory_space<vmem>>
    %dma_wait3A_156 = arith.constant 0 : i32
    %dma_wait3A_157 = arith.constant 0 : i32
    %dma_wait3A_158 = tpu.memref_slice %arg4[%arg0, %dma_wait3A_156, %dma_wait3A_157] : memref<2x10000x64xf32, #tpu.memory_space<hbm>> -> memref<1x10000x64xf32, #tpu.memory_space<hbm>>
    %dma_wait3A_159 = tpu.memref_squeeze %dma_wait3A_158 : memref<1x10000x64xf32, #tpu.memory_space<hbm>> -> memref<10000x64xf32, #tpu.memory_space<hbm>>
    %dma_wait3A_160 = arith.constant 0 : i32
    %dma_wait3A_161 = arith.constant 0 : i32
    %dma_wait3A_162 = tpu.memref_slice %dma_wait3A_159[%dma_wait3A_160, %dma_wait3A_161] : memref<10000x64xf32, #tpu.memory_space<hbm>> -> memref<10000x64xf32, #tpu.memory_space<hbm>>
    tpu.wait_indirect_dma semaphore(%arg19 : memref<!tpu.dma_semaphore, #tpu.memory_space<semaphore_mem>>) src(%dma_wait3A_162 : memref<10000x64xf32, #tpu.memory_space<hbm>>) dst(%arg13 : memref<128x64xf32, #tpu.memory_space<vmem>>)
    %run_scoped3A_163 = arith.constant 159 : i32
    "tpu.region"() ({
      %run_scoped3A_171 = tpu.sem_alloc : memref<!tpu.dma_semaphore, #tpu.memory_space<semaphore_mem>>
      %dma_start3A_172 = arith.constant 0 : i32
      %dma_start3A_173 = tpu.memref_slice %arg8[%run_scoped3A_163, %dma_start3A_172] : memref<160x128xi32, #tpu.memory_space<vmem>> -> memref<1x128xi32, #tpu.memory_space<vmem>>
      %dma_start3A_174 = tpu.memref_squeeze %dma_start3A_173 : memref<1x128xi32, #tpu.memory_space<vmem>> -> memref<128xi32, #tpu.memory_space<vmem>>
      %dma_start3A_175 = arith.constant 0 : i32
      %dma_start3A_176 = arith.constant 0 : i32
      %dma_start3A_177 = tpu.memref_slice %arg14[%dma_start3A_175, %dma_start3A_176] : memref<10112x64xf32, #tpu.memory_space<vmem_shared>> -> memref<10112x64xf32, #tpu.memory_space<vmem_shared>>
      tpu.enqueue_indirect_dma source(%arg13 : memref<128x64xf32, #tpu.memory_space<vmem>>) target(%dma_start3A_177 : memref<10112x64xf32, #tpu.memory_space<vmem_shared>>) offsets(%dma_start3A_174 : memref<128xi32, #tpu.memory_space<vmem>>) semaphore(%run_scoped3A_171 : memref<!tpu.dma_semaphore, #tpu.memory_space<semaphore_mem>>) {add = true}
      %dma_wait3A_178 = arith.constant 0 : i32
      %dma_wait3A_179 = tpu.memref_slice %arg8[%run_scoped3A_163, %dma_wait3A_178] : memref<160x128xi32, #tpu.memory_space<vmem>> -> memref<1x128xi32, #tpu.memory_space<vmem>>
      %dma_wait3A_180 = tpu.memref_squeeze %dma_wait3A_179 : memref<1x128xi32, #tpu.memory_space<vmem>> -> memref<128xi32, #tpu.memory_space<vmem>>
      %dma_wait3A_181 = arith.constant 0 : i32
      %dma_wait3A_182 = arith.constant 0 : i32
      %dma_wait3A_183 = tpu.memref_slice %arg14[%dma_wait3A_181, %dma_wait3A_182] : memref<10112x64xf32, #tpu.memory_space<vmem_shared>> -> memref<10112x64xf32, #tpu.memory_space<vmem_shared>>
      tpu.wait_indirect_dma semaphore(%run_scoped3A_171 : memref<!tpu.dma_semaphore, #tpu.memory_space<semaphore_mem>>) src(%arg13 : memref<128x64xf32, #tpu.memory_space<vmem>>) dst(%dma_wait3A_183 : memref<10112x64xf32, #tpu.memory_space<vmem_shared>>)
      tpu.yield
    }) : () -> ()
    %barrier3A_164 = arith.constant 0 : index
    tpu.barrier barrier_id(%barrier3A_164)
    %mul3A_165 = arith.constant 632 : i32
    %mul3A_166 = arith.muli %arg1, %mul3A_165 : i32
    %mul3A_167 = arith.constant 632 : i32
    %mul3A_168 = arith.muli %arg1, %mul3A_167 : i32
    %mul3A_169 = arith.constant 64 : i32
    %mul3A_170 = arith.muli %arg0, %mul3A_169 : i32
    "tpu.region"() ({
      %run_scoped3A_171 = tpu.sem_alloc : memref<!tpu.dma_semaphore, #tpu.memory_space<semaphore_mem>>
      %dma_start3A_172 = tpu.memref_slice %arg6[%mul3A_168, %mul3A_170] : memref<10112x128xf32, #tpu.memory_space<hbm>> -> memref<632x64xf32, #tpu.memory_space<hbm>>
      %dma_start3A_173 = arith.constant 0 : i32
      %dma_start3A_174 = tpu.memref_slice %arg14[%mul3A_166, %dma_start3A_173] : memref<10112x64xf32, #tpu.memory_space<vmem_shared>> -> memref<632x64xf32, #tpu.memory_space<vmem_shared>>
      tpu.enqueue_dma source(%dma_start3A_174 : memref<632x64xf32, #tpu.memory_space<vmem_shared>>) target(%dma_start3A_172 : memref<632x64xf32, #tpu.memory_space<hbm>>) target_semaphore(%run_scoped3A_171 : memref<!tpu.dma_semaphore, #tpu.memory_space<semaphore_mem>>)
      %dma_wait3A_175 = tpu.memref_slice %arg6[%mul3A_168, %mul3A_170] : memref<10112x128xf32, #tpu.memory_space<hbm>> -> memref<632x64xf32, #tpu.memory_space<hbm>>
      %dma_wait3A_176 = arith.constant 0 : i32
      %dma_wait3A_177 = tpu.memref_slice %arg14[%mul3A_166, %dma_wait3A_176] : memref<10112x64xf32, #tpu.memory_space<vmem_shared>> -> memref<632x64xf32, #tpu.memory_space<vmem_shared>>
      tpu.wait_dma2 semaphore(%run_scoped3A_171 : memref<!tpu.dma_semaphore, #tpu.memory_space<semaphore_mem>>) src(%dma_wait3A_177 : memref<632x64xf32, #tpu.memory_space<vmem_shared>>) dst(%dma_wait3A_175 : memref<632x64xf32, #tpu.memory_space<hbm>>)
      tpu.yield
    }) : () -> ()
    return
  }
}

module attributes {stable_mosaic.version = 14 : i64} {
  func.func @_tc1_body(%arg0: i32, %arg1: memref<2000x128xf32, #tpu.memory_space<vmem>>, %arg2: memref<128x32xf32, #tpu.memory_space<vmem>>, %arg3: memref<128x32xf32, #tpu.memory_space<vmem>>, %arg4: memref<128x32xf32, #tpu.memory_space<vmem>>, %arg5: memref<128x32xf32, #tpu.memory_space<vmem>>, %arg6: memref<2000x128xf32, #tpu.memory_space<vmem>>, %arg7: memref<2x2000x64xf32, #tpu.memory_space<vmem>>) attributes {dimension_semantics = [#tpu.dimension_semantics<arbitrary>], iteration_bounds = array<i64: 5>, scalar_prefetch = 0 : i64, scratch_operands = 0 : i64, tpu.core_type = #tpu.core_type<tc>, window_params = [{transform_indices = @transform_0, window_bounds = array<i64: 2000, 128>}, {pipeline_mode = #tpu.pipeline_mode<synchronous>, transform_indices = @transform_1, window_bounds = array<i64: 128, 32>}, {pipeline_mode = #tpu.pipeline_mode<synchronous>, transform_indices = @transform_2, window_bounds = array<i64: 128, 32>}, {pipeline_mode = #tpu.pipeline_mode<synchronous>, transform_indices = @transform_3, window_bounds = array<i64: 128, 32>}, {pipeline_mode = #tpu.pipeline_mode<synchronous>, transform_indices = @transform_4, window_bounds = array<i64: 128, 32>}, {transform_indices = @transform_5, window_bounds = array<i64: 2000, 128>}, {transform_indices = @transform_6, window_bounds = array<i64: 2, 2000, 64>}]} {
    %get3A = arith.constant 0 : index
    %get3A_0 = arith.constant 0 : index
    %get3A_1 = vector.load %arg6[%get3A, %get3A_0] : memref<2000x128xf32, #tpu.memory_space<vmem>>, vector<2000x128xf32>
    %slice3A = vector.extract_strided_slice %get3A_1 {offsets = [0, 0], sizes = [2000, 1], strides = [1, 1]} : vector<2000x128xf32> to vector<2000x1xf32>
    %slice3A_2 = vector.extract_strided_slice %get3A_1 {offsets = [0, 16], sizes = [2000, 1], strides = [1, 1]} : vector<2000x128xf32> to vector<2000x1xf32>
    %add3A = arith.addf %slice3A, %slice3A_2 : vector<2000x1xf32>
    %add3A_3 = arith.constant 1.000000e+00 : f32
    %add3A_4 = vector.broadcast %add3A_3 : f32 to vector<2000x1xf32>
    %add3A_5 = arith.addf %add3A, %add3A_4 : vector<2000x1xf32>
    %rsqrt3A = math.rsqrt %add3A_5 : vector<2000x1xf32>
    %get3A_6 = arith.constant 0 : index
    %get3A_7 = arith.constant 0 : index
    %get3A_8 = vector.load %arg2[%get3A_6, %get3A_7] : memref<128x32xf32, #tpu.memory_space<vmem>>, vector<128x32xf32>
    %get3A_9 = arith.constant 0 : index
    %get3A_10 = arith.constant 0 : index
    %get3A_11 = vector.load %arg3[%get3A_9, %get3A_10] : memref<128x32xf32, #tpu.memory_space<vmem>>, vector<128x32xf32>
    %get3A_12 = arith.constant 0 : index
    %get3A_13 = arith.constant 0 : index
    %get3A_14 = vector.load %arg4[%get3A_12, %get3A_13] : memref<128x32xf32, #tpu.memory_space<vmem>>, vector<128x32xf32>
    %get3A_15 = arith.constant 0 : index
    %get3A_16 = arith.constant 0 : index
    %get3A_17 = vector.load %arg5[%get3A_15, %get3A_16] : memref<128x32xf32, #tpu.memory_space<vmem>>, vector<128x32xf32>
    %concatenate3A = tpu.concatenate %get3A_8, %get3A_11, %get3A_14, %get3A_17 in 1 : vector<128x32xf32>, vector<128x32xf32>, vector<128x32xf32>, vector<128x32xf32> -> vector<128x128xf32>
    %get3A_18 = arith.constant 0 : index
    %get3A_19 = arith.constant 0 : index
    %get3A_20 = vector.load %arg1[%get3A_18, %get3A_19] : memref<2000x128xf32, #tpu.memory_space<vmem>>, vector<2000x128xf32>
    %dot_general3A = arith.constant dense<0.000000e+00> : vector<2000x128xf32>
    %dot_general3A_21 = tpu.matmul %get3A_20, %concatenate3A, %dot_general3A {dimension_numbers = #tpu.dot_dimension_numbers<[1], [0], [0], [1], [0, 0, 1, 1], [], []>, precision = #tpu.contract_precision<fp32>, transpose_lhs_hint = false} : vector<2000x128xf32>, vector<128x128xf32>, vector<2000x128xf32> -> vector<2000x128xf32>
    %mul3A = vector.broadcast %rsqrt3A : vector<2000x1xf32> to vector<2000x128xf32>
    %mul3A_22 = arith.mulf %mul3A, %dot_general3A_21 : vector<2000x128xf32>
    %slice3A_23 = vector.extract_strided_slice %mul3A_22 {offsets = [0, 0], sizes = [2000, 64], strides = [1, 1]} : vector<2000x128xf32> to vector<2000x64xf32>
    %swap3A = arith.constant 0 : index
    %swap3A_24 = arith.constant 0 : index
    %swap3A_25 = arith.constant 0 : index
    %swap3A_26 = vector.load %arg7[%swap3A, %swap3A_24, %swap3A_25] : memref<2x2000x64xf32, #tpu.memory_space<vmem>>, vector<1x2000x64xf32>
    %swap3A_27 = vector.shape_cast %swap3A_26 : vector<1x2000x64xf32> to vector<2000x64xf32>
    %swap3A_28 = vector.shape_cast %slice3A_23 : vector<2000x64xf32> to vector<1x2000x64xf32>
    tpu.vector_store %arg7[%swap3A, %swap3A_24, %swap3A_25], %swap3A_28 {strides = array<i32>} : memref<2x2000x64xf32, #tpu.memory_space<vmem>>, vector<1x2000x64xf32>,
    %slice3A_29 = vector.extract_strided_slice %mul3A_22 {offsets = [0, 64], sizes = [2000, 64], strides = [1, 1]} : vector<2000x128xf32> to vector<2000x64xf32>
    %swap3A_30 = arith.constant 1 : index
    %swap3A_31 = arith.constant 0 : index
    %swap3A_32 = arith.constant 0 : index
    %swap3A_33 = vector.load %arg7[%swap3A_30, %swap3A_31, %swap3A_32] : memref<2x2000x64xf32, #tpu.memory_space<vmem>>, vector<1x2000x64xf32>
    %swap3A_34 = vector.shape_cast %swap3A_33 : vector<1x2000x64xf32> to vector<2000x64xf32>
    %swap3A_35 = vector.shape_cast %slice3A_29 : vector<2000x64xf32> to vector<1x2000x64xf32>
    tpu.vector_store %arg7[%swap3A_30, %swap3A_31, %swap3A_32], %swap3A_35 {strides = array<i32>} : memref<2x2000x64xf32, #tpu.memory_space<vmem>>, vector<1x2000x64xf32>,
    return
  }
  func.func @transform_0(%arg0: i32) -> (i32, i32) {
    %c0_i32 = arith.constant 0 : i32
    %c0_i32_0 = arith.constant 0 : i32
    return %arg0, %c0_i32 : i32, i32
  }
  func.func @transform_1(%arg0: i32) -> (i32, i32) {
    %c0_i32 = arith.constant 0 : i32
    %c0_i32_0 = arith.constant 0 : i32
    %c0_i32_1 = arith.constant 0 : i32
    return %c0_i32, %c0_i32_0 : i32, i32
  }
  func.func @transform_2(%arg0: i32) -> (i32, i32) {
    %c0_i32 = arith.constant 0 : i32
    %c0_i32_0 = arith.constant 0 : i32
    %c0_i32_1 = arith.constant 0 : i32
    return %c0_i32, %c0_i32_0 : i32, i32
  }
  func.func @transform_3(%arg0: i32) -> (i32, i32) {
    %c0_i32 = arith.constant 0 : i32
    %c0_i32_0 = arith.constant 0 : i32
    %c0_i32_1 = arith.constant 0 : i32
    return %c0_i32, %c0_i32_0 : i32, i32
  }
  func.func @transform_4(%arg0: i32) -> (i32, i32) {
    %c0_i32 = arith.constant 0 : i32
    %c0_i32_0 = arith.constant 0 : i32
    %c0_i32_1 = arith.constant 0 : i32
    return %c0_i32, %c0_i32_0 : i32, i32
  }
  func.func @transform_5(%arg0: i32) -> (i32, i32) {
    %c0_i32 = arith.constant 0 : i32
    %c0_i32_0 = arith.constant 0 : i32
    return %arg0, %c0_i32 : i32, i32
  }
  func.func @transform_6(%arg0: i32) -> (i32, i32, i32) {
    %c0_i32 = arith.constant 0 : i32
    %c0_i32_0 = arith.constant 0 : i32
    %c0_i32_1 = arith.constant 0 : i32
    return %c0_i32, %arg0, %c0_i32_0 : i32, i32, i32
  }
}

module attributes {stable_mosaic.version = 14 : i64} {
  func.func @_tc2_body(%arg0: i32, %arg1: memref<2000x128xf32, #tpu.memory_space<vmem>>, %arg2: memref<2x2000x64xf32, #tpu.memory_space<vmem>>, %arg3: memref<2000x128xf32, #tpu.memory_space<vmem>>, %arg4: memref<1x32xf32, #tpu.memory_space<vmem>>, %arg5: memref<1x32xf32, #tpu.memory_space<vmem>>, %arg6: memref<1x32xf32, #tpu.memory_space<vmem>>, %arg7: memref<1x32xf32, #tpu.memory_space<vmem>>, %arg8: memref<32x64xf32, #tpu.memory_space<vmem>>, %arg9: memref<32x64xf32, #tpu.memory_space<vmem>>, %arg10: memref<2000x32xf32, #tpu.memory_space<vmem>>, %arg11: memref<2000x32xf32, #tpu.memory_space<vmem>>, %arg12: memref<2000x32xf32, #tpu.memory_space<vmem>>, %arg13: memref<2000x32xf32, #tpu.memory_space<vmem>>, %arg14: memref<2000x32xf32, #tpu.memory_space<vmem>>, %arg15: memref<2000x32xf32, #tpu.memory_space<vmem>>, %arg16: memref<2x2000x32xf32, #tpu.memory_space<vmem>>) attributes {dimension_semantics = [#tpu.dimension_semantics<arbitrary>], iteration_bounds = array<i64: 5>, scalar_prefetch = 0 : i64, scratch_operands = 0 : i64, tpu.core_type = #tpu.core_type<tc>, window_params = [{transform_indices = @transform_0, window_bounds = array<i64: 2000, 128>}, {transform_indices = @transform_1, window_bounds = array<i64: 2, 2000, 64>}, {transform_indices = @transform_2, window_bounds = array<i64: 2000, 128>}, {pipeline_mode = #tpu.pipeline_mode<synchronous>, transform_indices = @transform_3, window_bounds = array<i64: 1, 32>}, {pipeline_mode = #tpu.pipeline_mode<synchronous>, transform_indices = @transform_4, window_bounds = array<i64: 1, 32>}, {pipeline_mode = #tpu.pipeline_mode<synchronous>, transform_indices = @transform_5, window_bounds = array<i64: 1, 32>}, {pipeline_mode = #tpu.pipeline_mode<synchronous>, transform_indices = @transform_6, window_bounds = array<i64: 1, 32>}, {pipeline_mode = #tpu.pipeline_mode<synchronous>, transform_indices = @transform_7, window_bounds = array<i64: 32, 64>}, {pipeline_mode = #tpu.pipeline_mode<synchronous>, transform_indices = @transform_8, window_bounds = array<i64: 32, 64>}, {transform_indices = @transform_9, window_bounds = array<i64: 2000, 32>}, {transform_indices = @transform_10, window_bounds = array<i64: 2000, 32>}, {transform_indices = @transform_11, window_bounds = array<i64: 2000, 32>}, {transform_indices = @transform_12, window_bounds = array<i64: 2000, 32>}, {transform_indices = @transform_13, window_bounds = array<i64: 2000, 32>}, {transform_indices = @transform_14, window_bounds = array<i64: 2000, 32>}, {transform_indices = @transform_15, window_bounds = array<i64: 2, 2000, 32>}]} {
    %get3A = arith.constant 0 : index
    %get3A_0 = arith.constant 0 : index
    %get3A_1 = vector.load %arg3[%get3A, %get3A_0] : memref<2000x128xf32, #tpu.memory_space<vmem>>, vector<2000x128xf32>
    %slice3A = vector.extract_strided_slice %get3A_1 {offsets = [0, 0], sizes = [2000, 1], strides = [1, 1]} : vector<2000x128xf32> to vector<2000x1xf32>
    %slice3A_2 = vector.extract_strided_slice %get3A_1 {offsets = [0, 16], sizes = [2000, 1], strides = [1, 1]} : vector<2000x128xf32> to vector<2000x1xf32>
    %add3A = arith.addf %slice3A, %slice3A_2 : vector<2000x1xf32>
    %add3A_3 = arith.constant 1.000000e+00 : f32
    %add3A_4 = vector.broadcast %add3A_3 : f32 to vector<2000x1xf32>
    %add3A_5 = arith.addf %add3A, %add3A_4 : vector<2000x1xf32>
    %rsqrt3A = math.rsqrt %add3A_5 : vector<2000x1xf32>
    %get3A_6 = arith.constant 0 : index
    %get3A_7 = arith.constant 0 : index
    %get3A_8 = vector.load %arg4[%get3A_6, %get3A_7] : memref<1x32xf32, #tpu.memory_space<vmem>>, vector<1x32xf32>
    %get3A_9 = arith.constant 0 : index
    %get3A_10 = arith.constant 0 : index
    %get3A_11 = vector.load %arg5[%get3A_9, %get3A_10] : memref<1x32xf32, #tpu.memory_space<vmem>>, vector<1x32xf32>
    %get3A_12 = arith.constant 0 : index
    %get3A_13 = arith.constant 0 : index
    %get3A_14 = vector.load %arg6[%get3A_12, %get3A_13] : memref<1x32xf32, #tpu.memory_space<vmem>>, vector<1x32xf32>
    %get3A_15 = arith.constant 0 : index
    %get3A_16 = arith.constant 0 : index
    %get3A_17 = vector.load %arg7[%get3A_15, %get3A_16] : memref<1x32xf32, #tpu.memory_space<vmem>>, vector<1x32xf32>
    %concatenate3A = tpu.concatenate %get3A_8, %get3A_11, %get3A_14, %get3A_17 in 1 : vector<1x32xf32>, vector<1x32xf32>, vector<1x32xf32>, vector<1x32xf32> -> vector<1x128xf32>
    %get3A_18 = arith.constant 0 : index
    %get3A_19 = arith.constant 0 : index
    %get3A_20 = arith.constant 0 : index
    %get3A_21 = vector.load %arg2[%get3A_18, %get3A_19, %get3A_20] : memref<2x2000x64xf32, #tpu.memory_space<vmem>>, vector<1x2000x64xf32>
    %get3A_22 = vector.shape_cast %get3A_21 : vector<1x2000x64xf32> to vector<2000x64xf32>
    %get3A_23 = arith.constant 1 : index
    %get3A_24 = arith.constant 0 : index
    %get3A_25 = arith.constant 0 : index
    %get3A_26 = vector.load %arg2[%get3A_23, %get3A_24, %get3A_25] : memref<2x2000x64xf32, #tpu.memory_space<vmem>>, vector<1x2000x64xf32>
    %get3A_27 = vector.shape_cast %get3A_26 : vector<1x2000x64xf32> to vector<2000x64xf32>
    %concatenate3A_28 = tpu.concatenate %get3A_22, %get3A_27 in 1 : vector<2000x64xf32>, vector<2000x64xf32> -> vector<2000x128xf32>
    %get3A_29 = arith.constant 0 : index
    %get3A_30 = arith.constant 0 : index
    %get3A_31 = vector.load %arg1[%get3A_29, %get3A_30] : memref<2000x128xf32, #tpu.memory_space<vmem>>, vector<2000x128xf32>
    %add3A_32 = arith.addf %get3A_31, %concatenate3A_28 : vector<2000x128xf32>
    %mul3A = vector.broadcast %rsqrt3A : vector<2000x1xf32> to vector<2000x128xf32>
    %mul3A_33 = arith.mulf %mul3A, %add3A_32 : vector<2000x128xf32>
    %add3A_34 = vector.broadcast %concatenate3A : vector<1x128xf32> to vector<2000x128xf32>
    %add3A_35 = arith.addf %mul3A_33, %add3A_34 : vector<2000x128xf32>
    %max3A = arith.constant 0.000000e+00 : f32
    %max3A_36 = vector.broadcast %max3A : f32 to vector<2000x128xf32>
    %max3A_37 = arith.maximumf %add3A_35, %max3A_36 : vector<2000x128xf32>
    %slice3A_38 = vector.extract_strided_slice %max3A_37 {offsets = [0, 0], sizes = [2000, 32], strides = [1, 1]} : vector<2000x128xf32> to vector<2000x32xf32>
    %swap3A = arith.constant 0 : index
    %swap3A_39 = arith.constant 0 : index
    %swap3A_40 = vector.load %arg10[%swap3A, %swap3A_39] : memref<2000x32xf32, #tpu.memory_space<vmem>>, vector<2000x32xf32>
    tpu.vector_store %arg10[%swap3A, %swap3A_39], %slice3A_38 {strides = array<i32>} : memref<2000x32xf32, #tpu.memory_space<vmem>>, vector<2000x32xf32>,
    %slice3A_41 = vector.extract_strided_slice %max3A_37 {offsets = [0, 32], sizes = [2000, 32], strides = [1, 1]} : vector<2000x128xf32> to vector<2000x32xf32>
    %swap3A_42 = arith.constant 0 : index
    %swap3A_43 = arith.constant 0 : index
    %swap3A_44 = vector.load %arg11[%swap3A_42, %swap3A_43] : memref<2000x32xf32, #tpu.memory_space<vmem>>, vector<2000x32xf32>
    tpu.vector_store %arg11[%swap3A_42, %swap3A_43], %slice3A_41 {strides = array<i32>} : memref<2000x32xf32, #tpu.memory_space<vmem>>, vector<2000x32xf32>,
    %slice3A_45 = vector.extract_strided_slice %max3A_37 {offsets = [0, 64], sizes = [2000, 32], strides = [1, 1]} : vector<2000x128xf32> to vector<2000x32xf32>
    %swap3A_46 = arith.constant 0 : index
    %swap3A_47 = arith.constant 0 : index
    %swap3A_48 = vector.load %arg12[%swap3A_46, %swap3A_47] : memref<2000x32xf32, #tpu.memory_space<vmem>>, vector<2000x32xf32>
    tpu.vector_store %arg12[%swap3A_46, %swap3A_47], %slice3A_45 {strides = array<i32>} : memref<2000x32xf32, #tpu.memory_space<vmem>>, vector<2000x32xf32>,
    %slice3A_49 = vector.extract_strided_slice %max3A_37 {offsets = [0, 96], sizes = [2000, 32], strides = [1, 1]} : vector<2000x128xf32> to vector<2000x32xf32>
    %swap3A_50 = arith.constant 0 : index
    %swap3A_51 = arith.constant 0 : index
    %swap3A_52 = vector.load %arg13[%swap3A_50, %swap3A_51] : memref<2000x32xf32, #tpu.memory_space<vmem>>, vector<2000x32xf32>
    tpu.vector_store %arg13[%swap3A_50, %swap3A_51], %slice3A_49 {strides = array<i32>} : memref<2000x32xf32, #tpu.memory_space<vmem>>, vector<2000x32xf32>,
    %slice3A_53 = vector.extract_strided_slice %max3A_37 {offsets = [0, 0], sizes = [2000, 32], strides = [1, 1]} : vector<2000x128xf32> to vector<2000x32xf32>
    %slice3A_54 = vector.extract_strided_slice %max3A_37 {offsets = [0, 32], sizes = [2000, 32], strides = [1, 1]} : vector<2000x128xf32> to vector<2000x32xf32>
    %add3A_55 = arith.addf %slice3A_53, %slice3A_54 : vector<2000x32xf32>
    %slice3A_56 = vector.extract_strided_slice %max3A_37 {offsets = [0, 64], sizes = [2000, 32], strides = [1, 1]} : vector<2000x128xf32> to vector<2000x32xf32>
    %slice3A_57 = vector.extract_strided_slice %max3A_37 {offsets = [0, 96], sizes = [2000, 32], strides = [1, 1]} : vector<2000x128xf32> to vector<2000x32xf32>
    %add3A_58 = arith.addf %slice3A_56, %slice3A_57 : vector<2000x32xf32>
    %swap3A_59 = arith.constant 0 : index
    %swap3A_60 = arith.constant 0 : index
    %swap3A_61 = vector.load %arg14[%swap3A_59, %swap3A_60] : memref<2000x32xf32, #tpu.memory_space<vmem>>, vector<2000x32xf32>
    tpu.vector_store %arg14[%swap3A_59, %swap3A_60], %add3A_55 {strides = array<i32>} : memref<2000x32xf32, #tpu.memory_space<vmem>>, vector<2000x32xf32>,
    %swap3A_62 = arith.constant 0 : index
    %swap3A_63 = arith.constant 0 : index
    %swap3A_64 = vector.load %arg15[%swap3A_62, %swap3A_63] : memref<2000x32xf32, #tpu.memory_space<vmem>>, vector<2000x32xf32>
    tpu.vector_store %arg15[%swap3A_62, %swap3A_63], %add3A_58 {strides = array<i32>} : memref<2000x32xf32, #tpu.memory_space<vmem>>, vector<2000x32xf32>,
    %add3A_65 = arith.addf %add3A_55, %add3A_58 : vector<2000x32xf32>
    %get3A_66 = arith.constant 0 : index
    %get3A_67 = arith.constant 0 : index
    %get3A_68 = vector.load %arg8[%get3A_66, %get3A_67] : memref<32x64xf32, #tpu.memory_space<vmem>>, vector<32x64xf32>
    %get3A_69 = arith.constant 0 : index
    %get3A_70 = arith.constant 0 : index
    %get3A_71 = vector.load %arg9[%get3A_69, %get3A_70] : memref<32x64xf32, #tpu.memory_space<vmem>>, vector<32x64xf32>
    %add3A_72 = arith.addf %get3A_68, %get3A_71 : vector<32x64xf32>
    %dot_general3A = arith.constant dense<0.000000e+00> : vector<2000x64xf32>
    %dot_general3A_73 = tpu.matmul %add3A_65, %add3A_72, %dot_general3A {dimension_numbers = #tpu.dot_dimension_numbers<[1], [0], [0], [1], [0, 0, 1, 1], [], []>, precision = #tpu.contract_precision<fp32>, transpose_lhs_hint = false} : vector<2000x32xf32>, vector<32x64xf32>, vector<2000x64xf32> -> vector<2000x64xf32>
    %mul3A_74 = vector.broadcast %rsqrt3A : vector<2000x1xf32> to vector<2000x64xf32>
    %mul3A_75 = arith.mulf %mul3A_74, %dot_general3A_73 : vector<2000x64xf32>
    %slice3A_76 = vector.extract_strided_slice %mul3A_75 {offsets = [0, 0], sizes = [2000, 32], strides = [1, 1]} : vector<2000x64xf32> to vector<2000x32xf32>
    %swap3A_77 = arith.constant 0 : index
    %swap3A_78 = arith.constant 0 : index
    %swap3A_79 = arith.constant 0 : index
    %swap3A_80 = vector.load %arg16[%swap3A_77, %swap3A_78, %swap3A_79] : memref<2x2000x32xf32, #tpu.memory_space<vmem>>, vector<1x2000x32xf32>
    %swap3A_81 = vector.shape_cast %swap3A_80 : vector<1x2000x32xf32> to vector<2000x32xf32>
    %swap3A_82 = vector.shape_cast %slice3A_76 : vector<2000x32xf32> to vector<1x2000x32xf32>
    tpu.vector_store %arg16[%swap3A_77, %swap3A_78, %swap3A_79], %swap3A_82 {strides = array<i32>} : memref<2x2000x32xf32, #tpu.memory_space<vmem>>, vector<1x2000x32xf32>,
    %slice3A_83 = vector.extract_strided_slice %mul3A_75 {offsets = [0, 32], sizes = [2000, 32], strides = [1, 1]} : vector<2000x64xf32> to vector<2000x32xf32>
    %swap3A_84 = arith.constant 1 : index
    %swap3A_85 = arith.constant 0 : index
    %swap3A_86 = arith.constant 0 : index
    %swap3A_87 = vector.load %arg16[%swap3A_84, %swap3A_85, %swap3A_86] : memref<2x2000x32xf32, #tpu.memory_space<vmem>>, vector<1x2000x32xf32>
    %swap3A_88 = vector.shape_cast %swap3A_87 : vector<1x2000x32xf32> to vector<2000x32xf32>
    %swap3A_89 = vector.shape_cast %slice3A_83 : vector<2000x32xf32> to vector<1x2000x32xf32>
    tpu.vector_store %arg16[%swap3A_84, %swap3A_85, %swap3A_86], %swap3A_89 {strides = array<i32>} : memref<2x2000x32xf32, #tpu.memory_space<vmem>>, vector<1x2000x32xf32>,
    return
  }
  func.func @transform_0(%arg0: i32) -> (i32, i32) {
    %c0_i32 = arith.constant 0 : i32
    %c0_i32_0 = arith.constant 0 : i32
    return %arg0, %c0_i32 : i32, i32
  }
  func.func @transform_1(%arg0: i32) -> (i32, i32, i32) {
    %c0_i32 = arith.constant 0 : i32
    %c0_i32_0 = arith.constant 0 : i32
    %c0_i32_1 = arith.constant 0 : i32
    return %c0_i32, %arg0, %c0_i32_0 : i32, i32, i32
  }
  func.func @transform_2(%arg0: i32) -> (i32, i32) {
    %c0_i32 = arith.constant 0 : i32
    %c0_i32_0 = arith.constant 0 : i32
    return %arg0, %c0_i32 : i32, i32
  }
  func.func @transform_3(%arg0: i32) -> (i32, i32) {
    %c0_i32 = arith.constant 0 : i32
    %c0_i32_0 = arith.constant 0 : i32
    %c0_i32_1 = arith.constant 0 : i32
    return %c0_i32, %c0_i32_0 : i32, i32
  }
  func.func @transform_4(%arg0: i32) -> (i32, i32) {
    %c0_i32 = arith.constant 0 : i32
    %c0_i32_0 = arith.constant 0 : i32
    %c0_i32_1 = arith.constant 0 : i32
    return %c0_i32, %c0_i32_0 : i32, i32
  }
  func.func @transform_5(%arg0: i32) -> (i32, i32) {
    %c0_i32 = arith.constant 0 : i32
    %c0_i32_0 = arith.constant 0 : i32
    %c0_i32_1 = arith.constant 0 : i32
    return %c0_i32, %c0_i32_0 : i32, i32
  }
  func.func @transform_6(%arg0: i32) -> (i32, i32) {
    %c0_i32 = arith.constant 0 : i32
    %c0_i32_0 = arith.constant 0 : i32
    %c0_i32_1 = arith.constant 0 : i32
    return %c0_i32, %c0_i32_0 : i32, i32
  }
  func.func @transform_7(%arg0: i32) -> (i32, i32) {
    %c0_i32 = arith.constant 0 : i32
    %c0_i32_0 = arith.constant 0 : i32
    %c0_i32_1 = arith.constant 0 : i32
    return %c0_i32, %c0_i32_0 : i32, i32
  }
  func.func @transform_8(%arg0: i32) -> (i32, i32) {
    %c0_i32 = arith.constant 0 : i32
    %c0_i32_0 = arith.constant 0 : i32
    %c0_i32_1 = arith.constant 0 : i32
    return %c0_i32, %c0_i32_0 : i32, i32
  }
  func.func @transform_9(%arg0: i32) -> (i32, i32) {
    %c0_i32 = arith.constant 0 : i32
    %c0_i32_0 = arith.constant 0 : i32
    return %arg0, %c0_i32 : i32, i32
  }
  func.func @transform_10(%arg0: i32) -> (i32, i32) {
    %c0_i32 = arith.constant 0 : i32
    %c0_i32_0 = arith.constant 0 : i32
    return %arg0, %c0_i32 : i32, i32
  }
  func.func @transform_11(%arg0: i32) -> (i32, i32) {
    %c0_i32 = arith.constant 0 : i32
    %c0_i32_0 = arith.constant 0 : i32
    return %arg0, %c0_i32 : i32, i32
  }
  func.func @transform_12(%arg0: i32) -> (i32, i32) {
    %c0_i32 = arith.constant 0 : i32
    %c0_i32_0 = arith.constant 0 : i32
    return %arg0, %c0_i32 : i32, i32
  }
  func.func @transform_13(%arg0: i32) -> (i32, i32) {
    %c0_i32 = arith.constant 0 : i32
    %c0_i32_0 = arith.constant 0 : i32
    return %arg0, %c0_i32 : i32, i32
  }
  func.func @transform_14(%arg0: i32) -> (i32, i32) {
    %c0_i32 = arith.constant 0 : i32
    %c0_i32_0 = arith.constant 0 : i32
    return %arg0, %c0_i32 : i32, i32
  }
  func.func @transform_15(%arg0: i32) -> (i32, i32, i32) {
    %c0_i32 = arith.constant 0 : i32
    %c0_i32_0 = arith.constant 0 : i32
    %c0_i32_1 = arith.constant 0 : i32
    return %c0_i32, %arg0, %c0_i32_0 : i32, i32, i32
  }
}

module attributes {stable_mosaic.version = 14 : i64} {
  func.func @_tc3_body(%arg0: i32, %arg1: memref<2000x128xf32, #tpu.memory_space<vmem>>, %arg2: memref<2x2000x32xf32, #tpu.memory_space<vmem>>, %arg3: memref<2000x128xf32, #tpu.memory_space<vmem>>, %arg4: memref<1x64xf32, #tpu.memory_space<vmem>>, %arg5: memref<1x64xf32, #tpu.memory_space<vmem>>, %arg6: memref<2000x64xf32, #tpu.memory_space<vmem>>) attributes {dimension_semantics = [#tpu.dimension_semantics<arbitrary>], iteration_bounds = array<i64: 5>, scalar_prefetch = 0 : i64, scratch_operands = 0 : i64, tpu.core_type = #tpu.core_type<tc>, window_params = [{transform_indices = @transform_0, window_bounds = array<i64: 2000, 128>}, {transform_indices = @transform_1, window_bounds = array<i64: 2, 2000, 32>}, {transform_indices = @transform_2, window_bounds = array<i64: 2000, 128>}, {pipeline_mode = #tpu.pipeline_mode<synchronous>, transform_indices = @transform_3, window_bounds = array<i64: 1, 64>}, {pipeline_mode = #tpu.pipeline_mode<synchronous>, transform_indices = @transform_4, window_bounds = array<i64: 1, 64>}, {transform_indices = @transform_5, window_bounds = array<i64: 2000, 64>}]} {
    %get3A = arith.constant 0 : index
    %get3A_0 = arith.constant 0 : index
    %get3A_1 = vector.load %arg3[%get3A, %get3A_0] : memref<2000x128xf32, #tpu.memory_space<vmem>>, vector<2000x128xf32>
    %slice3A = vector.extract_strided_slice %get3A_1 {offsets = [0, 0], sizes = [2000, 1], strides = [1, 1]} : vector<2000x128xf32> to vector<2000x1xf32>
    %slice3A_2 = vector.extract_strided_slice %get3A_1 {offsets = [0, 16], sizes = [2000, 1], strides = [1, 1]} : vector<2000x128xf32> to vector<2000x1xf32>
    %add3A = arith.addf %slice3A, %slice3A_2 : vector<2000x1xf32>
    %add3A_3 = arith.constant 1.000000e+00 : f32
    %add3A_4 = vector.broadcast %add3A_3 : f32 to vector<2000x1xf32>
    %add3A_5 = arith.addf %add3A, %add3A_4 : vector<2000x1xf32>
    %rsqrt3A = math.rsqrt %add3A_5 : vector<2000x1xf32>
    %get3A_6 = arith.constant 0 : index
    %get3A_7 = arith.constant 0 : index
    %get3A_8 = arith.constant 0 : index
    %get3A_9 = vector.load %arg2[%get3A_6, %get3A_7, %get3A_8] : memref<2x2000x32xf32, #tpu.memory_space<vmem>>, vector<1x2000x32xf32>
    %get3A_10 = vector.shape_cast %get3A_9 : vector<1x2000x32xf32> to vector<2000x32xf32>
    %get3A_11 = arith.constant 1 : index
    %get3A_12 = arith.constant 0 : index
    %get3A_13 = arith.constant 0 : index
    %get3A_14 = vector.load %arg2[%get3A_11, %get3A_12, %get3A_13] : memref<2x2000x32xf32, #tpu.memory_space<vmem>>, vector<1x2000x32xf32>
    %get3A_15 = vector.shape_cast %get3A_14 : vector<1x2000x32xf32> to vector<2000x32xf32>
    %concatenate3A = tpu.concatenate %get3A_10, %get3A_15 in 1 : vector<2000x32xf32>, vector<2000x32xf32> -> vector<2000x64xf32>
    %get3A_16 = arith.constant 0 : index
    %get3A_17 = arith.constant 0 : index
    %get3A_18 = vector.load %arg1[%get3A_16, %get3A_17] : memref<2000x128xf32, #tpu.memory_space<vmem>>, vector<2000x64xf32>
    %add3A_19 = arith.addf %get3A_18, %concatenate3A : vector<2000x64xf32>
    %mul3A = vector.broadcast %rsqrt3A : vector<2000x1xf32> to vector<2000x64xf32>
    %mul3A_20 = arith.mulf %mul3A, %add3A_19 : vector<2000x64xf32>
    %get3A_21 = arith.constant 0 : index
    %get3A_22 = arith.constant 0 : index
    %get3A_23 = vector.load %arg4[%get3A_21, %get3A_22] : memref<1x64xf32, #tpu.memory_space<vmem>>, vector<1x64xf32>
    %get3A_24 = arith.constant 0 : index
    %get3A_25 = arith.constant 0 : index
    %get3A_26 = vector.load %arg5[%get3A_24, %get3A_25] : memref<1x64xf32, #tpu.memory_space<vmem>>, vector<1x64xf32>
    %add3A_27 = arith.addf %get3A_23, %get3A_26 : vector<1x64xf32>
    %add3A_28 = vector.broadcast %add3A_27 : vector<1x64xf32> to vector<2000x64xf32>
    %add3A_29 = arith.addf %mul3A_20, %add3A_28 : vector<2000x64xf32>
    %reduce_max3A = arith.constant dense<0xFF800000> : vector<2000xf32>
    %reduce_max3A_30 = vector.multi_reduction <maximumf>, %add3A_29, %reduce_max3A [1] : vector<2000x64xf32> to vector<2000xf32>
    %broadcast_in_dim3A = vector.shape_cast %reduce_max3A_30 : vector<2000xf32> to vector<2000x1xf32>
    %sub3A = vector.broadcast %broadcast_in_dim3A : vector<2000x1xf32> to vector<2000x64xf32>
    %sub3A_31 = arith.subf %add3A_29, %sub3A : vector<2000x64xf32>
    %exp3A = math.exp %sub3A_31 : vector<2000x64xf32>
    %reduce_sum3A = arith.constant dense<0.000000e+00> : vector<2000xf32>
    %reduce_sum3A_32 = vector.multi_reduction <add>, %exp3A, %reduce_sum3A [1] : vector<2000x64xf32> to vector<2000xf32>
    %broadcast_in_dim3A_33 = vector.shape_cast %reduce_sum3A_32 : vector<2000xf32> to vector<2000x1xf32>
    %log3A = math.log %broadcast_in_dim3A_33 : vector<2000x1xf32>
    %add3A_34 = arith.addf %broadcast_in_dim3A, %log3A : vector<2000x1xf32>
    %sub3A_35 = vector.broadcast %add3A_34 : vector<2000x1xf32> to vector<2000x64xf32>
    %sub3A_36 = arith.subf %add3A_29, %sub3A_35 : vector<2000x64xf32>
    %swap3A = arith.constant 0 : index
    %swap3A_37 = arith.constant 0 : index
    %swap3A_38 = vector.load %arg6[%swap3A, %swap3A_37] : memref<2000x64xf32, #tpu.memory_space<vmem>>, vector<2000x64xf32>
    tpu.vector_store %arg6[%swap3A, %swap3A_37], %sub3A_36 {strides = array<i32>} : memref<2000x64xf32, #tpu.memory_space<vmem>>, vector<2000x64xf32>,
    return
  }
  func.func @transform_0(%arg0: i32) -> (i32, i32) {
    %c0_i32 = arith.constant 0 : i32
    %c0_i32_0 = arith.constant 0 : i32
    return %arg0, %c0_i32 : i32, i32
  }
  func.func @transform_1(%arg0: i32) -> (i32, i32, i32) {
    %c0_i32 = arith.constant 0 : i32
    %c0_i32_0 = arith.constant 0 : i32
    %c0_i32_1 = arith.constant 0 : i32
    return %c0_i32, %arg0, %c0_i32_0 : i32, i32, i32
  }
  func.func @transform_2(%arg0: i32) -> (i32, i32) {
    %c0_i32 = arith.constant 0 : i32
    %c0_i32_0 = arith.constant 0 : i32
    return %arg0, %c0_i32 : i32, i32
  }
  func.func @transform_3(%arg0: i32) -> (i32, i32) {
    %c0_i32 = arith.constant 0 : i32
    %c0_i32_0 = arith.constant 0 : i32
    %c0_i32_1 = arith.constant 0 : i32
    return %c0_i32, %c0_i32_0 : i32, i32
  }
  func.func @transform_4(%arg0: i32) -> (i32, i32) {
    %c0_i32 = arith.constant 0 : i32
    %c0_i32_0 = arith.constant 0 : i32
    %c0_i32_1 = arith.constant 0 : i32
    return %c0_i32, %c0_i32_0 : i32, i32
  }
  func.func @transform_5(%arg0: i32) -> (i32, i32) {
    %c0_i32 = arith.constant 0 : i32
    %c0_i32_0 = arith.constant 0 : i32
    return %arg0, %c0_i32 : i32, i32
  }
}

</mosaic_0001>

<sc_bundles>
// kernel: kernel.11.cloned.1.call-start
scs
__scs_entry_jumppad:
0x0: {  	(pc) =	sbr.rel $0x88, $3  }
0x1: {  	(tag) =	ssettag $0x0;
	lr =	simm.s32 $0x1  }
0x2: {  	[smem:$0x3F93] =	sst lr;
	_ =	strace $0xD0000000  }
0x3: {  	_ = 	snop  }
0x4: {  	_ = 	snop  }
0x5: {  	_ = 	snop  }
0x6: {  	_ = 	snop  }
0x7: {  	_ = 	snop  }
__scs_overlays_trampoline_lowered:
0x8: {  	[smem:$0x3FA2] =	sst s0  }
0x9: {  	[smem:$0x3FA3] =	sst s1  }
0xa: {  	[smem:$0x3FA4] =	sst s2  }
0xb: {  	[smem:$0x3FA5] =	sst s3  }
0xc: {  	[smem:$0x3FA6] =	sst s4  }
0xd: {  	[smem:$0x3FA7] =	sst s5  }
0xe: {  	[smem:$0x3FA8] =	sst s6  }
0xf: {  	[smem:$0x3FA9] =	sst s7  }
0x10: {  	[smem:$0x3FAA] =	sst s8  }
0x11: {  	[smem:$0x3FAB] =	sst s9;
	s0 =	simm.s32 @!p0 $0x0  }
0x12: {  	s1 =	sld [smem:$0x3F91];
	s0 =	simm.s32 @p0 $0x1  }
0x13: {  	[smem:$0x3FAC] =	sst s0;
	s0 =	simm.s32 @!p1 $0x0  }
0x14: {  	s2 =	sld [smem:$0x3F90];
	s0 =	simm.s32 @p1 $0x1  }
0x15: {  	[smem:$0x3FAD] =	sst s0;
	s0 =	simm.s32 @!p2 $0x0  }
0x16: {  	s3 =	sld [smem:$0x3FDB];
	s0 =	simm.s32 @p2 $0x1  }
0x17: {  	s4 =	simm.s32 $0x1BF5;
	[smem:$0x3FAF] =	sst s0  }
0x18: {  	s0 =	sld [smem:$0x3F92];
	_ =	swait.ge [sflag:s4], $0x0  }
0x19: {  	s7 =	sld [smem:$0x3F93]  }
0x1a: {  	s8 =	sadd.s32 $0xFFFFE003, lr  }
0x1b: {  	s9 =	sadd.s32 $0xFFFFFEF7, lr;
	s5 =	simm.s32 $0xFFFFFFFF;
	p2 =	slt.u32 s8, $0xFFFFF086  }
0x1c: {  	p1 =	slt.u32 s9, $0xF7A;
	s5 =	simm.s32 @!p2 $0x0  }
0x1d: {  	s5 =	simm.s32 @p1 $0x1;
	p0 =	seq.s32 s7, s2  }
0x1e: {  	s7 =	smul.u32 @!p0 $0xF7A, s2;
	p2 =	seq.s32 @!p0 s5, $0x0  }
0x1f: {  	s9 =	smul.u32 $0xF7A, s1;
	s8 =	simm.s32 @!p0 $0x1BF5;
	p2 =	por !p2, p0  }
0x20: {  	[sflag:s8] =	ssyncset.s32 @!p0 $0xFFFFF086;
	s6 =	sadd.s32 @!p0 s3, s7;
	s7 =	simm.s32 @!p0 $0x108  }
0x21: {  	s3 =	sadd.s32 s3, s9;
	s6 =	sadd.s32 @!p0 $0x88, s6;
	s7 =	simm.s32 @p2 $0x1082  }
0x22: {  	[simem:s7], [sflag:s8] =	dma.local @!p0 [hbm:s6], $0xF7A  }
0x23: {  	s9 =	sor.u32 $0xD0000000, s2;
	s6 =	simm.s32 $0x108;
	_ =	swait.ge @!p0 [sflag:s8], $0x0  }
0x24: {  	s3 =	sadd.s32 $0x88, s3;
	s6 =	simm.s32 @!p1 $0x1082;
	[sflag:s4] =	ssyncset.s32 $0xFFFFF086  }
0x25: {  	[simem:s6], [sflag:s4] =	dma.local [hbm:s3], $0xF7A  }
0x26: {  	[smem:$0x3F93] =	sst s1;
	(tag) =	ssettag s2;
	_ =	strace s9  }
0x27: {  	s1 =	sld [smem:$0x3FA3]  }
0x28: {  	s2 =	sld [smem:$0x3FA4]  }
0x29: {  	s4 =	sld [smem:$0x3FA6]  }
0x2a: {  	p0 =	seq.s32 s5, $0x0;
	s5 =	sld [smem:$0x3FA7]  }
0x2b: {  	s6 =	sld [smem:$0x3FA8]  }
0x2c: {  	s7 =	sld [smem:$0x3FA9]  }
0x2d: {  	s3 =	simm.s32 $0x108;
	s8 =	sld [smem:$0x3FAA]  }
0x2e: {  	s3 =	simm.s32 @!p0 $0x1082;
	s9 =	sld [smem:$0x3FAB]  }
0x2f: {  	lr =	sadd.s32 s0, s3;
	s0 =	sld [smem:$0x3FA2]  }
0x30: {  	s3 =	sld [smem:$0x3FA5]  }
0x31: {  	[smem:$0x3FAE] =	sst s10  }
0x32: {  	s10 =	sld [smem:$0x3FAC];
	_ =	sdelay $0x3  }
0x33: {  	p0 =	seq.s32 s10, $0x1;
	s10 =	sld [smem:$0x3FAE];
	_ =	sdelay $0x3  }
0x34: {  	[smem:$0x3FAE] =	sst s10  }
0x35: {  	s10 =	sld [smem:$0x3FAD];
	_ =	sdelay $0x3  }
0x36: {  	p1 =	seq.s32 s10, $0x1;
	s10 =	sld [smem:$0x3FAE];
	_ =	sdelay $0x3  }
0x37: {  	[smem:$0x3FAE] =	sst s10  }
0x38: {  	s10 =	sld [smem:$0x3FAF]  }
0x39: {  	_ = 	snop;
	(pc) =	sbr.ind lr, $3  }
0x3a: {  	_ = 	snop  }
0x3b: {  	_ = 	snop  }
0x3c: {  	p2 =	seq.s32 s10, $0x1;
	s10 =	sld [smem:$0x3FAE]  }
0x3d: {  	_ =	shalt  }
0x3e: {  	_ =	shalt  }
0x3f: {  	_ =	shalt  }
0x40: {  	_ =	shalt  }
0x41: {  	_ =	shalt  }
0x42: {  	_ =	shalt  }
0x43: {  	_ =	shalt  }
0x44: {  	_ =	shalt  }
0x45: {  	_ =	shalt  }
0x46: {  	_ =	shalt  }
0x47: {  	_ =	shalt  }
0x48: {  	_ =	shalt  }
0x49: {  	_ =	shalt  }
0x4a: {  	_ =	shalt  }
0x4b: {  	_ =	shalt  }
0x4c: {  	_ =	shalt  }
0x4d: {  	_ =	shalt  }
0x4e: {  	_ =	shalt  }
0x4f: {  	_ =	shalt  }
0x50: {  	_ =	shalt  }
0x51: {  	_ =	shalt  }
0x52: {  	_ =	shalt  }
0x53: {  	_ =	shalt  }
0x54: {  	_ =	shalt  }
0x55: {  	_ =	shalt  }
0x56: {  	_ =	shalt  }
0x57: {  	_ =	shalt  }
0x58: {  	_ =	shalt  }
0x59: {  	_ =	shalt  }
0x5a: {  	_ =	shalt  }
0x5b: {  	_ =	shalt  }
0x5c: {  	_ =	shalt  }
0x5d: {  	_ =	shalt  }
0x5e: {  	_ =	shalt  }
0x5f: {  	_ =	shalt  }
0x60: {  	_ =	shalt  }
0x61: {  	_ =	shalt  }
0x62: {  	_ =	shalt  }
0x63: {  	_ =	shalt  }
0x64: {  	_ =	shalt  }
0x65: {  	_ =	shalt  }
0x66: {  	_ =	shalt  }
0x67: {  	_ =	shalt  }
0x68: {  	_ =	shalt  }
0x69: {  	_ =	shalt  }
0x6a: {  	_ =	shalt  }
0x6b: {  	_ =	shalt  }
0x6c: {  	_ =	shalt  }
0x6d: {  	_ =	shalt  }
0x6e: {  	_ =	shalt  }
0x6f: {  	_ =	shalt  }
0x70: {  	_ =	shalt  }
0x71: {  	_ =	shalt  }
0x72: {  	_ =	shalt  }
0x73: {  	_ =	shalt  }
0x74: {  	_ =	shalt  }
0x75: {  	_ =	shalt  }
0x76: {  	_ =	shalt  }
0x77: {  	_ =	shalt  }
0x78: {  	_ =	shalt  }
0x79: {  	_ =	shalt  }
0x7a: {  	_ =	shalt  }
0x7b: {  	_ =	shalt  }
0x7c: {  	_ =	shalt  }
0x7d: {  	_ =	shalt  }
0x7e: {  	_ =	shalt  }
0x7f: {  	_ =	shalt  }
0x80: {  	_ =	shalt  }
0x81: {  	_ =	shalt  }
0x82: {  	_ =	shalt  }
0x83: {  	_ =	shalt  }
0x84: {  	_ =	shalt  }
0x85: {  	_ =	shalt  }
0x86: {  	_ =	shalt  }
0x87: {  	_ =	shalt  }
.Lfunc_end0:
.L_simem_size_0:
called_computation.1_lowered:
.L_overlay_start_0:
0x88: {  	s2 =	sld [smem:$0x3FD9]  }
0x89: {  	s3 =	sld [smem:$0x3FFE];
	_ =	sdelay $0x1  }
0x8a: {  	s1 =	srdreg.scid  }
0x8b: {  	s0 =	sand.u32 $0x1, s1  }
0x8c: {  	s14 =	sshll.u32 s0, $0xA;
	s2 =	sadd.s32 s3, s2  }
0x8d: {  	s2 =	sadd.s32 s2, s14  }
0x8e: {  	[smem:$0x3FBA] =	sst s2  }
0x8f: {  	_ = 	snop  }
0x90: {  	s2 =	sld [smem:$0x3FD0];
	_ =	sdelay $0x2  }
0x91: {  	s15 =	simm.s32 $0xA;
	s4 =	simm.s32 $0x10  }
0x92: {  	[smem:s4], [sflag:s15] =	dma.local [hbm:s2], $0x1  }
0x93: {  	_ =	swait.eq [sflag:s15], $0x1  }
0x94: {  	[sflag:s15] =	ssyncset.done $0x0  }
0x95: {  	[sflag:s15] =	ssyncadd.s32 $0xFFFFFFFF  }
0x96: {  	s16 =	sld [smem:$0x10];
	(tm) =	ssettm $0x1  }
0x97: {  	s17 =	sld [smem:$0x3FFB];
	_ =	sdelay $0x3  }
0x98: {  	_ =	strace s17  }
0x99: {  	s3 =	sld [smem:$0x3FFC];
	_ =	sdelay $0x3  }
0x9a: {  	_ =	strace s3  }
0x9b: {  	s3 =	sld [smem:$0x3FFD];
	_ =	sdelay $0x3  }
0x9c: {  	_ =	strace s3  }
0x9d: {  	_ =	strace $0x8FFFFFFF  }
0x9e: {  	s18 =	sld [smem:$0x3FDB];
	_ =	sdelay $0x1  }
0x9f: {  	s19 =	simm.s32 $_scs_section_size  }
0xa0: {  	s5 =	simm.s32 $_size__tile_overlayer_lowered;
	s6 =	simm.s32 $_tile_overlayer_lowered  }
0xa1: {  	s22 =	simm.s32 $0x1BFF;
	s21 =	sshll.u32 s6, $0x1;
	s3 =	sadd.s32 s19, s18  }
0xa2: {  	s7 =	simm.s32 $0x0;
	s20 =	sshll.u32 s5, $0x1;
	s5 =	sadd.s32 s21, s3  }
0xa3: {  	[timem:s7], [sflag:s22] =	dma.local [hbm:s5], s20  }
0xa4: {  	_ =	swait.ge [sflag:s22], s20  }
0xa5: {  	s4 =	ssub.s32 $0x0, s20;
	[sflag:s22] =	ssyncset.done $0x0  }
0xa6: {  	[sflag:s22] =	ssyncadd.s32 s4;
	_ =	sdelay $0x1  }
0xa7: {  	s23 =	simm.s32 $0x1B8B  }
0xa8: {  	_ =	swait.ge [sflag:s23], $0x1  }
0xa9: {  	[sflag:s23] =	ssyncset.done $0x0  }
0xaa: {  	s25 =	simm.s32 $0x1B8E;
	s24 =	sld [smem:$0x3FFE];
	[sflag:s23] =	ssyncadd.s32 $0xFFFFFFFF  }
0xab: {  	s26 =	simm.s32 $execute0_lowered;
	[smem:$0x3FD2] =	sst s25  }
0xac: {  	s5 =	sshll.u32 s26, $0x1;
	_ =	strace $0x80000049;
	[dreg:$0x1] =	wrdreg $0xFFFFFFFF  }
0xad: {  	s28 =	simm.s32 $_size_execute0_lowered;
	s3 =	sadd.s32 s3, s5;
	[dreg:$0x0] =	wrdreg $0x0  }
0xae: {  	s5 =	sshll.u32 s28, $0x1;
	[dreg:$0x2] =	wrdreg s3  }
0xaf: {  	[dreg:$0x3] =	wrdreg s5  }
0xb0: {  	[dreg:$0x4] =	wrdreg $0xC0  }
0xb1: {  	_ =	task [dreg:s7], $0x5FFFF  }
0xb2: {  	[dreg:$0x1] =	wrdreg $0xFFFFFFFF  }
0xb3: {  	[dreg:$0x0] =	wrdreg $0x60  }
0xb4: {  	[dreg:$0x2] =	wrdreg s24  }
0xb5: {  	[dreg:$0x3] =	wrdreg s16  }
0xb6: {  	[dreg:$0x4] =	wrdreg $0x140000  }
0xb7: {  	[dreg:$0x5] =	wrdreg $0x9  }
0xb8: {  	_ =	task.clear_ibuf [dreg:s7], $0x6FFFF;
	_ =	strace $0x90000049  }
0xb9: {  	s29 =	simm.s32 $0x9;
	_ =	strace $0x8000004B  }
0xba: {  	_ =	swait.ge [sflag:s29], $0x1  }
0xbb: {  	[sflag:s29] =	ssyncadd.s32 $0xFFFFFFFF  }
0xbc: {  	_ =	strace $0x9000004B  }
0xbd: {  	_ =	sfence  }
0xbe: {  	s30 =	sld [smem:$0x0];
	_ =	sdelay $0x2  }
0xbf: {  	s31 =	sshll.u32 s1, $0xD;
	s1 =	sshrl.u32 s1, $0x2  }
0xc0: {  	s3 =	sand.u32 $0x4000, s31;
	s1 =	sadd.s32 s1, s30  }
0xc1: {  	s0 =	sor.u32 s3, s0;
	s1 =	sshll.u32 s1, $0x11  }
0xc2: {  	s0 =	sor.u32 s1, s0  }
0xc3: {  	s0 =	sadd.s32 $0x8F2B, s0  }
0xc4: {  	[sflag:s0] =	ssyncadd.remote.s32 $0x1  }
0xc5: {  	_ =	sfence.sel $0xFFFF  }
0xc6: {  	[dreg:$0x0] =	wrdreg $0xFFFFFFFF;
	(pc) =	sbr.abs _section_cstart, $3  }
0xc7: {  	[dreg:$0x1] =	wrdreg $0xFFFFFFFF  }
0xc8: {  	_ =	task.clear_ibuf [dreg:s7], $0x2FFFF;
	_ =	strace $0x9FFFFFFF  }
0xc9: {  	(tm) =	ssettm $0x7FFFFFFF  }
tec
execute0_lowered:
.L_overlay_start_1:
0x0: {  	(tag) =	ssettag $0x1  }
0x1: {  	s0 =	rddreg [dreg:$0x0]  }
0x2: {  	s1 =	rddreg [dreg:$0x1]  }
0x3: {  	s2 =	rddreg [dreg:$0x2];
	s13 =	stileid.u32  }
0x4: {  	s3 =	simm.s32 $0x0;
	s5 =	srdreg.scid;
	s14 =	simm.s32 $0x1  }
0x5: {  	s15 =	simm.s32 $0x2;
	s16 =	simm.s32 $0x3;
	s17 =	simm.s32 $0x80  }
0x6: {  	s18 =	simm.s32 $0xA000;
	s19 =	simm.s32 $0xC000;
	s21 =	simm.s32 $0xE000  }
0x7: {  	s28 =	simm.s32 $0x5;
	s29 =	simm.s32 $0x6;
	s30 =	simm.s32 $0x7  }
0x8: {  	s31 =	simm.s32 $0x8;
	s20 =	simm.s32 $0xB;
	s4 =	smul.u32 $0xA00, s13  }
0x9: {  	[smem:$0x7FF] =	sst s3;
	s5 =	sand.u32 $0x1, s5;
	s6 =	smul.u32 $0x13C00, s13  }
0xa: {  	s9 =	smul.u32 $0x9E00, s13;
	_ =	strace $0x8000004A;
	s23 =	sshll.u32 s5, $0x6  }
0xb: {  	s8 =	smul.u32 $0x13880, s5;
	s5 =	ssub.s32 $0x2, s5;
	s7 =	sadd.s32 s4, s0  }
0xc: {  	s4 =	sor.u32 s23, s6;
	s24 =	sshrl.u32 s5, $0x1;
	s26 =	sshrl.u32 s9, $0x3  }
0xd: {  	s12 =	sadd.s32 s9, s2;
	s23 =	simm.s32 $0x10000;
	s4 =	sshrl.u32 s4, $0x3  }
0xe: {  	s10 =	sadd.s32 s8, s0;
	s11 =	ssub.s32 s5, s24;
	s25 =	sadd.s32 $0x4000, s7  }
0xf: {  	s5 =	sadd.s32 $0xE000, s7;
	s6 =	sadd.s32 s1, s26;
	s7 =	sshll.u32 s13, $0x6  }
0x10: {  	s13 =	sshrl.u32 s12, $0x3;
	s26 =	simm.s32 $0x4;
	s1 =	simm.s32 $0xA  }
0x11: {  	s12 =	simm.s32 $0x0;
	s0 =	sadd.s32 s4, s0;
	[dreg:$0x4] =	wrdreg s25  }
0x12: {  	s8 =	sor.u32 $0x1C03, s7;
	s9 =	sadd.s32 $0x8DA00, s10;
	s11 =	smax.u32 s11, $0x1  }
0x13: {  	s25 =	simm.s32 $0x12000;
	s10 =	sadd.s32 $0xB4C00, s0;
	s0 =	simm.s32 $0x9  }
.LBB2_1:
0x14: {  	s4 =	rddreg [dreg:$0x4]  }
0x15: {  	[tilespmem:s3], [sflag:$0x1] =	stream.linear.gather [hbm4b:s4+s3], $0x5000, $0x38;
	[tilespmem:$0x1DE00] =	vst v63  }
0x16: {  	s22 =	simm.s32 $0x5000  }
0x17: {  	[tilespmem:s22], [sflag:$0x2] =	stream.linear.gather [hbm4b:s5+s3], $0x5000, $0x38;
	[tilespmem:$0x1DE00] =	vst v63  }
0x18: {  	[spmem:s13], [sflag:s8] =	dma.local [hbm:s6], $0x13C0  }
0x19: {  	_ =	swait.ge [sflag:s14], $0x5000  }
0x1a: {  	[sflag:s14] =	ssyncset.done $0x0  }
0x1b: {  	[sflag:s14] =	ssyncadd.s32 $0xFFFFB000  }
0x1c: {  	_ =	swait.ge [sflag:s15], $0x5000  }
0x1d: {  	[sflag:s15] =	ssyncset.done $0x0  }
0x1e: {  	[sflag:s15] =	ssyncadd.s32 $0xFFFFB000  }
0x1f: {  	_ =	swait.ge [sflag:s16], $0x13C0  }
0x20: {  	[sflag:s16] =	ssyncset.done $0x0  }
0x21: {  	[sflag:s16] =	ssyncadd.s32 $0xFFFFEC40  }
0x22: {  	[bflag:$0x0] =	sbarrier.arrive $0xFFFF  }
0x23: {  	[tilespmem:s18], [sflag:$0x1] =	stream.indirect.gather [hbm4b:s9+s17], $0x40, s3, s17, $0xb8;
	[tilespmem:$0x1DE00] =	vst v63  }
0x24: {  	_ = 	snop  }
0x25: {  	[tilespmem:s19], [sflag:$0x2] =	stream.indirect.gather [hbm4b:s9+s17], $0x40, s17, s17, $0xb8;
	[tilespmem:$0x1DE00] =	vst v63  }
0x26: {  	s24 =	simm.s32 $0x100  }
0x27: {  	[tilespmem:s21], [sflag:$0x3] =	stream.indirect.gather [hbm4b:s9+s17], $0x40, s24, s17, $0xb8;
	[tilespmem:$0x1DE00] =	vst v63  }
0x28: {  	s22 =	simm.s32 $0x180  }
0x29: {  	[tilespmem:s23], [sflag:$0x4] =	stream.indirect.gather [hbm4b:s9+s17], $0x40, s22, s17, $0xb8;
	[tilespmem:$0x1DE00] =	vst v63  }
0x2a: {  	s24 =	simm.s32 $0x200  }
0x2b: {  	[tilespmem:s25], [sflag:$0x5] =	stream.indirect.gather [hbm4b:s9+s17], $0x40, s24, s17, $0xb8;
	[tilespmem:$0x1DE00] =	vst v63  }
0x2c: {  	_ =	swait.ge [sflag:s14], $0x2000  }
0x2d: {  	[sflag:s14] =	ssyncset.done $0x0  }
0x2e: {  	s22 =	simm.s32 $0x5000;
	[sflag:s14] =	ssyncadd.s32 $0xFFFFE000  }
0x2f: {  	[spmem:s2] =	stream.indirect.scatter.add.f32 [tilespmem:s18], [sflag:$0x6], $0x40, s22, s17, $0xb8;
	[tilespmem:$0x1DE00] =	vst v63  }
0x30: {  	_ =	swait.ge [sflag:s15], $0x2000  }
0x31: {  	[sflag:s15] =	ssyncset.done $0x0  }
0x32: {  	s4 =	simm.s32 $0x5080;
	[sflag:s15] =	ssyncadd.s32 $0xFFFFE000  }
0x33: {  	[spmem:s2] =	stream.indirect.scatter.add.f32 [tilespmem:s19], [sflag:$0x7], $0x40, s4, s17, $0xb8;
	[tilespmem:$0x1DE00] =	vst v63  }
0x34: {  	_ =	swait.ge [sflag:s16], $0x2000  }
0x35: {  	[sflag:s16] =	ssyncset.done $0x0  }
0x36: {  	s24 =	simm.s32 $0x5100;
	[sflag:s16] =	ssyncadd.s32 $0xFFFFE000  }
0x37: {  	[spmem:s2] =	stream.indirect.scatter.add.f32 [tilespmem:s21], [sflag:$0x8], $0x40, s24, s17, $0xb8;
	[tilespmem:$0x1DE00] =	vst v63  }
0x38: {  	_ =	swait.ge [sflag:s26], $0x2000  }
0x39: {  	[sflag:s26] =	ssyncset.done $0x0  }
0x3a: {  	s4 =	simm.s32 $0x5180;
	[sflag:s26] =	ssyncadd.s32 $0xFFFFE000  }
0x3b: {  	[spmem:s2] =	stream.indirect.scatter.add.f32 [tilespmem:s23], [sflag:$0x9], $0x40, s4, s17, $0xb8;
	[tilespmem:$0x1DE00] =	vst v63  }
0x3c: {  	_ =	swait.ge [sflag:s28], $0x2000  }
0x3d: {  	[sflag:s28] =	ssyncset.done $0x0  }
0x3e: {  	s24 =	simm.s32 $0x5200;
	[sflag:s28] =	ssyncadd.s32 $0xFFFFE000  }
0x3f: {  	[spmem:s2] =	stream.indirect.scatter.add.f32 [tilespmem:s25], [sflag:$0xA], $0x40, s24, s17, $0xb8;
	[tilespmem:$0x1DE00] =	vst v63  }
0x40: {  	_ =	swait.ge [sflag:s29], $0x2000  }
0x41: {  	[sflag:s29] =	ssyncset.done $0x0  }
0x42: {  	s4 =	simm.s32 $0x280;
	[sflag:s29] =	ssyncadd.s32 $0xFFFFE000  }
0x43: {  	[tilespmem:s18], [sflag:$0x1] =	stream.indirect.gather [hbm4b:s9+s17], $0x40, s4, s17, $0xb8;
	[tilespmem:$0x1DE00] =	vst v63  }
0x44: {  	_ =	swait.ge [sflag:s30], $0x2000  }
0x45: {  	[sflag:s30] =	ssyncset.done $0x0  }
0x46: {  	s24 =	simm.s32 $0x300;
	[sflag:s30] =	ssyncadd.s32 $0xFFFFE000  }
0x47: {  	[tilespmem:s19], [sflag:$0x2] =	stream.indirect.gather [hbm4b:s9+s17], $0x40, s24, s17, $0xb8;
	[tilespmem:$0x1DE00] =	vst v63  }
0x48: {  	_ =	swait.ge [sflag:s31], $0x2000  }
0x49: {  	[sflag:s31] =	ssyncset.done $0x0  }
0x4a: {  	s4 =	simm.s32 $0x380;
	[sflag:s31] =	ssyncadd.s32 $0xFFFFE000  }
0x4b: {  	[tilespmem:s21], [sflag:$0x3] =	stream.indirect.gather [hbm4b:s9+s17], $0x40, s4, s17, $0xb8;
	[tilespmem:$0x1DE00] =	vst v63  }
0x4c: {  	_ =	swait.ge [sflag:s0], $0x2000  }
0x4d: {  	[sflag:s0] =	ssyncset.done $0x0  }
0x4e: {  	s24 =	simm.s32 $0x400;
	[sflag:s0] =	ssyncadd.s32 $0xFFFFE000  }
0x4f: {  	[tilespmem:s23], [sflag:$0x4] =	stream.indirect.gather [hbm4b:s9+s17], $0x40, s24, s17, $0xb8;
	[tilespmem:$0x1DE00] =	vst v63  }
0x50: {  	_ =	swait.ge [sflag:s1], $0x2000  }
0x51: {  	[sflag:s1] =	ssyncset.done $0x0  }
0x52: {  	s22 =	simm.s32 $0xA00;
	s24 =	simm.s32 $0x480;
	[sflag:s1] =	ssyncadd.s32 $0xFFFFE000  }
.LBB2_2:
0x53: {  	[tilespmem:s25], [sflag:$0x5] =	stream.indirect.gather [hbm4b:s9+s17], $0x40, s24, s17, $0xb8;
	[tilespmem:$0x1DE00] =	vst v63  }
0x54: {  	s24 =	smov.u32 s22  }
0x55: {  	p0 =	sne.s32 s22, $0x12C00;
	s22 =	sadd.s32 $0xA00, s22;
	_ =	swait.ge [sflag:s14], $0x2000  }
0x56: {  	s24 =	sshra.s32 s24, $0x2;
	[sflag:s14] =	ssyncset.done $0x0  }
0x57: {  	s4 =	sadd.s32 $0x5000, s24;
	[sflag:s14] =	ssyncadd.s32 $0xFFFFE000  }
0x58: {  	[spmem:s2] =	stream.indirect.scatter.add.f32 [tilespmem:s18], [sflag:$0x6], $0x40, s4, s17, $0xb8;
	[tilespmem:$0x1DE00] =	vst v63  }
0x59: {  	_ =	swait.ge [sflag:s15], $0x2000  }
0x5a: {  	[sflag:s15] =	ssyncset.done $0x0  }
0x5b: {  	s4 =	sadd.s32 $0x5080, s24;
	[sflag:s15] =	ssyncadd.s32 $0xFFFFE000  }
0x5c: {  	[spmem:s2] =	stream.indirect.scatter.add.f32 [tilespmem:s19], [sflag:$0x7], $0x40, s4, s17, $0xb8;
	[tilespmem:$0x1DE00] =	vst v63  }
0x5d: {  	_ =	swait.ge [sflag:s16], $0x2000  }
0x5e: {  	[sflag:s16] =	ssyncset.done $0x0  }
0x5f: {  	s4 =	sadd.s32 $0x5100, s24;
	[sflag:s16] =	ssyncadd.s32 $0xFFFFE000  }
0x60: {  	[spmem:s2] =	stream.indirect.scatter.add.f32 [tilespmem:s21], [sflag:$0x8], $0x40, s4, s17, $0xb8;
	[tilespmem:$0x1DE00] =	vst v63  }
0x61: {  	_ =	swait.ge [sflag:s26], $0x2000  }
0x62: {  	[sflag:s26] =	ssyncset.done $0x0  }
0x63: {  	s4 =	sadd.s32 $0x5180, s24;
	[sflag:s26] =	ssyncadd.s32 $0xFFFFE000  }
0x64: {  	[spmem:s2] =	stream.indirect.scatter.add.f32 [tilespmem:s23], [sflag:$0x9], $0x40, s4, s17, $0xb8;
	[tilespmem:$0x1DE00] =	vst v63  }
0x65: {  	_ =	swait.ge [sflag:s28], $0x2000  }
0x66: {  	[sflag:s28] =	ssyncset.done $0x0  }
0x67: {  	s4 =	sadd.s32 $0x5200, s24;
	[sflag:s28] =	ssyncadd.s32 $0xFFFFE000  }
0x68: {  	[spmem:s2] =	stream.indirect.scatter.add.f32 [tilespmem:s25], [sflag:$0xA], $0x40, s4, s17, $0xb8;
	[tilespmem:$0x1DE00] =	vst v63  }
0x69: {  	_ =	swait.ge [sflag:s29], $0x2000  }
0x6a: {  	[sflag:s29] =	ssyncset.done $0x0  }
0x6b: {  	s4 =	sadd.s32 $0x280, s24;
	[sflag:s29] =	ssyncadd.s32 $0xFFFFE000  }
0x6c: {  	[tilespmem:s18], [sflag:$0x1] =	stream.indirect.gather [hbm4b:s9+s17], $0x40, s4, s17, $0xb8;
	[tilespmem:$0x1DE00] =	vst v63  }
0x6d: {  	_ =	swait.ge [sflag:s30], $0x2000  }
0x6e: {  	[sflag:s30] =	ssyncset.done $0x0  }
0x6f: {  	s4 =	sadd.s32 $0x300, s24;
	[sflag:s30] =	ssyncadd.s32 $0xFFFFE000  }
0x70: {  	[tilespmem:s19], [sflag:$0x2] =	stream.indirect.gather [hbm4b:s9+s17], $0x40, s4, s17, $0xb8;
	[tilespmem:$0x1DE00] =	vst v63  }
0x71: {  	_ =	swait.ge [sflag:s31], $0x2000  }
0x72: {  	[sflag:s31] =	ssyncset.done $0x0  }
0x73: {  	s4 =	sadd.s32 $0x380, s24;
	[sflag:s31] =	ssyncadd.s32 $0xFFFFE000  }
0x74: {  	[tilespmem:s21], [sflag:$0x3] =	stream.indirect.gather [hbm4b:s9+s17], $0x40, s4, s17, $0xb8;
	[tilespmem:$0x1DE00] =	vst v63  }
0x75: {  	_ =	swait.ge [sflag:s0], $0x2000  }
0x76: {  	[sflag:s0] =	ssyncset.done $0x0  }
.Ltmp0:
0x77: {  	s4 =	sadd.s32 $0x400, s24;
	[sflag:s0] =	ssyncadd.s32 $0xFFFFE000;
	(pc) =	sbr.rel @p0 .LBB2_2-.Ltmp0, $4  }
0x78: {  	[tilespmem:s23], [sflag:$0x4] =	stream.indirect.gather [hbm4b:s9+s17], $0x40, s4, s17, $0xb8;
	[tilespmem:$0x1DE00] =	vst v63  }
0x79: {  	_ =	swait.ge [sflag:s1], $0x2000  }
0x7a: {  	[sflag:s1] =	ssyncset.done $0x0  }
0x7b: {  	s24 =	sadd.s32 $0x480, s24;
	[sflag:s1] =	ssyncadd.s32 $0xFFFFE000  }
0x7c: {  	[tilespmem:s25], [sflag:$0x5] =	stream.indirect.gather [hbm4b:s9+s17], $0x40, s24, s17, $0xb8;
	[tilespmem:$0x1DE00] =	vst v63  }
0x7d: {  	_ =	swait.ge [sflag:s14], $0x2000  }
0x7e: {  	[sflag:s14] =	ssyncset.done $0x0  }
0x7f: {  	s4 =	simm.s32 $0x9D80;
	[sflag:s14] =	ssyncadd.s32 $0xFFFFE000  }
0x80: {  	[spmem:s2] =	stream.indirect.scatter.add.f32 [tilespmem:s18], [sflag:$0xB], $0x40, s4, s17, $0xb8;
	[tilespmem:$0x1DE00] =	vst v63  }
0x81: {  	_ =	swait.ge [sflag:s20], $0x2000  }
0x82: {  	[sflag:s20] =	ssyncset.done $0x0  }
0x83: {  	[sflag:s20] =	ssyncadd.s32 $0xFFFFE000  }
0x84: {  	_ =	swait.ge [sflag:s15], $0x2000  }
0x85: {  	[sflag:s15] =	ssyncset.done $0x0  }
0x86: {  	s24 =	simm.s32 $0x9E00;
	[sflag:s15] =	ssyncadd.s32 $0xFFFFE000  }
0x87: {  	[spmem:s2] =	stream.indirect.scatter.add.f32 [tilespmem:s19], [sflag:$0xB], $0x40, s24, s17, $0xb8;
	[tilespmem:$0x1DE00] =	vst v63  }
0x88: {  	_ =	swait.ge [sflag:s20], $0x2000  }
0x89: {  	[sflag:s20] =	ssyncset.done $0x0  }
0x8a: {  	[sflag:s20] =	ssyncadd.s32 $0xFFFFE000  }
0x8b: {  	_ =	swait.ge [sflag:s16], $0x2000  }
0x8c: {  	[sflag:s16] =	ssyncset.done $0x0  }
0x8d: {  	s22 =	simm.s32 $0x9E80;
	[sflag:s16] =	ssyncadd.s32 $0xFFFFE000  }
0x8e: {  	[spmem:s2] =	stream.indirect.scatter.add.f32 [tilespmem:s21], [sflag:$0xB], $0x40, s22, s17, $0xb8;
	[tilespmem:$0x1DE00] =	vst v63  }
0x8f: {  	_ =	swait.ge [sflag:s20], $0x2000  }
0x90: {  	[sflag:s20] =	ssyncset.done $0x0  }
0x91: {  	[sflag:s20] =	ssyncadd.s32 $0xFFFFE000  }
0x92: {  	_ =	swait.ge [sflag:s26], $0x2000  }
0x93: {  	[sflag:s26] =	ssyncset.done $0x0  }
0x94: {  	s24 =	simm.s32 $0x9F00;
	[sflag:s26] =	ssyncadd.s32 $0xFFFFE000  }
0x95: {  	[spmem:s2] =	stream.indirect.scatter.add.f32 [tilespmem:s23], [sflag:$0xB], $0x40, s24, s17, $0xb8;
	[tilespmem:$0x1DE00] =	vst v63  }
0x96: {  	_ =	swait.ge [sflag:s20], $0x2000  }
0x97: {  	[sflag:s20] =	ssyncset.done $0x0  }
0x98: {  	[sflag:s20] =	ssyncadd.s32 $0xFFFFE000  }
0x99: {  	_ =	swait.ge [sflag:s28], $0x2000  }
0x9a: {  	[sflag:s28] =	ssyncset.done $0x0  }
0x9b: {  	s22 =	simm.s32 $0x9F80;
	[sflag:s28] =	ssyncadd.s32 $0xFFFFE000  }
0x9c: {  	[spmem:s2] =	stream.indirect.scatter.add.f32 [tilespmem:s25], [sflag:$0xB], $0x40, s22, s17, $0xb8;
	[tilespmem:$0x1DE00] =	vst v63  }
0x9d: {  	_ =	swait.ge [sflag:s20], $0x2000  }
0x9e: {  	s12 =	sadd.s32 $0x1, s12;
	[sflag:s20] =	ssyncset.done $0x0  }
0x9f: {  	p0 =	sne.s32 s12, s11;
	s24 =	sor.u32 $0x1C0B, s7;
	[sflag:s20] =	ssyncadd.s32 $0xFFFFE000  }
.Ltmp1:
0xa0: {  	s22 =	simm.s32 $0x10;
	[bflag:$0x0] =	sbarrier.arrive $0xFFFF;
	(pc) =	sbr.rel @p0 .LBB2_1-.Ltmp1, $4  }
0xa1: {  	[hbm:s10@s22], [sflag:s24] =	dma.strided [spmem:s13@s31], $0x13C0, s14, $0x8   }
0xa2: {  	_ =	swait.ge [sflag:s20], $0x13C0  }
0xa3: {  	[sflag:s20] =	ssyncset.done $0x0  }
0xa4: {  	[sflag:s20] =	ssyncadd.s32 $0xFFFFEC40  }
0xa5: {  	_ =	sfence.sel $0x180000  }
0xa6: {  	[bflag:$0x0] =	sbarrier.arrive $0xFFFF  }
0xa7: {  	_ =	strace $0x9000004A  }
0xa8: {  	s0 =	stileid.u32;
	[bflag:$0x2] =	sbarrier.arrive $0xFFFF  }
0xa9: {  	p0 =	sne.s32 s0, $0x0;
	s0 =	rddreg [dreg:$0x3]  }
0xaa: {  	s0 =	sadd.s32 @!p0 $0x100000, s0  }
0xab: {  	[sflag:s0] =	ssyncadd.tile.s32 @!p0 $0x1;
	_ =	shalt  }
.Lfunc_end2:
_tile_overlayer_lowered:
.L_overlay_start_2:
0xac: {  	(tag) =	ssettag $0x2  }
0xad: {  	s0 =	rddreg [dreg:$0x0];
	s2 =	stileid.u32  }
0xae: {  	s1 =	rddreg [dreg:$0x1];
	p0 =	sne.s32 s2, $0x0  }
0xaf: {  	s3 =	rddreg [dreg:$0x2];
	[bflag:$0x3] =	sbarrier.arrive $0xFFFF;
	s2 =	simm.s32 @!p0 $0x1C0B  }
0xb0: {  	[timem:s3], [sflag:s2] =	dma.local @!p0 [hbm:s0], s1  }
0xb1: {  	s0 =	simm.s32 @!p0 $0xB  }
0xb2: {  	_ =	swait.ge @!p0 [sflag:s0], s1  }
0xb3: {  	s1 =	ssub.s32 @!p0 $0x0, s1;
	[sflag:s0] =	ssyncset.done @!p0 $0x0  }
0xb4: {  	[sflag:s0] =	ssyncadd.s32 @!p0 s1  }
0xb5: {  	[bflag:$0x3] =	sbarrier.arrive $0xFFFF  }
0xb6: {  	_ =	shalt  }

// kernel: kernel.14.cloned.1.call-start
scs
__scs_entry_jumppad:
0x0: {  	(pc) =	sbr.rel $0x88, $3  }
0x1: {  	(tag) =	ssettag $0x0;
	lr =	simm.s32 $0x1  }
0x2: {  	[smem:$0x3F93] =	sst lr;
	_ =	strace $0xD0000000  }
0x3: {  	_ = 	snop  }
0x4: {  	_ = 	snop  }
0x5: {  	_ = 	snop  }
0x6: {  	_ = 	snop  }
0x7: {  	_ = 	snop  }
__scs_overlays_trampoline_lowered:
0x8: {  	[smem:$0x3FA2] =	sst s0  }
0x9: {  	[smem:$0x3FA3] =	sst s1  }
0xa: {  	[smem:$0x3FA4] =	sst s2  }
0xb: {  	[smem:$0x3FA5] =	sst s3  }
0xc: {  	[smem:$0x3FA6] =	sst s4  }
0xd: {  	[smem:$0x3FA7] =	sst s5  }
0xe: {  	[smem:$0x3FA8] =	sst s6  }
0xf: {  	[smem:$0x3FA9] =	sst s7  }
0x10: {  	[smem:$0x3FAA] =	sst s8  }
0x11: {  	[smem:$0x3FAB] =	sst s9;
	s0 =	simm.s32 @!p0 $0x0  }
0x12: {  	s1 =	sld [smem:$0x3F91];
	s0 =	simm.s32 @p0 $0x1  }
0x13: {  	[smem:$0x3FAC] =	sst s0;
	s0 =	simm.s32 @!p1 $0x0  }
0x14: {  	s2 =	sld [smem:$0x3F90];
	s0 =	simm.s32 @p1 $0x1  }
0x15: {  	[smem:$0x3FAD] =	sst s0;
	s0 =	simm.s32 @!p2 $0x0  }
0x16: {  	s3 =	sld [smem:$0x3FDB];
	s0 =	simm.s32 @p2 $0x1  }
0x17: {  	s4 =	simm.s32 $0x1BF5;
	[smem:$0x3FAF] =	sst s0  }
0x18: {  	s0 =	sld [smem:$0x3F92];
	_ =	swait.ge [sflag:s4], $0x0  }
0x19: {  	s7 =	sld [smem:$0x3F93]  }
0x1a: {  	s8 =	sadd.s32 $0xFFFFE003, lr  }
0x1b: {  	s9 =	sadd.s32 $0xFFFFFEF7, lr;
	s5 =	simm.s32 $0xFFFFFFFF;
	p2 =	slt.u32 s8, $0xFFFFF086  }
0x1c: {  	p1 =	slt.u32 s9, $0xF7A;
	s5 =	simm.s32 @!p2 $0x0  }
0x1d: {  	s5 =	simm.s32 @p1 $0x1;
	p0 =	seq.s32 s7, s2  }
0x1e: {  	s7 =	smul.u32 @!p0 $0xF7A, s2;
	p2 =	seq.s32 @!p0 s5, $0x0  }
0x1f: {  	s9 =	smul.u32 $0xF7A, s1;
	s8 =	simm.s32 @!p0 $0x1BF5;
	p2 =	por !p2, p0  }
0x20: {  	[sflag:s8] =	ssyncset.s32 @!p0 $0xFFFFF086;
	s6 =	sadd.s32 @!p0 s3, s7;
	s7 =	simm.s32 @!p0 $0x108  }
0x21: {  	s3 =	sadd.s32 s3, s9;
	s6 =	sadd.s32 @!p0 $0x88, s6;
	s7 =	simm.s32 @p2 $0x1082  }
0x22: {  	[simem:s7], [sflag:s8] =	dma.local @!p0 [hbm:s6], $0xF7A  }
0x23: {  	s9 =	sor.u32 $0xD0000000, s2;
	s6 =	simm.s32 $0x108;
	_ =	swait.ge @!p0 [sflag:s8], $0x0  }
0x24: {  	s3 =	sadd.s32 $0x88, s3;
	s6 =	simm.s32 @!p1 $0x1082;
	[sflag:s4] =	ssyncset.s32 $0xFFFFF086  }
0x25: {  	[simem:s6], [sflag:s4] =	dma.local [hbm:s3], $0xF7A  }
0x26: {  	[smem:$0x3F93] =	sst s1;
	(tag) =	ssettag s2;
	_ =	strace s9  }
0x27: {  	s1 =	sld [smem:$0x3FA3]  }
0x28: {  	s2 =	sld [smem:$0x3FA4]  }
0x29: {  	s4 =	sld [smem:$0x3FA6]  }
0x2a: {  	p0 =	seq.s32 s5, $0x0;
	s5 =	sld [smem:$0x3FA7]  }
0x2b: {  	s6 =	sld [smem:$0x3FA8]  }
0x2c: {  	s7 =	sld [smem:$0x3FA9]  }
0x2d: {  	s3 =	simm.s32 $0x108;
	s8 =	sld [smem:$0x3FAA]  }
0x2e: {  	s3 =	simm.s32 @!p0 $0x1082;
	s9 =	sld [smem:$0x3FAB]  }
0x2f: {  	lr =	sadd.s32 s0, s3;
	s0 =	sld [smem:$0x3FA2]  }
0x30: {  	s3 =	sld [smem:$0x3FA5]  }
0x31: {  	[smem:$0x3FAE] =	sst s10  }
0x32: {  	s10 =	sld [smem:$0x3FAC];
	_ =	sdelay $0x3  }
0x33: {  	p0 =	seq.s32 s10, $0x1;
	s10 =	sld [smem:$0x3FAE];
	_ =	sdelay $0x3  }
0x34: {  	[smem:$0x3FAE] =	sst s10  }
0x35: {  	s10 =	sld [smem:$0x3FAD];
	_ =	sdelay $0x3  }
0x36: {  	p1 =	seq.s32 s10, $0x1;
	s10 =	sld [smem:$0x3FAE];
	_ =	sdelay $0x3  }
0x37: {  	[smem:$0x3FAE] =	sst s10  }
0x38: {  	s10 =	sld [smem:$0x3FAF]  }
0x39: {  	_ = 	snop;
	(pc) =	sbr.ind lr, $3  }
0x3a: {  	_ = 	snop  }
0x3b: {  	_ = 	snop  }
0x3c: {  	p2 =	seq.s32 s10, $0x1;
	s10 =	sld [smem:$0x3FAE]  }
0x3d: {  	_ =	shalt  }
0x3e: {  	_ =	shalt  }
0x3f: {  	_ =	shalt  }
0x40: {  	_ =	shalt  }
0x41: {  	_ =	shalt  }
0x42: {  	_ =	shalt  }
0x43: {  	_ =	shalt  }
0x44: {  	_ =	shalt  }
0x45: {  	_ =	shalt  }
0x46: {  	_ =	shalt  }
0x47: {  	_ =	shalt  }
0x48: {  	_ =	shalt  }
0x49: {  	_ =	shalt  }
0x4a: {  	_ =	shalt  }
0x4b: {  	_ =	shalt  }
0x4c: {  	_ =	shalt  }
0x4d: {  	_ =	shalt  }
0x4e: {  	_ =	shalt  }
0x4f: {  	_ =	shalt  }
0x50: {  	_ =	shalt  }
0x51: {  	_ =	shalt  }
0x52: {  	_ =	shalt  }
0x53: {  	_ =	shalt  }
0x54: {  	_ =	shalt  }
0x55: {  	_ =	shalt  }
0x56: {  	_ =	shalt  }
0x57: {  	_ =	shalt  }
0x58: {  	_ =	shalt  }
0x59: {  	_ =	shalt  }
0x5a: {  	_ =	shalt  }
0x5b: {  	_ =	shalt  }
0x5c: {  	_ =	shalt  }
0x5d: {  	_ =	shalt  }
0x5e: {  	_ =	shalt  }
0x5f: {  	_ =	shalt  }
0x60: {  	_ =	shalt  }
0x61: {  	_ =	shalt  }
0x62: {  	_ =	shalt  }
0x63: {  	_ =	shalt  }
0x64: {  	_ =	shalt  }
0x65: {  	_ =	shalt  }
0x66: {  	_ =	shalt  }
0x67: {  	_ =	shalt  }
0x68: {  	_ =	shalt  }
0x69: {  	_ =	shalt  }
0x6a: {  	_ =	shalt  }
0x6b: {  	_ =	shalt  }
0x6c: {  	_ =	shalt  }
0x6d: {  	_ =	shalt  }
0x6e: {  	_ =	shalt  }
0x6f: {  	_ =	shalt  }
0x70: {  	_ =	shalt  }
0x71: {  	_ =	shalt  }
0x72: {  	_ =	shalt  }
0x73: {  	_ =	shalt  }
0x74: {  	_ =	shalt  }
0x75: {  	_ =	shalt  }
0x76: {  	_ =	shalt  }
0x77: {  	_ =	shalt  }
0x78: {  	_ =	shalt  }
0x79: {  	_ =	shalt  }
0x7a: {  	_ =	shalt  }
0x7b: {  	_ =	shalt  }
0x7c: {  	_ =	shalt  }
0x7d: {  	_ =	shalt  }
0x7e: {  	_ =	shalt  }
0x7f: {  	_ =	shalt  }
0x80: {  	_ =	shalt  }
0x81: {  	_ =	shalt  }
0x82: {  	_ =	shalt  }
0x83: {  	_ =	shalt  }
0x84: {  	_ =	shalt  }
0x85: {  	_ =	shalt  }
0x86: {  	_ =	shalt  }
0x87: {  	_ =	shalt  }
.Lfunc_end0:
.L_simem_size_0:
called_computation.2_lowered:
.L_overlay_start_0:
0x88: {  	s2 =	sld [smem:$0x3FD9]  }
0x89: {  	s3 =	sld [smem:$0x3FFE];
	_ =	sdelay $0x1  }
0x8a: {  	s1 =	srdreg.scid  }
0x8b: {  	s0 =	sand.u32 $0x1, s1  }
0x8c: {  	s14 =	sshll.u32 s0, $0xA;
	s2 =	sadd.s32 s3, s2  }
0x8d: {  	s2 =	sadd.s32 s2, s14  }
0x8e: {  	[smem:$0x3FBA] =	sst s2  }
0x8f: {  	_ = 	snop  }
0x90: {  	s2 =	sld [smem:$0x3FD0];
	_ =	sdelay $0x2  }
0x91: {  	s15 =	simm.s32 $0xA;
	s4 =	simm.s32 $0x10  }
0x92: {  	[smem:s4], [sflag:s15] =	dma.local [hbm:s2], $0x1  }
0x93: {  	_ =	swait.eq [sflag:s15], $0x1  }
0x94: {  	[sflag:s15] =	ssyncset.done $0x0  }
0x95: {  	[sflag:s15] =	ssyncadd.s32 $0xFFFFFFFF  }
0x96: {  	s16 =	sld [smem:$0x10];
	(tm) =	ssettm $0x1  }
0x97: {  	s17 =	sld [smem:$0x3FFB];
	_ =	sdelay $0x3  }
0x98: {  	_ =	strace s17  }
0x99: {  	s3 =	sld [smem:$0x3FFC];
	_ =	sdelay $0x3  }
0x9a: {  	_ =	strace s3  }
0x9b: {  	s3 =	sld [smem:$0x3FFD];
	_ =	sdelay $0x3  }
0x9c: {  	_ =	strace s3  }
0x9d: {  	_ =	strace $0x8FFFFFFF  }
0x9e: {  	s18 =	sld [smem:$0x3FDB];
	_ =	sdelay $0x1  }
0x9f: {  	s19 =	simm.s32 $_scs_section_size  }
0xa0: {  	s5 =	simm.s32 $_size__tile_overlayer_lowered;
	s6 =	simm.s32 $_tile_overlayer_lowered  }
0xa1: {  	s22 =	simm.s32 $0x1BFF;
	s21 =	sshll.u32 s6, $0x1;
	s3 =	sadd.s32 s19, s18  }
0xa2: {  	s7 =	simm.s32 $0x0;
	s20 =	sshll.u32 s5, $0x1;
	s5 =	sadd.s32 s21, s3  }
0xa3: {  	[timem:s7], [sflag:s22] =	dma.local [hbm:s5], s20  }
0xa4: {  	_ =	swait.ge [sflag:s22], s20  }
0xa5: {  	s4 =	ssub.s32 $0x0, s20;
	[sflag:s22] =	ssyncset.done $0x0  }
0xa6: {  	[sflag:s22] =	ssyncadd.s32 s4;
	_ =	sdelay $0x1  }
0xa7: {  	s23 =	simm.s32 $0x1B8B  }
0xa8: {  	_ =	swait.ge [sflag:s23], $0x1  }
0xa9: {  	[sflag:s23] =	ssyncset.done $0x0  }
0xaa: {  	s25 =	simm.s32 $0x1B8E;
	s24 =	sld [smem:$0x3FFE];
	[sflag:s23] =	ssyncadd.s32 $0xFFFFFFFF  }
0xab: {  	s26 =	simm.s32 $execute0_lowered;
	[smem:$0x3FD2] =	sst s25  }
0xac: {  	s5 =	sshll.u32 s26, $0x1;
	_ =	strace $0x8000004C;
	[dreg:$0x1] =	wrdreg $0xFFFFFFFF  }
0xad: {  	s28 =	simm.s32 $_size_execute0_lowered;
	s3 =	sadd.s32 s3, s5;
	[dreg:$0x0] =	wrdreg $0x0  }
0xae: {  	s5 =	sshll.u32 s28, $0x1;
	[dreg:$0x2] =	wrdreg s3  }
0xaf: {  	[dreg:$0x3] =	wrdreg s5  }
0xb0: {  	[dreg:$0x4] =	wrdreg $0xC0  }
0xb1: {  	_ =	task [dreg:s7], $0x5FFFF  }
0xb2: {  	[dreg:$0x1] =	wrdreg $0xFFFFFFFF  }
0xb3: {  	[dreg:$0x0] =	wrdreg $0x60  }
0xb4: {  	[dreg:$0x2] =	wrdreg s24  }
0xb5: {  	[dreg:$0x3] =	wrdreg s16  }
0xb6: {  	[dreg:$0x4] =	wrdreg $0x120000  }
0xb7: {  	[dreg:$0x5] =	wrdreg $0x9  }
0xb8: {  	_ =	task.clear_ibuf [dreg:s7], $0x6FFFF;
	_ =	strace $0x9000004C  }
0xb9: {  	s29 =	simm.s32 $0x9;
	_ =	strace $0x8000004E  }
0xba: {  	_ =	swait.ge [sflag:s29], $0x1  }
0xbb: {  	[sflag:s29] =	ssyncadd.s32 $0xFFFFFFFF  }
0xbc: {  	_ =	strace $0x9000004E  }
0xbd: {  	_ =	sfence  }
0xbe: {  	s30 =	sld [smem:$0x0];
	_ =	sdelay $0x2  }
0xbf: {  	s31 =	sshll.u32 s1, $0xD;
	s1 =	sshrl.u32 s1, $0x2  }
0xc0: {  	s3 =	sand.u32 $0x4000, s31;
	s1 =	sadd.s32 s1, s30  }
0xc1: {  	s0 =	sor.u32 s3, s0;
	s1 =	sshll.u32 s1, $0x11  }
0xc2: {  	s0 =	sor.u32 s1, s0  }
0xc3: {  	s0 =	sadd.s32 $0x8F2B, s0  }
0xc4: {  	[sflag:s0] =	ssyncadd.remote.s32 $0x1  }
0xc5: {  	_ =	sfence.sel $0xFFFF  }
0xc6: {  	[dreg:$0x0] =	wrdreg $0xFFFFFFFF;
	(pc) =	sbr.abs _section_cstart, $3  }
0xc7: {  	[dreg:$0x1] =	wrdreg $0xFFFFFFFF  }
0xc8: {  	_ =	task.clear_ibuf [dreg:s7], $0x2FFFF;
	_ =	strace $0x9FFFFFFF  }
0xc9: {  	(tm) =	ssettm $0x7FFFFFFF  }
tec
execute0_lowered:
.L_overlay_start_1:
0x0: {  	(tag) =	ssettag $0x1  }
0x1: {  	s0 =	rddreg [dreg:$0x0]  }
0x2: {  	s1 =	rddreg [dreg:$0x1]  }
0x3: {  	s2 =	rddreg [dreg:$0x2];
	s9 =	stileid.u32  }
0x4: {  	s4 =	srdreg.scid;
	s6 =	simm.s32 $0x0;
	s14 =	simm.s32 $0x1  }
0x5: {  	s15 =	simm.s32 $0x2;
	s16 =	simm.s32 $0x3;
	s17 =	simm.s32 $0x80  }
0x6: {  	s18 =	simm.s32 $0xA000;
	s19 =	simm.s32 $0xB000;
	s28 =	simm.s32 $0xF000  }
0x7: {  	s30 =	simm.s32 $0x10000;
	s12 =	simm.s32 $0x5;
	s29 =	simm.s32 $0xA  }
0x8: {  	s31 =	simm.s32 $0xB;
	s10 =	simm.s32 $0x10;
	s3 =	smul.u32 $0xA00, s9  }
0x9: {  	s11 =	simm.s32 $0x0;
	s4 =	sand.u32 $0x1, s4;
	s5 =	smul.u32 $0x13C00, s9  }
0xa: {  	[smem:$0x7FF] =	sst s6;
	s20 =	smul.u32 $0x4F00, s9;
	s25 =	sshll.u32 s9, $0x6  }
0xb: {  	s7 =	sshll.u32 s4, $0x5;
	_ =	strace $0x8000004D;
	s8 =	ssub.s32 $0x2, s4  }
0xc: {  	s4 =	smul.u32 $0x9C40, s4;
	[dreg:$0x6] =	wrdreg s25;
	s6 =	sor.u32 $0x1C03, s25  }
0xd: {  	s25 =	simm.s32 $0xE000;
	s3 =	sadd.s32 s3, s0;
	s5 =	sor.u32 s7, s5  }
0xe: {  	s21 =	sshrl.u32 s20, $0x3;
	s22 =	sshrl.u32 s8, $0x1;
	s24 =	sadd.s32 s20, s2  }
0xf: {  	[dreg:$0x8] =	wrdreg s6;
	s20 =	simm.s32 $0x6;
	s5 =	sshrl.u32 s5, $0x3  }
0x10: {  	s7 =	sadd.s32 s21, s0;
	s23 =	sadd.s32 $0x4000, s3;
	s3 =	sadd.s32 $0xE000, s3  }
0x11: {  	s9 =	sadd.s32 s1, s4;
	s6 =	sshrl.u32 s24, $0x3;
	s21 =	simm.s32 $0xC000  }
0x12: {  	s1 =	simm.s32 $0x4;
	s24 =	simm.s32 $0x8;
	s4 =	simm.s32 $0xC  }
0x13: {  	s0 =	sadd.s32 s5, s0;
	s5 =	ssub.s32 s8, s22;
	[dreg:$0x4] =	wrdreg s23  }
0x14: {  	[dreg:$0x5] =	wrdreg s3;
	s7 =	sadd.s32 $0xB4C00, s7;
	s23 =	simm.s32 $0xD000  }
0x15: {  	s22 =	simm.s32 $0x7;
	s8 =	simm.s32 $0xF;
	[dreg:$0xb] =	wrdreg s6  }
0x16: {  	[dreg:$0x7] =	wrdreg s7;
	s0 =	sadd.s32 $0x3F800, s0;
	s26 =	smax.u32 s5, $0x1  }
0x17: {  	s5 =	simm.s32 $0xD;
	s7 =	simm.s32 $0xE;
	[dreg:$0x9] =	wrdreg s0  }
0x18: {  	[dreg:$0xa] =	wrdreg s26;
	s0 =	simm.s32 $0x11000;
	s26 =	simm.s32 $0x9  }
.LBB2_1:
0x19: {  	[dreg:$0xc] =	wrdreg s11  }
0x1a: {  	s3 =	simm.s32 $0x0;
	s13 =	rddreg [dreg:$0x4]  }
0x1b: {  	[tilespmem:s3], [sflag:$0x1] =	stream.linear.gather [hbm4b:s13+s3], $0x5000, $0x38;
	[tilespmem:$0x16F00] =	vst v63  }
0x1c: {  	s11 =	smov.u32 s6;
	s6 =	rddreg [dreg:$0x5];
	s13 =	simm.s32 $0x5000  }
0x1d: {  	[tilespmem:s13], [sflag:$0x2] =	stream.linear.gather [hbm4b:s6+s3], $0x5000, $0x38;
	[tilespmem:$0x16F00] =	vst v63  }
0x1e: {  	s6 =	rddreg [dreg:$0x7]  }
0x1f: {  	s13 =	rddreg [dreg:$0x8]  }
0x20: {  	[spmem:s11], [sflag:s13] =	dma.local [hbm:s6], $0x9E0  }
0x21: {  	_ =	swait.ge [sflag:s14], $0x5000  }
0x22: {  	[sflag:s14] =	ssyncset.done $0x0  }
0x23: {  	[sflag:s14] =	ssyncadd.s32 $0xFFFFB000  }
0x24: {  	_ =	swait.ge [sflag:s15], $0x5000  }
0x25: {  	[sflag:s15] =	ssyncset.done $0x0  }
0x26: {  	[sflag:s15] =	ssyncadd.s32 $0xFFFFB000  }
0x27: {  	_ =	swait.ge [sflag:s16], $0x9E0  }
0x28: {  	[sflag:s16] =	ssyncset.done $0x0  }
0x29: {  	[sflag:s16] =	ssyncadd.s32 $0xFFFFF620  }
0x2a: {  	[bflag:$0x0] =	sbarrier.arrive $0xFFFF  }
0x2b: {  	[tilespmem:s18], [sflag:$0x1] =	stream.indirect.gather [hbm4b:s9+s17], $0x20, s3, s17, $0xb8;
	[tilespmem:$0x16F00] =	vst v63  }
0x2c: {  	_ = 	snop  }
0x2d: {  	[tilespmem:s19], [sflag:$0x2] =	stream.indirect.gather [hbm4b:s9+s17], $0x20, s17, s17, $0xb8;
	[tilespmem:$0x16F00] =	vst v63  }
0x2e: {  	s6 =	simm.s32 $0x100  }
0x2f: {  	[tilespmem:s21], [sflag:$0x3] =	stream.indirect.gather [hbm4b:s9+s17], $0x20, s6, s17, $0xb8;
	[tilespmem:$0x16F00] =	vst v63  }
0x30: {  	s11 =	simm.s32 $0x180  }
0x31: {  	[tilespmem:s23], [sflag:$0x4] =	stream.indirect.gather [hbm4b:s9+s17], $0x20, s11, s17, $0xb8;
	[tilespmem:$0x16F00] =	vst v63  }
0x32: {  	s13 =	simm.s32 $0x200  }
0x33: {  	[tilespmem:s25], [sflag:$0x5] =	stream.indirect.gather [hbm4b:s9+s17], $0x20, s13, s17, $0xb8;
	[tilespmem:$0x16F00] =	vst v63  }
0x34: {  	s6 =	simm.s32 $0x280  }
0x35: {  	[tilespmem:s28], [sflag:$0x6] =	stream.indirect.gather [hbm4b:s9+s17], $0x20, s6, s17, $0xb8;
	[tilespmem:$0x16F00] =	vst v63  }
0x36: {  	s11 =	simm.s32 $0x300  }
0x37: {  	[tilespmem:s30], [sflag:$0x7] =	stream.indirect.gather [hbm4b:s9+s17], $0x20, s11, s17, $0xb8;
	[tilespmem:$0x16F00] =	vst v63  }
0x38: {  	s13 =	simm.s32 $0x380  }
0x39: {  	[tilespmem:s0], [sflag:$0x8] =	stream.indirect.gather [hbm4b:s9+s17], $0x20, s13, s17, $0xb8;
	[tilespmem:$0x16F00] =	vst v63  }
0x3a: {  	_ =	swait.ge [sflag:s14], $0x1000  }
0x3b: {  	[sflag:s14] =	ssyncset.done $0x0  }
0x3c: {  	s6 =	simm.s32 $0x5000;
	[sflag:s14] =	ssyncadd.s32 $0xFFFFF000  }
0x3d: {  	[spmem:s2] =	stream.indirect.scatter.add.f32 [tilespmem:s18], [sflag:$0x9], $0x20, s6, s17, $0xb8;
	[tilespmem:$0x16F00] =	vst v63  }
0x3e: {  	_ =	swait.ge [sflag:s15], $0x1000  }
0x3f: {  	[sflag:s15] =	ssyncset.done $0x0  }
0x40: {  	s11 =	simm.s32 $0x5080;
	[sflag:s15] =	ssyncadd.s32 $0xFFFFF000  }
0x41: {  	[spmem:s2] =	stream.indirect.scatter.add.f32 [tilespmem:s19], [sflag:$0xA], $0x20, s11, s17, $0xb8;
	[tilespmem:$0x16F00] =	vst v63  }
0x42: {  	_ =	swait.ge [sflag:s16], $0x1000  }
0x43: {  	[sflag:s16] =	ssyncset.done $0x0  }
0x44: {  	s13 =	simm.s32 $0x5100;
	[sflag:s16] =	ssyncadd.s32 $0xFFFFF000  }
0x45: {  	[spmem:s2] =	stream.indirect.scatter.add.f32 [tilespmem:s21], [sflag:$0xB], $0x20, s13, s17, $0xb8;
	[tilespmem:$0x16F00] =	vst v63  }
0x46: {  	_ =	swait.ge [sflag:s1], $0x1000  }
0x47: {  	[sflag:s1] =	ssyncset.done $0x0  }
0x48: {  	s6 =	simm.s32 $0x5180;
	[sflag:s1] =	ssyncadd.s32 $0xFFFFF000  }
0x49: {  	[spmem:s2] =	stream.indirect.scatter.add.f32 [tilespmem:s23], [sflag:$0xC], $0x20, s6, s17, $0xb8;
	[tilespmem:$0x16F00] =	vst v63  }
0x4a: {  	_ =	swait.ge [sflag:s12], $0x1000  }
0x4b: {  	[sflag:s12] =	ssyncset.done $0x0  }
0x4c: {  	s11 =	simm.s32 $0x5200;
	[sflag:s12] =	ssyncadd.s32 $0xFFFFF000  }
0x4d: {  	[spmem:s2] =	stream.indirect.scatter.add.f32 [tilespmem:s25], [sflag:$0xD], $0x20, s11, s17, $0xb8;
	[tilespmem:$0x16F00] =	vst v63  }
0x4e: {  	_ =	swait.ge [sflag:s20], $0x1000  }
0x4f: {  	[sflag:s20] =	ssyncset.done $0x0  }
0x50: {  	s13 =	simm.s32 $0x5280;
	[sflag:s20] =	ssyncadd.s32 $0xFFFFF000  }
0x51: {  	[spmem:s2] =	stream.indirect.scatter.add.f32 [tilespmem:s28], [sflag:$0xE], $0x20, s13, s17, $0xb8;
	[tilespmem:$0x16F00] =	vst v63  }
0x52: {  	_ =	swait.ge [sflag:s22], $0x1000  }
0x53: {  	[sflag:s22] =	ssyncset.done $0x0  }
0x54: {  	s6 =	simm.s32 $0x5300;
	[sflag:s22] =	ssyncadd.s32 $0xFFFFF000  }
0x55: {  	[spmem:s2] =	stream.indirect.scatter.add.f32 [tilespmem:s30], [sflag:$0xF], $0x20, s6, s17, $0xb8;
	[tilespmem:$0x16F00] =	vst v63  }
0x56: {  	_ =	swait.ge [sflag:s24], $0x1000  }
0x57: {  	[sflag:s24] =	ssyncset.done $0x0  }
0x58: {  	s11 =	simm.s32 $0x5380;
	[sflag:s24] =	ssyncadd.s32 $0xFFFFF000  }
0x59: {  	[spmem:s2] =	stream.indirect.scatter.add.f32 [tilespmem:s0], [sflag:$0x10], $0x20, s11, s17, $0xb8;
	[tilespmem:$0x16F00] =	vst v63  }
0x5a: {  	_ =	swait.ge [sflag:s26], $0x1000  }
0x5b: {  	[sflag:s26] =	ssyncset.done $0x0  }
0x5c: {  	s13 =	simm.s32 $0x400;
	[sflag:s26] =	ssyncadd.s32 $0xFFFFF000  }
0x5d: {  	[tilespmem:s18], [sflag:$0x1] =	stream.indirect.gather [hbm4b:s9+s17], $0x20, s13, s17, $0xb8;
	[tilespmem:$0x16F00] =	vst v63  }
0x5e: {  	_ =	swait.ge [sflag:s29], $0x1000  }
0x5f: {  	[sflag:s29] =	ssyncset.done $0x0  }
0x60: {  	s6 =	simm.s32 $0x480;
	[sflag:s29] =	ssyncadd.s32 $0xFFFFF000  }
0x61: {  	[tilespmem:s19], [sflag:$0x2] =	stream.indirect.gather [hbm4b:s9+s17], $0x20, s6, s17, $0xb8;
	[tilespmem:$0x16F00] =	vst v63  }
0x62: {  	_ =	swait.ge [sflag:s31], $0x1000  }
0x63: {  	[sflag:s31] =	ssyncset.done $0x0  }
0x64: {  	s11 =	simm.s32 $0x500;
	[sflag:s31] =	ssyncadd.s32 $0xFFFFF000  }
0x65: {  	[tilespmem:s21], [sflag:$0x3] =	stream.indirect.gather [hbm4b:s9+s17], $0x20, s11, s17, $0xb8;
	[tilespmem:$0x16F00] =	vst v63  }
0x66: {  	_ =	swait.ge [sflag:s4], $0x1000  }
0x67: {  	[sflag:s4] =	ssyncset.done $0x0  }
0x68: {  	s13 =	simm.s32 $0x580;
	[sflag:s4] =	ssyncadd.s32 $0xFFFFF000  }
0x69: {  	[tilespmem:s23], [sflag:$0x4] =	stream.indirect.gather [hbm4b:s9+s17], $0x20, s13, s17, $0xb8;
	[tilespmem:$0x16F00] =	vst v63  }
0x6a: {  	_ =	swait.ge [sflag:s5], $0x1000  }
0x6b: {  	[sflag:s5] =	ssyncset.done $0x0  }
0x6c: {  	s6 =	simm.s32 $0x600;
	[sflag:s5] =	ssyncadd.s32 $0xFFFFF000  }
0x6d: {  	[tilespmem:s25], [sflag:$0x5] =	stream.indirect.gather [hbm4b:s9+s17], $0x20, s6, s17, $0xb8;
	[tilespmem:$0x16F00] =	vst v63  }
0x6e: {  	_ =	swait.ge [sflag:s7], $0x1000  }
0x6f: {  	[sflag:s7] =	ssyncset.done $0x0  }
0x70: {  	s11 =	simm.s32 $0x680;
	[sflag:s7] =	ssyncadd.s32 $0xFFFFF000  }
0x71: {  	[tilespmem:s28], [sflag:$0x6] =	stream.indirect.gather [hbm4b:s9+s17], $0x20, s11, s17, $0xb8;
	[tilespmem:$0x16F00] =	vst v63  }
0x72: {  	_ =	swait.ge [sflag:s8], $0x1000  }
0x73: {  	[sflag:s8] =	ssyncset.done $0x0  }
0x74: {  	s13 =	simm.s32 $0x700;
	[sflag:s8] =	ssyncadd.s32 $0xFFFFF000  }
0x75: {  	[tilespmem:s30], [sflag:$0x7] =	stream.indirect.gather [hbm4b:s9+s17], $0x20, s13, s17, $0xb8;
	[tilespmem:$0x16F00] =	vst v63  }
0x76: {  	_ =	swait.ge [sflag:s10], $0x1000  }
0x77: {  	[sflag:s10] =	ssyncset.done $0x0  }
0x78: {  	s3 =	simm.s32 $0x1000;
	s13 =	simm.s32 $0x780;
	[sflag:s10] =	ssyncadd.s32 $0xFFFFF000  }
.LBB2_2:
0x79: {  	[tilespmem:s0], [sflag:$0x8] =	stream.indirect.gather [hbm4b:s9+s17], $0x20, s13, s17, $0xb8;
	[tilespmem:$0x16F00] =	vst v63  }
0x7a: {  	s13 =	smov.u32 s3  }
0x7b: {  	p0 =	sne.s32 s3, $0x12000;
	s3 =	sadd.s32 $0x1000, s3;
	_ =	swait.ge [sflag:s14], $0x1000  }
0x7c: {  	s13 =	sshra.s32 s13, $0x2;
	[sflag:s14] =	ssyncset.done $0x0  }
0x7d: {  	s6 =	sadd.s32 $0x5000, s13;
	[sflag:s14] =	ssyncadd.s32 $0xFFFFF000  }
0x7e: {  	[spmem:s2] =	stream.indirect.scatter.add.f32 [tilespmem:s18], [sflag:$0x9], $0x20, s6, s17, $0xb8;
	[tilespmem:$0x16F00] =	vst v63  }
0x7f: {  	_ =	swait.ge [sflag:s15], $0x1000  }
0x80: {  	[sflag:s15] =	ssyncset.done $0x0  }
0x81: {  	s6 =	sadd.s32 $0x5080, s13;
	[sflag:s15] =	ssyncadd.s32 $0xFFFFF000  }
0x82: {  	[spmem:s2] =	stream.indirect.scatter.add.f32 [tilespmem:s19], [sflag:$0xA], $0x20, s6, s17, $0xb8;
	[tilespmem:$0x16F00] =	vst v63  }
0x83: {  	_ =	swait.ge [sflag:s16], $0x1000  }
0x84: {  	[sflag:s16] =	ssyncset.done $0x0  }
0x85: {  	s6 =	sadd.s32 $0x5100, s13;
	[sflag:s16] =	ssyncadd.s32 $0xFFFFF000  }
0x86: {  	[spmem:s2] =	stream.indirect.scatter.add.f32 [tilespmem:s21], [sflag:$0xB], $0x20, s6, s17, $0xb8;
	[tilespmem:$0x16F00] =	vst v63  }
0x87: {  	_ =	swait.ge [sflag:s1], $0x1000  }
0x88: {  	[sflag:s1] =	ssyncset.done $0x0  }
0x89: {  	s6 =	sadd.s32 $0x5180, s13;
	[sflag:s1] =	ssyncadd.s32 $0xFFFFF000  }
0x8a: {  	[spmem:s2] =	stream.indirect.scatter.add.f32 [tilespmem:s23], [sflag:$0xC], $0x20, s6, s17, $0xb8;
	[tilespmem:$0x16F00] =	vst v63  }
0x8b: {  	_ =	swait.ge [sflag:s12], $0x1000  }
0x8c: {  	[sflag:s12] =	ssyncset.done $0x0  }
0x8d: {  	s6 =	sadd.s32 $0x5200, s13;
	[sflag:s12] =	ssyncadd.s32 $0xFFFFF000  }
0x8e: {  	[spmem:s2] =	stream.indirect.scatter.add.f32 [tilespmem:s25], [sflag:$0xD], $0x20, s6, s17, $0xb8;
	[tilespmem:$0x16F00] =	vst v63  }
0x8f: {  	_ =	swait.ge [sflag:s20], $0x1000  }
0x90: {  	[sflag:s20] =	ssyncset.done $0x0  }
0x91: {  	s6 =	sadd.s32 $0x5280, s13;
	[sflag:s20] =	ssyncadd.s32 $0xFFFFF000  }
0x92: {  	[spmem:s2] =	stream.indirect.scatter.add.f32 [tilespmem:s28], [sflag:$0xE], $0x20, s6, s17, $0xb8;
	[tilespmem:$0x16F00] =	vst v63  }
0x93: {  	_ =	swait.ge [sflag:s22], $0x1000  }
0x94: {  	[sflag:s22] =	ssyncset.done $0x0  }
0x95: {  	s6 =	sadd.s32 $0x5300, s13;
	[sflag:s22] =	ssyncadd.s32 $0xFFFFF000  }
0x96: {  	[spmem:s2] =	stream.indirect.scatter.add.f32 [tilespmem:s30], [sflag:$0xF], $0x20, s6, s17, $0xb8;
	[tilespmem:$0x16F00] =	vst v63  }
0x97: {  	_ =	swait.ge [sflag:s24], $0x1000  }
0x98: {  	[sflag:s24] =	ssyncset.done $0x0  }
0x99: {  	s6 =	sadd.s32 $0x5380, s13;
	[sflag:s24] =	ssyncadd.s32 $0xFFFFF000  }
0x9a: {  	[spmem:s2] =	stream.indirect.scatter.add.f32 [tilespmem:s0], [sflag:$0x10], $0x20, s6, s17, $0xb8;
	[tilespmem:$0x16F00] =	vst v63  }
0x9b: {  	_ =	swait.ge [sflag:s26], $0x1000  }
0x9c: {  	[sflag:s26] =	ssyncset.done $0x0  }
0x9d: {  	s6 =	sadd.s32 $0x400, s13;
	[sflag:s26] =	ssyncadd.s32 $0xFFFFF000  }
0x9e: {  	[tilespmem:s18], [sflag:$0x1] =	stream.indirect.gather [hbm4b:s9+s17], $0x20, s6, s17, $0xb8;
	[tilespmem:$0x16F00] =	vst v63  }
0x9f: {  	_ =	swait.ge [sflag:s29], $0x1000  }
0xa0: {  	[sflag:s29] =	ssyncset.done $0x0  }
0xa1: {  	s6 =	sadd.s32 $0x480, s13;
	[sflag:s29] =	ssyncadd.s32 $0xFFFFF000  }
0xa2: {  	[tilespmem:s19], [sflag:$0x2] =	stream.indirect.gather [hbm4b:s9+s17], $0x20, s6, s17, $0xb8;
	[tilespmem:$0x16F00] =	vst v63  }
0xa3: {  	_ =	swait.ge [sflag:s31], $0x1000  }
0xa4: {  	[sflag:s31] =	ssyncset.done $0x0  }
0xa5: {  	s6 =	sadd.s32 $0x500, s13;
	[sflag:s31] =	ssyncadd.s32 $0xFFFFF000  }
0xa6: {  	[tilespmem:s21], [sflag:$0x3] =	stream.indirect.gather [hbm4b:s9+s17], $0x20, s6, s17, $0xb8;
	[tilespmem:$0x16F00] =	vst v63  }
0xa7: {  	_ =	swait.ge [sflag:s4], $0x1000  }
0xa8: {  	[sflag:s4] =	ssyncset.done $0x0  }
0xa9: {  	s6 =	sadd.s32 $0x580, s13;
	[sflag:s4] =	ssyncadd.s32 $0xFFFFF000  }
0xaa: {  	[tilespmem:s23], [sflag:$0x4] =	stream.indirect.gather [hbm4b:s9+s17], $0x20, s6, s17, $0xb8;
	[tilespmem:$0x16F00] =	vst v63  }
0xab: {  	_ =	swait.ge [sflag:s5], $0x1000  }
0xac: {  	[sflag:s5] =	ssyncset.done $0x0  }
0xad: {  	s6 =	sadd.s32 $0x600, s13;
	[sflag:s5] =	ssyncadd.s32 $0xFFFFF000  }
0xae: {  	[tilespmem:s25], [sflag:$0x5] =	stream.indirect.gather [hbm4b:s9+s17], $0x20, s6, s17, $0xb8;
	[tilespmem:$0x16F00] =	vst v63  }
0xaf: {  	_ =	swait.ge [sflag:s7], $0x1000  }
0xb0: {  	[sflag:s7] =	ssyncset.done $0x0  }
0xb1: {  	s6 =	sadd.s32 $0x680, s13;
	[sflag:s7] =	ssyncadd.s32 $0xFFFFF000  }
0xb2: {  	[tilespmem:s28], [sflag:$0x6] =	stream.indirect.gather [hbm4b:s9+s17], $0x20, s6, s17, $0xb8;
	[tilespmem:$0x16F00] =	vst v63  }
0xb3: {  	_ =	swait.ge [sflag:s8], $0x1000  }
0xb4: {  	[sflag:s8] =	ssyncset.done $0x0  }
.Ltmp0:
0xb5: {  	s6 =	sadd.s32 $0x700, s13;
	[sflag:s8] =	ssyncadd.s32 $0xFFFFF000;
	(pc) =	sbr.rel @p0 .LBB2_2-.Ltmp0, $4  }
0xb6: {  	[tilespmem:s30], [sflag:$0x7] =	stream.indirect.gather [hbm4b:s9+s17], $0x20, s6, s17, $0xb8;
	[tilespmem:$0x16F00] =	vst v63  }
0xb7: {  	_ =	swait.ge [sflag:s10], $0x1000  }
0xb8: {  	[sflag:s10] =	ssyncset.done $0x0  }
0xb9: {  	s13 =	sadd.s32 $0x780, s13;
	[sflag:s10] =	ssyncadd.s32 $0xFFFFF000  }
0xba: {  	[tilespmem:s0], [sflag:$0x8] =	stream.indirect.gather [hbm4b:s9+s17], $0x20, s13, s17, $0xb8;
	[tilespmem:$0x16F00] =	vst v63  }
0xbb: {  	_ =	swait.ge [sflag:s14], $0x1000  }
0xbc: {  	[sflag:s14] =	ssyncset.done $0x0  }
0xbd: {  	s3 =	simm.s32 $0x9C00;
	s13 =	simm.s32 $0x11;
	[sflag:s14] =	ssyncadd.s32 $0xFFFFF000  }
0xbe: {  	[spmem:s2] =	stream.indirect.scatter.add.f32 [tilespmem:s18], [sflag:$0x11], $0x20, s3, s17, $0xb8;
	[tilespmem:$0x16F00] =	vst v63  }
0xbf: {  	_ =	swait.ge [sflag:s13], $0x1000  }
0xc0: {  	[sflag:s13] =	ssyncset.done $0x0  }
0xc1: {  	[sflag:s13] =	ssyncadd.s32 $0xFFFFF000  }
0xc2: {  	_ =	swait.ge [sflag:s15], $0x1000  }
0xc3: {  	[sflag:s15] =	ssyncset.done $0x0  }
0xc4: {  	s6 =	simm.s32 $0x9C80;
	[sflag:s15] =	ssyncadd.s32 $0xFFFFF000  }
0xc5: {  	[spmem:s2] =	stream.indirect.scatter.add.f32 [tilespmem:s19], [sflag:$0x11], $0x20, s6, s17, $0xb8;
	[tilespmem:$0x16F00] =	vst v63  }
0xc6: {  	_ =	swait.ge [sflag:s13], $0x1000  }
0xc7: {  	[sflag:s13] =	ssyncset.done $0x0  }
0xc8: {  	[sflag:s13] =	ssyncadd.s32 $0xFFFFF000  }
0xc9: {  	_ =	swait.ge [sflag:s16], $0x1000  }
0xca: {  	[sflag:s16] =	ssyncset.done $0x0  }
0xcb: {  	s11 =	simm.s32 $0x9D00;
	[sflag:s16] =	ssyncadd.s32 $0xFFFFF000  }
0xcc: {  	[spmem:s2] =	stream.indirect.scatter.add.f32 [tilespmem:s21], [sflag:$0x11], $0x20, s11, s17, $0xb8;
	[tilespmem:$0x16F00] =	vst v63  }
0xcd: {  	_ =	swait.ge [sflag:s13], $0x1000  }
0xce: {  	[sflag:s13] =	ssyncset.done $0x0  }
0xcf: {  	[sflag:s13] =	ssyncadd.s32 $0xFFFFF000  }
0xd0: {  	_ =	swait.ge [sflag:s1], $0x1000  }
0xd1: {  	[sflag:s1] =	ssyncset.done $0x0  }
0xd2: {  	s6 =	simm.s32 $0x9D80;
	[sflag:s1] =	ssyncadd.s32 $0xFFFFF000  }
0xd3: {  	[spmem:s2] =	stream.indirect.scatter.add.f32 [tilespmem:s23], [sflag:$0x11], $0x20, s6, s17, $0xb8;
	[tilespmem:$0x16F00] =	vst v63  }
0xd4: {  	_ =	swait.ge [sflag:s13], $0x1000  }
0xd5: {  	[sflag:s13] =	ssyncset.done $0x0  }
0xd6: {  	[sflag:s13] =	ssyncadd.s32 $0xFFFFF000  }
0xd7: {  	_ =	swait.ge [sflag:s12], $0x1000  }
0xd8: {  	[sflag:s12] =	ssyncset.done $0x0  }
0xd9: {  	s11 =	simm.s32 $0x9E00;
	[sflag:s12] =	ssyncadd.s32 $0xFFFFF000  }
0xda: {  	[spmem:s2] =	stream.indirect.scatter.add.f32 [tilespmem:s25], [sflag:$0x11], $0x20, s11, s17, $0xb8;
	[tilespmem:$0x16F00] =	vst v63  }
0xdb: {  	_ =	swait.ge [sflag:s13], $0x1000  }
0xdc: {  	[sflag:s13] =	ssyncset.done $0x0  }
0xdd: {  	[sflag:s13] =	ssyncadd.s32 $0xFFFFF000  }
0xde: {  	_ =	swait.ge [sflag:s20], $0x1000  }
0xdf: {  	[sflag:s20] =	ssyncset.done $0x0  }
0xe0: {  	s6 =	simm.s32 $0x9E80;
	[sflag:s20] =	ssyncadd.s32 $0xFFFFF000  }
0xe1: {  	[spmem:s2] =	stream.indirect.scatter.add.f32 [tilespmem:s28], [sflag:$0x11], $0x20, s6, s17, $0xb8;
	[tilespmem:$0x16F00] =	vst v63  }
0xe2: {  	_ =	swait.ge [sflag:s13], $0x1000  }
0xe3: {  	[sflag:s13] =	ssyncset.done $0x0  }
0xe4: {  	[sflag:s13] =	ssyncadd.s32 $0xFFFFF000  }
0xe5: {  	_ =	swait.ge [sflag:s22], $0x1000  }
0xe6: {  	[sflag:s22] =	ssyncset.done $0x0  }
0xe7: {  	s11 =	simm.s32 $0x9F00;
	[sflag:s22] =	ssyncadd.s32 $0xFFFFF000  }
0xe8: {  	[spmem:s2] =	stream.indirect.scatter.add.f32 [tilespmem:s30], [sflag:$0x11], $0x20, s11, s17, $0xb8;
	[tilespmem:$0x16F00] =	vst v63  }
0xe9: {  	_ =	swait.ge [sflag:s13], $0x1000  }
0xea: {  	[sflag:s13] =	ssyncset.done $0x0  }
0xeb: {  	[sflag:s13] =	ssyncadd.s32 $0xFFFFF000  }
0xec: {  	_ =	swait.ge [sflag:s24], $0x1000  }
0xed: {  	[sflag:s24] =	ssyncset.done $0x0  }
0xee: {  	s6 =	simm.s32 $0x9F80;
	[sflag:s24] =	ssyncadd.s32 $0xFFFFF000  }
0xef: {  	[spmem:s2] =	stream.indirect.scatter.add.f32 [tilespmem:s0], [sflag:$0x11], $0x20, s6, s17, $0xb8;
	[tilespmem:$0x16F00] =	vst v63  }
0xf0: {  	_ =	swait.ge [sflag:s13], $0x1000  }
0xf1: {  	[sflag:s13] =	ssyncset.done $0x0  }
0xf2: {  	[sflag:s13] =	ssyncadd.s32 $0xFFFFF000  }
0xf3: {  	[bflag:$0x0] =	sbarrier.arrive $0xFFFF  }
0xf4: {  	s11 =	rddreg [dreg:$0x6]  }
0xf5: {  	s6 =	rddreg [dreg:$0x9]  }
0xf6: {  	s3 =	sor.u32 $0x1C11, s11;
	s11 =	rddreg [dreg:$0xb]  }
0xf7: {  	[hbm:s6@s10], [sflag:s3] =	dma.strided [spmem:s11@s1], $0x9E0, s14, $0x4   }
0xf8: {  	_ =	swait.ge [sflag:s13], $0x9E0  }
0xf9: {  	s3 =	rddreg [dreg:$0xc]  }
0xfa: {  	s6 =	smov.u32 s11;
	s11 =	sadd.s32 $0x1, s3;
	s3 =	rddreg [dreg:$0xa]  }
0xfb: {  	p0 =	sne.s32 s11, s3  }
.Ltmp1:
0xfc: {  	_ = 	snop;
	(pc) =	sbr.rel @p0 .LBB2_1-.Ltmp1, $3  }
0xfd: {  	_ =	sdelay $0x1  }
0xfe: {  	[sflag:s13] =	ssyncset.done $0x0  }
0xff: {  	[sflag:s13] =	ssyncadd.s32 $0xFFFFF620  }
0x100: {  	_ =	sfence.sel $0x180000  }
0x101: {  	[bflag:$0x0] =	sbarrier.arrive $0xFFFF  }
0x102: {  	_ =	strace $0x9000004D  }
0x103: {  	s0 =	stileid.u32;
	[bflag:$0x2] =	sbarrier.arrive $0xFFFF  }
0x104: {  	p0 =	sne.s32 s0, $0x0;
	s0 =	rddreg [dreg:$0x3]  }
0x105: {  	s0 =	sadd.s32 @!p0 $0x100000, s0  }
0x106: {  	[sflag:s0] =	ssyncadd.tile.s32 @!p0 $0x1;
	_ =	shalt  }
.Lfunc_end2:
_tile_overlayer_lowered:
.L_overlay_start_2:
0x107: {  	(tag) =	ssettag $0x2  }
0x108: {  	s0 =	rddreg [dreg:$0x0];
	s2 =	stileid.u32  }
0x109: {  	s1 =	rddreg [dreg:$0x1];
	p0 =	sne.s32 s2, $0x0  }
0x10a: {  	s3 =	rddreg [dreg:$0x2];
	[bflag:$0x3] =	sbarrier.arrive $0xFFFF;
	s2 =	simm.s32 @!p0 $0x1C11  }
0x10b: {  	[timem:s3], [sflag:s2] =	dma.local @!p0 [hbm:s0], s1  }
0x10c: {  	s0 =	simm.s32 @!p0 $0x11  }
0x10d: {  	_ =	swait.ge @!p0 [sflag:s0], s1  }
0x10e: {  	s1 =	ssub.s32 @!p0 $0x0, s1;
	[sflag:s0] =	ssyncset.done @!p0 $0x0  }
0x10f: {  	[sflag:s0] =	ssyncadd.s32 @!p0 s1  }
0x110: {  	[bflag:$0x3] =	sbarrier.arrive $0xFFFF  }
0x111: {  	_ =	shalt  }

// kernel: kernel.8.cloned.1.call-start
scs
__scs_entry_jumppad:
0x0: {  	(pc) =	sbr.rel $0x88, $3  }
0x1: {  	(tag) =	ssettag $0x0;
	lr =	simm.s32 $0x1  }
0x2: {  	[smem:$0x3F93] =	sst lr;
	_ =	strace $0xD0000000  }
0x3: {  	_ = 	snop  }
0x4: {  	_ = 	snop  }
0x5: {  	_ = 	snop  }
0x6: {  	_ = 	snop  }
0x7: {  	_ = 	snop  }
__scs_overlays_trampoline_lowered:
0x8: {  	[smem:$0x3FA2] =	sst s0  }
0x9: {  	[smem:$0x3FA3] =	sst s1  }
0xa: {  	[smem:$0x3FA4] =	sst s2  }
0xb: {  	[smem:$0x3FA5] =	sst s3  }
0xc: {  	[smem:$0x3FA6] =	sst s4  }
0xd: {  	[smem:$0x3FA7] =	sst s5  }
0xe: {  	[smem:$0x3FA8] =	sst s6  }
0xf: {  	[smem:$0x3FA9] =	sst s7  }
0x10: {  	[smem:$0x3FAA] =	sst s8  }
0x11: {  	[smem:$0x3FAB] =	sst s9;
	s0 =	simm.s32 @!p0 $0x0  }
0x12: {  	s1 =	sld [smem:$0x3F91];
	s0 =	simm.s32 @p0 $0x1  }
0x13: {  	[smem:$0x3FAC] =	sst s0;
	s0 =	simm.s32 @!p1 $0x0  }
0x14: {  	s2 =	sld [smem:$0x3F90];
	s0 =	simm.s32 @p1 $0x1  }
0x15: {  	[smem:$0x3FAD] =	sst s0;
	s0 =	simm.s32 @!p2 $0x0  }
0x16: {  	s3 =	sld [smem:$0x3FDB];
	s0 =	simm.s32 @p2 $0x1  }
0x17: {  	s4 =	simm.s32 $0x1BF5;
	[smem:$0x3FAF] =	sst s0  }
0x18: {  	s0 =	sld [smem:$0x3F92];
	_ =	swait.ge [sflag:s4], $0x0  }
0x19: {  	s7 =	sld [smem:$0x3F93]  }
0x1a: {  	s8 =	sadd.s32 $0xFFFFE003, lr  }
0x1b: {  	s9 =	sadd.s32 $0xFFFFFEF7, lr;
	s5 =	simm.s32 $0xFFFFFFFF;
	p2 =	slt.u32 s8, $0xFFFFF086  }
0x1c: {  	p1 =	slt.u32 s9, $0xF7A;
	s5 =	simm.s32 @!p2 $0x0  }
0x1d: {  	s5 =	simm.s32 @p1 $0x1;
	p0 =	seq.s32 s7, s2  }
0x1e: {  	s7 =	smul.u32 @!p0 $0xF7A, s2;
	p2 =	seq.s32 @!p0 s5, $0x0  }
0x1f: {  	s9 =	smul.u32 $0xF7A, s1;
	s8 =	simm.s32 @!p0 $0x1BF5;
	p2 =	por !p2, p0  }
0x20: {  	[sflag:s8] =	ssyncset.s32 @!p0 $0xFFFFF086;
	s6 =	sadd.s32 @!p0 s3, s7;
	s7 =	simm.s32 @!p0 $0x108  }
0x21: {  	s3 =	sadd.s32 s3, s9;
	s6 =	sadd.s32 @!p0 $0x88, s6;
	s7 =	simm.s32 @p2 $0x1082  }
0x22: {  	[simem:s7], [sflag:s8] =	dma.local @!p0 [hbm:s6], $0xF7A  }
0x23: {  	s9 =	sor.u32 $0xD0000000, s2;
	s6 =	simm.s32 $0x108;
	_ =	swait.ge @!p0 [sflag:s8], $0x0  }
0x24: {  	s3 =	sadd.s32 $0x88, s3;
	s6 =	simm.s32 @!p1 $0x1082;
	[sflag:s4] =	ssyncset.s32 $0xFFFFF086  }
0x25: {  	[simem:s6], [sflag:s4] =	dma.local [hbm:s3], $0xF7A  }
0x26: {  	[smem:$0x3F93] =	sst s1;
	(tag) =	ssettag s2;
	_ =	strace s9  }
0x27: {  	s1 =	sld [smem:$0x3FA3]  }
0x28: {  	s2 =	sld [smem:$0x3FA4]  }
0x29: {  	s4 =	sld [smem:$0x3FA6]  }
0x2a: {  	p0 =	seq.s32 s5, $0x0;
	s5 =	sld [smem:$0x3FA7]  }
0x2b: {  	s6 =	sld [smem:$0x3FA8]  }
0x2c: {  	s7 =	sld [smem:$0x3FA9]  }
0x2d: {  	s3 =	simm.s32 $0x108;
	s8 =	sld [smem:$0x3FAA]  }
0x2e: {  	s3 =	simm.s32 @!p0 $0x1082;
	s9 =	sld [smem:$0x3FAB]  }
0x2f: {  	lr =	sadd.s32 s0, s3;
	s0 =	sld [smem:$0x3FA2]  }
0x30: {  	s3 =	sld [smem:$0x3FA5]  }
0x31: {  	[smem:$0x3FAE] =	sst s10  }
0x32: {  	s10 =	sld [smem:$0x3FAC];
	_ =	sdelay $0x3  }
0x33: {  	p0 =	seq.s32 s10, $0x1;
	s10 =	sld [smem:$0x3FAE];
	_ =	sdelay $0x3  }
0x34: {  	[smem:$0x3FAE] =	sst s10  }
0x35: {  	s10 =	sld [smem:$0x3FAD];
	_ =	sdelay $0x3  }
0x36: {  	p1 =	seq.s32 s10, $0x1;
	s10 =	sld [smem:$0x3FAE];
	_ =	sdelay $0x3  }
0x37: {  	[smem:$0x3FAE] =	sst s10  }
0x38: {  	s10 =	sld [smem:$0x3FAF]  }
0x39: {  	_ = 	snop;
	(pc) =	sbr.ind lr, $3  }
0x3a: {  	_ = 	snop  }
0x3b: {  	_ = 	snop  }
0x3c: {  	p2 =	seq.s32 s10, $0x1;
	s10 =	sld [smem:$0x3FAE]  }
0x3d: {  	_ =	shalt  }
0x3e: {  	_ =	shalt  }
0x3f: {  	_ =	shalt  }
0x40: {  	_ =	shalt  }
0x41: {  	_ =	shalt  }
0x42: {  	_ =	shalt  }
0x43: {  	_ =	shalt  }
0x44: {  	_ =	shalt  }
0x45: {  	_ =	shalt  }
0x46: {  	_ =	shalt  }
0x47: {  	_ =	shalt  }
0x48: {  	_ =	shalt  }
0x49: {  	_ =	shalt  }
0x4a: {  	_ =	shalt  }
0x4b: {  	_ =	shalt  }
0x4c: {  	_ =	shalt  }
0x4d: {  	_ =	shalt  }
0x4e: {  	_ =	shalt  }
0x4f: {  	_ =	shalt  }
0x50: {  	_ =	shalt  }
0x51: {  	_ =	shalt  }
0x52: {  	_ =	shalt  }
0x53: {  	_ =	shalt  }
0x54: {  	_ =	shalt  }
0x55: {  	_ =	shalt  }
0x56: {  	_ =	shalt  }
0x57: {  	_ =	shalt  }
0x58: {  	_ =	shalt  }
0x59: {  	_ =	shalt  }
0x5a: {  	_ =	shalt  }
0x5b: {  	_ =	shalt  }
0x5c: {  	_ =	shalt  }
0x5d: {  	_ =	shalt  }
0x5e: {  	_ =	shalt  }
0x5f: {  	_ =	shalt  }
0x60: {  	_ =	shalt  }
0x61: {  	_ =	shalt  }
0x62: {  	_ =	shalt  }
0x63: {  	_ =	shalt  }
0x64: {  	_ =	shalt  }
0x65: {  	_ =	shalt  }
0x66: {  	_ =	shalt  }
0x67: {  	_ =	shalt  }
0x68: {  	_ =	shalt  }
0x69: {  	_ =	shalt  }
0x6a: {  	_ =	shalt  }
0x6b: {  	_ =	shalt  }
0x6c: {  	_ =	shalt  }
0x6d: {  	_ =	shalt  }
0x6e: {  	_ =	shalt  }
0x6f: {  	_ =	shalt  }
0x70: {  	_ =	shalt  }
0x71: {  	_ =	shalt  }
0x72: {  	_ =	shalt  }
0x73: {  	_ =	shalt  }
0x74: {  	_ =	shalt  }
0x75: {  	_ =	shalt  }
0x76: {  	_ =	shalt  }
0x77: {  	_ =	shalt  }
0x78: {  	_ =	shalt  }
0x79: {  	_ =	shalt  }
0x7a: {  	_ =	shalt  }
0x7b: {  	_ =	shalt  }
0x7c: {  	_ =	shalt  }
0x7d: {  	_ =	shalt  }
0x7e: {  	_ =	shalt  }
0x7f: {  	_ =	shalt  }
0x80: {  	_ =	shalt  }
0x81: {  	_ =	shalt  }
0x82: {  	_ =	shalt  }
0x83: {  	_ =	shalt  }
0x84: {  	_ =	shalt  }
0x85: {  	_ =	shalt  }
0x86: {  	_ =	shalt  }
0x87: {  	_ =	shalt  }
.Lfunc_end0:
.L_simem_size_0:
called_computation_lowered:
.L_overlay_start_0:
0x88: {  	s2 =	sld [smem:$0x3FD9]  }
0x89: {  	s3 =	sld [smem:$0x3FFE];
	_ =	sdelay $0x1  }
0x8a: {  	s1 =	srdreg.scid  }
0x8b: {  	s0 =	sand.u32 $0x1, s1  }
0x8c: {  	s14 =	sshll.u32 s0, $0xA;
	s2 =	sadd.s32 s3, s2  }
0x8d: {  	s2 =	sadd.s32 s2, s14  }
0x8e: {  	[smem:$0x3FBA] =	sst s2  }
0x8f: {  	_ = 	snop  }
0x90: {  	s2 =	sld [smem:$0x3FD0];
	_ =	sdelay $0x2  }
0x91: {  	s15 =	simm.s32 $0xA;
	s4 =	simm.s32 $0x10  }
0x92: {  	[smem:s4], [sflag:s15] =	dma.local [hbm:s2], $0x1  }
0x93: {  	_ =	swait.eq [sflag:s15], $0x1  }
0x94: {  	[sflag:s15] =	ssyncset.done $0x0  }
0x95: {  	s16 =	sld [smem:$0x15];
	[sflag:s15] =	ssyncadd.s32 $0xFFFFFFFF  }
0x96: {  	s17 =	sld [smem:$0x16];
	(tm) =	ssettm $0x1  }
0x97: {  	s18 =	sld [smem:$0x3FFB];
	_ =	sdelay $0x3  }
0x98: {  	_ =	strace s18  }
0x99: {  	s4 =	sld [smem:$0x3FFC];
	_ =	sdelay $0x3  }
0x9a: {  	_ =	strace s4  }
0x9b: {  	s4 =	sld [smem:$0x3FFD];
	_ =	sdelay $0x3  }
0x9c: {  	_ =	strace s4  }
0x9d: {  	_ =	strace $0x8FFFFFFF  }
0x9e: {  	s19 =	sld [smem:$0x3FDB];
	_ =	sdelay $0x1  }
0x9f: {  	s5 =	simm.s32 $_scs_section_size  }
0xa0: {  	s6 =	simm.s32 $_size__tile_overlayer_lowered;
	s7 =	simm.s32 $_tile_overlayer_lowered  }
0xa1: {  	s22 =	simm.s32 $0x1BFF;
	s21 =	sshll.u32 s7, $0x1;
	s4 =	sadd.s32 s5, s19  }
0xa2: {  	s8 =	simm.s32 $0x0;
	s20 =	sshll.u32 s6, $0x1;
	s6 =	sadd.s32 s21, s4  }
0xa3: {  	[timem:s8], [sflag:s22] =	dma.local [hbm:s6], s20  }
0xa4: {  	_ =	swait.ge [sflag:s22], s20  }
0xa5: {  	s5 =	ssub.s32 $0x0, s20;
	[sflag:s22] =	ssyncset.done $0x0  }
0xa6: {  	[sflag:s22] =	ssyncadd.s32 s5;
	_ =	sdelay $0x1  }
0xa7: {  	s23 =	simm.s32 $0x1B8B  }
0xa8: {  	_ =	swait.ge [sflag:s23], $0x1  }
0xa9: {  	[sflag:s23] =	ssyncset.done $0x0  }
0xaa: {  	s25 =	simm.s32 $0x1B8E;
	s24 =	sld [smem:$0x3FFE];
	[sflag:s23] =	ssyncadd.s32 $0xFFFFFFFF  }
0xab: {  	s26 =	simm.s32 $execute0_lowered;
	[smem:$0x3FD2] =	sst s25  }
0xac: {  	s6 =	sshll.u32 s26, $0x1;
	_ =	strace $0x80000046;
	[dreg:$0x1] =	wrdreg $0xFFFFFFFF  }
0xad: {  	s28 =	simm.s32 $_size_execute0_lowered;
	s4 =	sadd.s32 s4, s6;
	[dreg:$0x0] =	wrdreg $0x0  }
0xae: {  	s6 =	sshll.u32 s28, $0x1;
	[dreg:$0x2] =	wrdreg s4  }
0xaf: {  	[dreg:$0x3] =	wrdreg s6  }
0xb0: {  	[dreg:$0x4] =	wrdreg $0xC0  }
0xb1: {  	_ =	task [dreg:s8], $0x5FFFF  }
0xb2: {  	[dreg:$0x1] =	wrdreg $0xFFFFFFFF  }
0xb3: {  	[dreg:$0x0] =	wrdreg $0x60  }
0xb4: {  	[dreg:$0x2] =	wrdreg s24  }
0xb5: {  	[dreg:$0x3] =	wrdreg s16  }
0xb6: {  	[dreg:$0x4] =	wrdreg s17  }
0xb7: {  	[dreg:$0x5] =	wrdreg $0x30000  }
0xb8: {  	[dreg:$0x6] =	wrdreg $0x9  }
0xb9: {  	_ =	task.clear_ibuf [dreg:s8], $0x7FFFF;
	_ =	strace $0x90000046  }
0xba: {  	s29 =	simm.s32 $0x9;
	_ =	strace $0x80000048  }
0xbb: {  	_ =	swait.ge [sflag:s29], $0x1  }
0xbc: {  	[sflag:s29] =	ssyncadd.s32 $0xFFFFFFFF  }
0xbd: {  	_ =	strace $0x90000048  }
0xbe: {  	_ =	sfence  }
0xbf: {  	s30 =	sld [smem:$0x0];
	_ =	sdelay $0x2  }
0xc0: {  	s31 =	sshll.u32 s1, $0xD;
	s1 =	sshrl.u32 s1, $0x2  }
0xc1: {  	s3 =	sand.u32 $0x4000, s31;
	s1 =	sadd.s32 s1, s30  }
0xc2: {  	s0 =	sor.u32 s3, s0;
	s1 =	sshll.u32 s1, $0x11  }
0xc3: {  	s0 =	sor.u32 s1, s0  }
0xc4: {  	s0 =	sadd.s32 $0x8F2B, s0  }
0xc5: {  	[sflag:s0] =	ssyncadd.remote.s32 $0x1  }
0xc6: {  	_ =	sfence.sel $0xFFFF  }
0xc7: {  	[dreg:$0x0] =	wrdreg $0xFFFFFFFF;
	(pc) =	sbr.abs _section_cstart, $3  }
0xc8: {  	[dreg:$0x1] =	wrdreg $0xFFFFFFFF  }
0xc9: {  	_ =	task.clear_ibuf [dreg:s8], $0x2FFFF;
	_ =	strace $0x9FFFFFFF  }
0xca: {  	(tm) =	ssettm $0x7FFFFFFF  }
0xcb: {  	_ =	shalt  }
tec
execute0_lowered:
.L_overlay_start_1:
0x0: {  	(tag) =	ssettag $0x1  }
0x1: {  	s5 =	rddreg [dreg:$0x0]  }
0x2: {  	s1 =	rddreg [dreg:$0x1]  }
0x3: {  	s6 =	rddreg [dreg:$0x2]  }
0x4: {  	s2 =	rddreg [dreg:$0x3]  }
0x5: {  	s0 =	rddreg [dreg:$0x4];
	s4 =	simm.s32 $0x0  }
0x6: {  	s7 =	srdreg.scid;
	s3 =	stileid.u32;
	s12 =	simm.s32 $0x1  }
0x7: {  	s13 =	simm.s32 $0x2;
	s14 =	simm.s32 $0x3;
	s15 =	simm.s32 $0x80  }
0x8: {  	s16 =	simm.s32 $0x100;
	s17 =	simm.s32 $0x180;
	s18 =	simm.s32 $0x4  }
0x9: {  	s20 =	simm.s32 $0x10;
	s21 =	simm.s32 $0x5;
	s22 =	simm.s32 $0x0  }
0xa: {  	[smem:$0x7FF] =	sst s4;
	s7 =	sand.u32 $0x1, s7;
	s9 =	smul.u32 $0x13C00, s3  }
0xb: {  	s8 =	sshll.u32 s3, $0x1;
	s11 =	smul.u32 $0x2780, s3;
	s19 =	sshll.u32 s3, $0x6  }
0xc: {  	_ =	strace $0x80000047;
	s8 =	sor.u32 s7, s8;
	s10 =	sshll.u32 s7, $0x4  }
0xd: {  	s7 =	ssub.s32 $0x2, s7;
	s8 =	smul.u32 $0x500, s8;
	s9 =	sor.u32 s10, s9  }
0xe: {  	s30 =	sshrl.u32 s7, $0x1;
	s31 =	sshrl.u32 s11, $0x3;
	s11 =	sadd.s32 s11, s2  }
0xf: {  	s9 =	sshrl.u32 s9, $0x3;
	s10 =	ssub.s32 s7, s30;
	s6 =	sadd.s32 s6, s31  }
0x10: {  	s7 =	sor.u32 $0x1C03, s19;
	s11 =	sshrl.u32 s11, $0x3;
	s8 =	sadd.s32 s8, s5  }
0x11: {  	s19 =	sor.u32 $0x1C05, s19;
	s9 =	sadd.s32 s9, s5;
	s5 =	sadd.s32 $0xE000, s8  }
0x12: {  	s8 =	sadd.s32 $0x18000, s9;
	s9 =	smax.u32 s10, $0x1;
	s10 =	simm.s32 $0x2800  }
.LBB2_1:
0x13: {  	[tilespmem:s4], [sflag:$0x1] =	stream.linear.gather [hbm4b:s5+s4], $0x2800, $0x38;
	[tilespmem:$0x5780] =	vst v63  }
0x14: {  	_ = 	snop  }
0x15: {  	[tilespmem:s10], [sflag:$0x2] =	stream.linear.gather [hbm4b:s1+s4], $0x800, $0x38;
	[tilespmem:$0x5780] =	vst v63  }
0x16: {  	[spmem:s11], [sflag:s7] =	dma.local [hbm:s6], $0x4F0  }
0x17: {  	_ =	swait.ge [sflag:s12], $0x2800  }
0x18: {  	[sflag:s12] =	ssyncset.done $0x0  }
0x19: {  	[sflag:s12] =	ssyncadd.s32 $0xFFFFD800  }
0x1a: {  	_ =	swait.ge [sflag:s13], $0x800  }
0x1b: {  	[sflag:s13] =	ssyncset.done $0x0  }
0x1c: {  	[sflag:s13] =	ssyncadd.s32 $0xFFFFF800  }
0x1d: {  	_ =	swait.ge [sflag:s14], $0x4F0  }
0x1e: {  	[sflag:s14] =	ssyncset.done $0x0  }
0x1f: {  	[sflag:s14] =	ssyncadd.s32 $0xFFFFFB10  }
0x20: {  	[bflag:$0x0] =	sbarrier.arrive $0xFFFF  }
0x21: {  	[spmem:s2] =	stream.indirect.scatter.add.f32 [tilespmem:s10], [sflag:$0x1], $0x10, s4, s15, $0xb8;
	[tilespmem:$0x5780] =	vst v63  }
0x22: {  	_ = 	snop  }
0x23: {  	[spmem:s2] =	stream.indirect.scatter.add.f32 [tilespmem:s10], [sflag:$0x2], $0x10, s15, s15, $0xb8;
	[tilespmem:$0x5780] =	vst v63  }
0x24: {  	_ = 	snop  }
0x25: {  	[spmem:s2] =	stream.indirect.scatter.add.f32 [tilespmem:s10], [sflag:$0x3], $0x10, s16, s15, $0xb8;
	[tilespmem:$0x5780] =	vst v63  }
0x26: {  	_ = 	snop  }
0x27: {  	[spmem:s2] =	stream.indirect.scatter.add.f32 [tilespmem:s10], [sflag:$0x4], $0x10, s17, s15, $0xb8;
	[tilespmem:$0x5780] =	vst v63  }
0x28: {  	_ =	swait.ge [sflag:s12], $0x800  }
0x29: {  	[sflag:s12] =	ssyncset.done $0x0  }
0x2a: {  	s23 =	simm.s32 $0x200;
	[sflag:s12] =	ssyncadd.s32 $0xFFFFF800  }
0x2b: {  	[spmem:s2] =	stream.indirect.scatter.add.f32 [tilespmem:s10], [sflag:$0x1], $0x10, s23, s15, $0xb8;
	[tilespmem:$0x5780] =	vst v63  }
0x2c: {  	_ =	swait.ge [sflag:s13], $0x800  }
0x2d: {  	[sflag:s13] =	ssyncset.done $0x0  }
0x2e: {  	s30 =	simm.s32 $0x280;
	[sflag:s13] =	ssyncadd.s32 $0xFFFFF800  }
0x2f: {  	[spmem:s2] =	stream.indirect.scatter.add.f32 [tilespmem:s10], [sflag:$0x2], $0x10, s30, s15, $0xb8;
	[tilespmem:$0x5780] =	vst v63  }
0x30: {  	_ =	swait.ge [sflag:s14], $0x800  }
0x31: {  	[sflag:s14] =	ssyncset.done $0x0  }
0x32: {  	s31 =	simm.s32 $0x300;
	[sflag:s14] =	ssyncadd.s32 $0xFFFFF800  }
0x33: {  	[spmem:s2] =	stream.indirect.scatter.add.f32 [tilespmem:s10], [sflag:$0x3], $0x10, s31, s15, $0xb8;
	[tilespmem:$0x5780] =	vst v63  }
0x34: {  	_ =	swait.ge [sflag:s18], $0x800  }
0x35: {  	[sflag:s18] =	ssyncset.done $0x0  }
0x36: {  	s24 =	simm.s32 $0x380;
	s23 =	simm.s32 $0xFFFF7000;
	[sflag:s18] =	ssyncadd.s32 $0xFFFFF800  }
.LBB2_2:
0x37: {  	[spmem:s2] =	stream.indirect.scatter.add.f32 [tilespmem:s10], [sflag:$0x4], $0x10, s24, s15, $0xb8;
	[tilespmem:$0x5780] =	vst v63  }
0x38: {  	s24 =	smov.u32 s23  }
0x39: {  	p0 =	sne.s32 s23, $0xFFFFF800;
	s23 =	sadd.s32 $0x800, s23;
	_ =	swait.ge [sflag:s12], $0x800  }
0x3a: {  	s24 =	sshra.s32 s24, $0x2;
	[sflag:s12] =	ssyncset.done $0x0  }
0x3b: {  	s25 =	sadd.s32 $0x2800, s24;
	[sflag:s12] =	ssyncadd.s32 $0xFFFFF800  }
0x3c: {  	[spmem:s2] =	stream.indirect.scatter.add.f32 [tilespmem:s10], [sflag:$0x1], $0x10, s25, s15, $0xb8;
	[tilespmem:$0x5780] =	vst v63  }
0x3d: {  	_ =	swait.ge [sflag:s13], $0x800  }
0x3e: {  	[sflag:s13] =	ssyncset.done $0x0  }
0x3f: {  	s25 =	sadd.s32 $0x2880, s24;
	[sflag:s13] =	ssyncadd.s32 $0xFFFFF800  }
0x40: {  	[spmem:s2] =	stream.indirect.scatter.add.f32 [tilespmem:s10], [sflag:$0x2], $0x10, s25, s15, $0xb8;
	[tilespmem:$0x5780] =	vst v63  }
0x41: {  	_ =	swait.ge [sflag:s14], $0x800  }
0x42: {  	[sflag:s14] =	ssyncset.done $0x0  }
.Ltmp0:
0x43: {  	s25 =	sadd.s32 $0x2900, s24;
	[sflag:s14] =	ssyncadd.s32 $0xFFFFF800;
	(pc) =	sbr.rel @p0 .LBB2_2-.Ltmp0, $4  }
0x44: {  	[spmem:s2] =	stream.indirect.scatter.add.f32 [tilespmem:s10], [sflag:$0x3], $0x10, s25, s15, $0xb8;
	[tilespmem:$0x5780] =	vst v63  }
0x45: {  	_ =	swait.ge [sflag:s18], $0x800  }
0x46: {  	[sflag:s18] =	ssyncset.done $0x0  }
0x47: {  	s24 =	sadd.s32 $0x2980, s24;
	[sflag:s18] =	ssyncadd.s32 $0xFFFFF800  }
0x48: {  	[spmem:s2] =	stream.indirect.scatter.add.f32 [tilespmem:s10], [sflag:$0x4], $0x10, s24, s15, $0xb8;
	[tilespmem:$0x5780] =	vst v63  }
0x49: {  	_ =	swait.ge [sflag:s12], $0x800  }
0x4a: {  	[sflag:s12] =	ssyncset.done $0x0  }
0x4b: {  	[sflag:s12] =	ssyncadd.s32 $0xFFFFF800  }
0x4c: {  	_ =	swait.ge [sflag:s13], $0x800  }
0x4d: {  	[sflag:s13] =	ssyncset.done $0x0  }
0x4e: {  	[sflag:s13] =	ssyncadd.s32 $0xFFFFF800  }
0x4f: {  	_ =	swait.ge [sflag:s14], $0x800  }
0x50: {  	[sflag:s14] =	ssyncset.done $0x0  }
0x51: {  	[sflag:s14] =	ssyncadd.s32 $0xFFFFF800  }
0x52: {  	_ =	swait.ge [sflag:s18], $0x800  }
0x53: {  	s22 =	sadd.s32 $0x1, s22;
	[sflag:s18] =	ssyncset.done $0x0  }
0x54: {  	p0 =	sne.s32 s22, s9;
	[sflag:s18] =	ssyncadd.s32 $0xFFFFF800  }
.Ltmp1:
0x55: {  	[bflag:$0x0] =	sbarrier.arrive $0xFFFF;
	(pc) =	sbr.rel @p0 .LBB2_1-.Ltmp1, $4  }
0x56: {  	[hbm:s8@s20], [sflag:s19] =	dma.strided [spmem:s11@s13], $0x4F0, s12, $0x2   }
0x57: {  	_ =	swait.ge [sflag:s21], $0x4F0  }
0x58: {  	[sflag:s21] =	ssyncset.done $0x0  }
0x59: {  	[sflag:s21] =	ssyncadd.s32 $0xFFFFFB10  }
0x5a: {  	_ =	sfence.sel $0x180000  }
0x5b: {  	[bflag:$0x0] =	sbarrier.arrive $0xFFFF  }
0x5c: {  	p0 =	sne.s32 s3, $0x0;
	_ =	strace $0x90000047  }
0x5d: {  	s0 =	sadd.s32 @!p0 $0x100000, s0;
	[bflag:$0x2] =	sbarrier.arrive $0xFFFF  }
0x5e: {  	[sflag:s0] =	ssyncadd.tile.s32 @!p0 $0x1;
	_ =	shalt  }
.Lfunc_end2:
_tile_overlayer_lowered:
.L_overlay_start_2:
0x5f: {  	(tag) =	ssettag $0x2  }
0x60: {  	s0 =	rddreg [dreg:$0x0];
	s2 =	stileid.u32  }
0x61: {  	s1 =	rddreg [dreg:$0x1];
	p0 =	sne.s32 s2, $0x0  }
0x62: {  	s3 =	rddreg [dreg:$0x2];
	[bflag:$0x3] =	sbarrier.arrive $0xFFFF;
	s2 =	simm.s32 @!p0 $0x1C05  }
0x63: {  	[timem:s3], [sflag:s2] =	dma.local @!p0 [hbm:s0], s1  }
0x64: {  	s0 =	simm.s32 @!p0 $0x5  }
0x65: {  	_ =	swait.ge @!p0 [sflag:s0], s1  }
0x66: {  	s1 =	ssub.s32 @!p0 $0x0, s1;
	[sflag:s0] =	ssyncset.done @!p0 $0x0  }
0x67: {  	[sflag:s0] =	ssyncadd.s32 @!p0 s1  }
0x68: {  	[bflag:$0x3] =	sbarrier.arrive $0xFFFF  }
0x69: {  	_ =	shalt  }

</sc_bundles>
